<compile_context>
chip_gen: v7x
topology: tpu7x:2x2x1
jax: 0.10.2.dev20260603
libtpu: 0.0.44.dev20260713+nightly
codegen_flags: <defaults>
</compile_context>

<pallas_src>
import functools

import jax
import jax.numpy as jnp
from jax import lax
from jax.experimental import pallas as pl
from jax.experimental.pallas import tpu as pltpu
from jax.experimental.pallas import tpu_sc as plsc

_NC, _NS = 2, 16
_NW = _NC * _NS
_CH = 128
_CPT = 80
_NWIN = 2


def _sc_mesh():
    return plsc.VectorSubcoreMesh(
        core_axis_name="c", subcore_axis_name="s",
        num_cores=_NC, num_subcores=_NS)


def _make_deg_kernel(N):
    rpt = N // _NS
    ng = _CPT // 8

    @functools.partial(
        pl.kernel,
        out_type=jax.ShapeDtypeStruct((_NC, N, 128), jnp.float32),
        mesh=_sc_mesh(),
        scratch_types=[
            pltpu.VMEM_SHARED((N, 128), jnp.float32),
            pltpu.VMEM((_CPT, _CH), jnp.int32),
            pltpu.VMEM((_CH, 128), jnp.float32),
            pltpu.SemaphoreType.DMA,
        ],
    )
    def deg_kernel(dst_hbm, zeros_hbm, ones_hbm, out_hbm, acc, didx, ones_v,
                   sem_s):
        c = lax.axis_index("c")
        s = lax.axis_index("s")
        wid = s * _NC + c
        pltpu.sync_copy(zeros_hbm.at[pl.ds(s * rpt, rpt)],
                        acc.at[pl.ds(s * rpt, rpt)])
        pltpu.sync_copy(ones_hbm, ones_v)
        pltpu.sync_copy(dst_hbm.at[pl.ds(wid * _CPT, _CPT)], didx)
        plsc.subcore_barrier()

        def drain8():
            for _ in range(8):
                pltpu.make_async_copy(ones_v, acc.at[pl.ds(0, _CH)],
                                      sem_s).wait()

        def body(g, carry):
            @pl.when(g > 0)
            def _():
                drain8()
            for b in range(8):
                pltpu.async_copy(ones_v, acc.at[didx.at[g * 8 + b]], sem_s,
                                 add=True)
            return carry

        lax.fori_loop(0, ng, body, 0)
        drain8()
        plsc.subcore_barrier()
        pltpu.sync_copy(acc.at[pl.ds(s * rpt, rpt)],
                        out_hbm.at[c, pl.ds(s * rpt, rpt)])

    return deg_kernel


def _make_scatter_kernel(N, D):
    rpt = N // _NS
    wch = _CPT // _NWIN
    np2 = wch // 2

    @functools.partial(
        pl.kernel,
        out_type=jax.ShapeDtypeStruct((_NC, N, D), jnp.float32),
        mesh=_sc_mesh(),
        scratch_types=[
            pltpu.VMEM_SHARED((N, D), jnp.float32),
            pltpu.VMEM((wch, _CH), jnp.int32),
            pltpu.VMEM((wch, _CH), jnp.int32),
            pltpu.VMEM((2, _CH, D), jnp.float32),
            pltpu.SemaphoreType.DMA,
            pltpu.SemaphoreType.DMA,
            pltpu.SemaphoreType.DMA,
        ],
    )
    def scat_kernel(hs_hbm, src_hbm, dst_hbm, zeros_hbm, out_hbm,
                    acc, sidx, didx, rows, sem_g, sem_sa, sem_sb):
        c = lax.axis_index("c")
        s = lax.axis_index("s")
        wid = s * _NC + c
        pltpu.sync_copy(zeros_hbm.at[pl.ds(s * rpt, rpt)],
                        acc.at[pl.ds(s * rpt, rpt)])

        def fire_gather(g, buf):
            return pltpu.async_copy(hs_hbm.at[sidx.at[g]], rows.at[buf],
                                    sem_g, priority=1)

        def drain_gather(g, buf):
            pltpu.make_async_copy(hs_hbm.at[pl.ds(0, _CH)], rows.at[buf],
                                  sem_g).wait()

        def fire_scatter(g, buf, sem):
            return pltpu.async_copy(rows.at[buf], acc.at[didx.at[g]], sem,
                                    add=True, priority=1)

        def drain_scatter(g, buf, sem):
            pltpu.make_async_copy(rows.at[buf], acc.at[pl.ds(0, _CH)],
                                  sem).wait()

        def pair_body(p, carry):
            g0 = 2 * p
            g1 = 2 * p + 1
            drain_gather(g0, 0)
            sa = fire_scatter(g0, 0, sem_sa)
            @pl.when(p > 0)
            def _():
                drain_scatter(g1 - 2, 1, sem_sb)
            fire_gather(g1, 1)
            drain_gather(g1, 1)
            fire_scatter(g1, 1, sem_sb)
            sa.wait()
            @pl.when(p + 1 < np2)
            def _():
                fire_gather(g0 + 2, 0)
            return carry

        for w in range(_NWIN):
            base = wid * _CPT + w * wch
            pltpu.sync_copy(src_hbm.at[pl.ds(base, wch)], sidx)
            pltpu.sync_copy(dst_hbm.at[pl.ds(base, wch)], didx)
            fire_gather(0, 0)
            if w == 0:
                plsc.subcore_barrier()
            lax.fori_loop(0, np2, pair_body, 0)
            drain_scatter(wch - 1, 1, sem_sb)
        plsc.subcore_barrier()
        pltpu.sync_copy(acc.at[pl.ds(s * rpt, rpt)],
                        out_hbm.at[c, pl.ds(s * rpt, rpt)])

    return scat_kernel


def _full(shape):
    return pl.BlockSpec(shape, lambda i: (0,) * len(shape))


def _tc_mm(x, W, scale):
    N = x.shape[0]
    D = W.shape[1]

    if scale is None:
        def body(x_ref, w_ref, out_ref):
            out_ref[...] = jnp.dot(x_ref[...], w_ref[...],
                                   preferred_element_type=jnp.float32)
        args = (x, W)
    else:
        def body(x_ref, w_ref, s_ref, out_ref):
            out_ref[...] = s_ref[...] * jnp.dot(
                x_ref[...], w_ref[...], preferred_element_type=jnp.float32)
        args = (x, W, scale)

    return pl.pallas_call(
        body, out_shape=jax.ShapeDtypeStruct((N, D), jnp.float32))(*args)


def _tc_mid(sp, hs, dinv_p, b, g, be, Wn):
    N, D = hs.shape
    Dn = Wn.shape[1]

    def body(sp_ref, hs_ref, dinv_ref, b_ref, g_ref, be_ref, w_ref, out_ref):
        dinv = dinv_ref[...]
        a = dinv * (sp_ref[0] + sp_ref[1] + hs_ref[...]) + b_ref[...]
        mu = jnp.mean(a, axis=0, keepdims=True)
        var = jnp.mean(a * a, axis=0, keepdims=True) - mu * mu
        hn = g_ref[...] * (a - mu) * lax.rsqrt(var + 1e-5) + be_ref[...]
        hn = jnp.maximum(hn, 0.0)
        out_ref[...] = dinv * jnp.dot(hn, w_ref[...],
                                      preferred_element_type=jnp.float32)

    return pl.pallas_call(
        body,
        grid=(1,),
        out_shape=jax.ShapeDtypeStruct((N, Dn), jnp.float32),
        in_specs=[_full((2, N, D)), _full((N, D)), _full((N, 1)),
                  _full((1, D)), _full((1, D)), _full((1, D)),
                  _full(Wn.shape)],
        out_specs=_full((N, Dn)),
    )(sp, hs, dinv_p, b, g, be, Wn)


def _tc_fin(sp, hs, dinv_p, b, Do):
    N, D = hs.shape

    def body(sp_ref, hs_ref, dinv_ref, b_ref, out_ref):
        dinv = dinv_ref[...]
        a = dinv * (sp_ref[0] + sp_ref[1] + hs_ref[...]) + b_ref[...]
        a = a[:, :Do]
        m = jnp.max(a, axis=-1, keepdims=True)
        e = jnp.exp(a - m)
        out_ref[...] = e / jnp.sum(e, axis=-1, keepdims=True)

    return pl.pallas_call(
        body,
        grid=(1,),
        out_shape=jax.ShapeDtypeStruct((N, Do), jnp.float32),
        in_specs=[_full((2, N, D)), _full((N, D)), _full((N, 1)),
                  _full((1, D))],
        out_specs=_full((N, Do)),
    )(sp, hs, dinv_p, b)


def kernel(x, edge_index, W1, b1, g1, be1, W2, b2, g2, be2, W3, b3):
    N = x.shape[0]
    E = edge_index.shape[1]
    Dh = W1.shape[1]
    Do = W3.shape[1]
    src = edge_index[0]
    dst = edge_index[1]

    Np = ((N + 127) // 128) * 128

    Ep = _NW * _CPT * _CH
    npad = Ep - E
    pad_src = (jnp.arange(npad, dtype=jnp.int32) % N)
    pad_dst = N + (jnp.arange(npad, dtype=jnp.int32) % (Np - N))
    src2d = jnp.concatenate([src, pad_src]).reshape(_NW * _CPT, _CH)
    dst2d = jnp.concatenate([dst, pad_dst]).reshape(_NW * _CPT, _CH)

    ones128 = jnp.ones((_CH, 128), jnp.float32)
    zerosH = jnp.zeros((Np, Dh), jnp.float32)
    W3p = jnp.pad(W3, ((0, 0), (0, Dh - Do)))

    dp = _make_deg_kernel(Np)(dst2d, zerosH, ones128)
    dinv = lax.rsqrt(dp[0, :N, 0:1] + dp[1, :N, 0:1] + 1.0)

    scat = _make_scatter_kernel(Np, Dh)
    hs1 = _tc_mm(x, W1, dinv)
    sp1 = scat(hs1, src2d, dst2d, zerosH)
    hs2 = _tc_mid(sp1, hs1, dinv, b1.reshape(1, -1), g1.reshape(1, -1),
                  be1.reshape(1, -1), W2)
    sp2 = scat(hs2, src2d, dst2d, zerosH)
    hs3 = _tc_mid(sp2, hs2, dinv, b2.reshape(1, -1), g2.reshape(1, -1),
                  be2.reshape(1, -1), W3p)
    sp3 = scat(hs3, src2d, dst2d, zerosH)
    return _tc_fin(sp3, hs3, dinv, jnp.pad(b3, (0, Dh - Do)).reshape(1, -1),
                   Do)

# --- scband reference (transcript-rebuilt; emitter-appended) ---
"""Pipeline reference for scband-dapsgnn-90941637525589 (READ-ONLY COPY).

The authoritative reference and input builder live on the scoring server;
editing this copy changes nothing except your own understanding.
"""

import jax, jax.numpy as jnp
import numpy as np

N = 10000
E = 320000
D_IN = 128
D_HID = 128
D_OUT = 64


def setup_inputs(seed: int = 0) -> dict:
    key = jax.random.key(seed)
    ks = jax.random.split(key, 8)
    inp = {}
    inp['x'] = jax.random.normal(ks[0], (N, D_IN), dtype=jnp.float32)
    inp['edge_index'] = jax.random.randint(ks[1], (2, E), 0, N, dtype=jnp.int32)
    inp['W1'] = jax.random.normal(ks[2], (D_IN, D_HID), dtype=jnp.float32) * (1.0 / np.sqrt(D_IN))
    inp['b1'] = jnp.zeros((D_HID,), dtype=jnp.float32)
    inp['g1'] = jnp.ones((D_HID,), dtype=jnp.float32)
    inp['be1'] = jnp.zeros((D_HID,), dtype=jnp.float32)
    inp['W2'] = jax.random.normal(ks[3], (D_HID, D_HID), dtype=jnp.float32) * (1.0 / np.sqrt(D_HID))
    inp['b2'] = jnp.zeros((D_HID,), dtype=jnp.float32)
    inp['g2'] = jnp.ones((D_HID,), dtype=jnp.float32)
    inp['be2'] = jnp.zeros((D_HID,), dtype=jnp.float32)
    inp['W3'] = jax.random.normal(ks[4], (D_HID, D_OUT), dtype=jnp.float32) * (1.0 / np.sqrt(D_HID))
    inp['b3'] = jnp.zeros((D_OUT,), dtype=jnp.float32)
    return inp


def _gcn_conv(x, edge_index, W, b):
    # PyG GCNConv: add self-loops, symmetric normalization D^-1/2 (A+I) D^-1/2 X W + b
    h = x @ W
    src = edge_index[0]
    dst = edge_index[1]
    loop = jnp.arange(N, dtype=src.dtype)
    src = jnp.concatenate([src, loop])
    dst = jnp.concatenate([dst, loop])
    deg = jax.ops.segment_sum(jnp.ones_like(dst, dtype=h.dtype), dst, num_segments=N)
    dinv = jnp.where(deg > 0, 1.0 / jnp.sqrt(deg), 0.0)
    norm = dinv[src] * dinv[dst]
    msg = h[src] * norm[:, None]
    out = jax.ops.segment_sum(msg, dst, num_segments=N)
    return out + b


def _batch_norm(x, gamma, beta, eps=1e-5):
    mu = jnp.mean(x, axis=0)
    var = jnp.var(x, axis=0)  # biased, matches torch BN normalization
    return gamma * (x - mu) / jnp.sqrt(var + eps) + beta


def reference(x, edge_index, W1, b1, g1, be1, W2, b2, g2, be2, W3, b3):
    h = _gcn_conv(x, edge_index, W1, b1)
    h = _batch_norm(h, g1, be1)
    h = jax.nn.relu(h)
    h = _gcn_conv(h, edge_index, W2, b2)
    h = _batch_norm(h, g2, be2)
    h = jax.nn.relu(h)
    h = _gcn_conv(h, edge_index, W3, b3)
    return jax.nn.softmax(h, axis=-1)

if __name__ == "__main__":
    import jax
    _d = setup_inputs()
    print(jax.jit(kernel)(*tuple(_d.values())))

</pallas_src>

<mosaic_0001>
#map = affine_map<(d0, d1) -> (0, 0)>
#map1 = affine_map<(d0, d1) -> (0, 0, 0)>
module attributes {stable_mosaic.version = 14 : i64} {
  func.func @scat_kernel(%arg0: i32, %arg1: i32, %arg2: memref<10000x128xf32, #tpu.memory_space<hbm>>, %arg3: memref<2560x128xi32, #tpu.memory_space<hbm>>, %arg4: memref<2560x128xi32, #tpu.memory_space<hbm>>, %arg5: memref<10112x128xf32, #tpu.memory_space<hbm>>, %arg6: memref<2x10112x128xf32, #tpu.memory_space<hbm>>, %arg7: memref<10112x128xf32, #tpu.memory_space<vmem_shared>>, %arg8: memref<40x128xi32, #tpu.memory_space<vmem>>, %arg9: memref<40x128xi32, #tpu.memory_space<vmem>>, %arg10: memref<2x128x128xf32, #tpu.memory_space<vmem>>, %arg11: memref<!tpu.dma_semaphore, #tpu.memory_space<semaphore_mem>>, %arg12: memref<!tpu.dma_semaphore, #tpu.memory_space<semaphore_mem>>, %arg13: memref<!tpu.dma_semaphore, #tpu.memory_space<semaphore_mem>>) attributes {dimension_semantics = [#tpu.dimension_semantics<core_parallel>, #tpu.dimension_semantics<subcore_parallel>], iteration_bounds = array<i64: 2, 16>, scalar_prefetch = 0 : i64, scratch_operands = 7 : i64, tpu.core_type = #tpu.core_type<sc_vector_subcore>, window_params = [{transform_indices = #map}, {transform_indices = #map}, {transform_indices = #map}, {transform_indices = #map}, {transform_indices = #map1}]} {
    %mul3A = arith.constant 2 : i32
    %mul3A_0 = arith.muli %arg1, %mul3A : i32
    %add3A = arith.addi %mul3A_0, %arg0 : i32
    %mul3A_1 = arith.constant 632 : i32
    %mul3A_2 = arith.muli %arg1, %mul3A_1 : i32
    %mul3A_3 = arith.constant 632 : i32
    %mul3A_4 = arith.muli %arg1, %mul3A_3 : i32
    "tpu.region"() ({
      %run_scoped3A = tpu.sem_alloc : memref<!tpu.dma_semaphore, #tpu.memory_space<semaphore_mem>>
      %dma_start3A_81 = arith.constant 0 : i32
      %dma_start3A_82 = tpu.memref_slice %arg7[%mul3A_4, %dma_start3A_81] : memref<10112x128xf32, #tpu.memory_space<vmem_shared>> -> memref<632x128xf32, #tpu.memory_space<vmem_shared>>
      %dma_start3A_83 = arith.constant 0 : i32
      %dma_start3A_84 = tpu.memref_slice %arg5[%mul3A_2, %dma_start3A_83] : memref<10112x128xf32, #tpu.memory_space<hbm>> -> memref<632x128xf32, #tpu.memory_space<hbm>>
      tpu.enqueue_dma source(%dma_start3A_84 : memref<632x128xf32, #tpu.memory_space<hbm>>) target(%dma_start3A_82 : memref<632x128xf32, #tpu.memory_space<vmem_shared>>) target_semaphore(%run_scoped3A : memref<!tpu.dma_semaphore, #tpu.memory_space<semaphore_mem>>)
      %dma_wait3A_85 = arith.constant 0 : i32
      %dma_wait3A_86 = tpu.memref_slice %arg7[%mul3A_4, %dma_wait3A_85] : memref<10112x128xf32, #tpu.memory_space<vmem_shared>> -> memref<632x128xf32, #tpu.memory_space<vmem_shared>>
      %dma_wait3A_87 = arith.constant 0 : i32
      %dma_wait3A_88 = tpu.memref_slice %arg5[%mul3A_2, %dma_wait3A_87] : memref<10112x128xf32, #tpu.memory_space<hbm>> -> memref<632x128xf32, #tpu.memory_space<hbm>>
      tpu.wait_dma2 semaphore(%run_scoped3A : memref<!tpu.dma_semaphore, #tpu.memory_space<semaphore_mem>>) src(%dma_wait3A_88 : memref<632x128xf32, #tpu.memory_space<hbm>>) dst(%dma_wait3A_86 : memref<632x128xf32, #tpu.memory_space<vmem_shared>>)
      tpu.yield
    }) : () -> ()
    %mul3A_5 = arith.constant 80 : i32
    %mul3A_6 = arith.muli %add3A, %mul3A_5 : i32
    %add3A_7 = arith.constant 0 : i32
    %add3A_8 = arith.addi %mul3A_6, %add3A_7 : i32
    "tpu.region"() ({
      %run_scoped3A = tpu.sem_alloc : memref<!tpu.dma_semaphore, #tpu.memory_space<semaphore_mem>>
      %dma_start3A_81 = arith.constant 0 : i32
      %dma_start3A_82 = tpu.memref_slice %arg3[%add3A_8, %dma_start3A_81] : memref<2560x128xi32, #tpu.memory_space<hbm>> -> memref<40x128xi32, #tpu.memory_space<hbm>>
      %dma_start3A_83 = arith.constant 0 : i32
      %dma_start3A_84 = tpu.memref_slice %arg3[%add3A_8, %dma_start3A_83] : memref<2560x128xi32, #tpu.memory_space<hbm>> -> memref<40x128xi32, #tpu.memory_space<hbm>>
      tpu.enqueue_dma source(%dma_start3A_84 : memref<40x128xi32, #tpu.memory_space<hbm>>) target(%arg8 : memref<40x128xi32, #tpu.memory_space<vmem>>) target_semaphore(%run_scoped3A : memref<!tpu.dma_semaphore, #tpu.memory_space<semaphore_mem>>)
      %dma_wait3A_85 = arith.constant 0 : i32
      %dma_wait3A_86 = tpu.memref_slice %arg3[%add3A_8, %dma_wait3A_85] : memref<2560x128xi32, #tpu.memory_space<hbm>> -> memref<40x128xi32, #tpu.memory_space<hbm>>
      %dma_wait3A_87 = arith.constant 0 : i32
      %dma_wait3A_88 = tpu.memref_slice %arg3[%add3A_8, %dma_wait3A_87] : memref<2560x128xi32, #tpu.memory_space<hbm>> -> memref<40x128xi32, #tpu.memory_space<hbm>>
      tpu.wait_dma2 semaphore(%run_scoped3A : memref<!tpu.dma_semaphore, #tpu.memory_space<semaphore_mem>>) src(%dma_wait3A_88 : memref<40x128xi32, #tpu.memory_space<hbm>>) dst(%arg8 : memref<40x128xi32, #tpu.memory_space<vmem>>)
      tpu.yield
    }) : () -> ()
    "tpu.region"() ({
      %run_scoped3A = tpu.sem_alloc : memref<!tpu.dma_semaphore, #tpu.memory_space<semaphore_mem>>
      %dma_start3A_81 = arith.constant 0 : i32
      %dma_start3A_82 = tpu.memref_slice %arg4[%add3A_8, %dma_start3A_81] : memref<2560x128xi32, #tpu.memory_space<hbm>> -> memref<40x128xi32, #tpu.memory_space<hbm>>
      %dma_start3A_83 = arith.constant 0 : i32
      %dma_start3A_84 = tpu.memref_slice %arg4[%add3A_8, %dma_start3A_83] : memref<2560x128xi32, #tpu.memory_space<hbm>> -> memref<40x128xi32, #tpu.memory_space<hbm>>
      tpu.enqueue_dma source(%dma_start3A_84 : memref<40x128xi32, #tpu.memory_space<hbm>>) target(%arg9 : memref<40x128xi32, #tpu.memory_space<vmem>>) target_semaphore(%run_scoped3A : memref<!tpu.dma_semaphore, #tpu.memory_space<semaphore_mem>>)
      %dma_wait3A_85 = arith.constant 0 : i32
      %dma_wait3A_86 = tpu.memref_slice %arg4[%add3A_8, %dma_wait3A_85] : memref<2560x128xi32, #tpu.memory_space<hbm>> -> memref<40x128xi32, #tpu.memory_space<hbm>>
      %dma_wait3A_87 = arith.constant 0 : i32
      %dma_wait3A_88 = tpu.memref_slice %arg4[%add3A_8, %dma_wait3A_87] : memref<2560x128xi32, #tpu.memory_space<hbm>> -> memref<40x128xi32, #tpu.memory_space<hbm>>
      tpu.wait_dma2 semaphore(%run_scoped3A : memref<!tpu.dma_semaphore, #tpu.memory_space<semaphore_mem>>) src(%dma_wait3A_88 : memref<40x128xi32, #tpu.memory_space<hbm>>) dst(%arg9 : memref<40x128xi32, #tpu.memory_space<vmem>>)
      tpu.yield
    }) : () -> ()
    %dma_start3A = arith.constant 0 : i32
    %dma_start3A_9 = arith.constant 0 : i32
    %dma_start3A_10 = arith.constant 0 : i32
    %dma_start3A_11 = arith.constant 0 : i32
    %dma_start3A_12 = tpu.memref_slice %arg10[%dma_start3A_9, %dma_start3A_10, %dma_start3A_11] : memref<2x128x128xf32, #tpu.memory_space<vmem>> -> memref<1x128x128xf32, #tpu.memory_space<vmem>>
    %dma_start3A_13 = tpu.memref_squeeze %dma_start3A_12 : memref<1x128x128xf32, #tpu.memory_space<vmem>> -> memref<128x128xf32, #tpu.memory_space<vmem>>
    %dma_start3A_14 = arith.constant 0 : i32
    %dma_start3A_15 = tpu.memref_slice %arg8[%dma_start3A, %dma_start3A_14] : memref<40x128xi32, #tpu.memory_space<vmem>> -> memref<1x128xi32, #tpu.memory_space<vmem>>
    %dma_start3A_16 = tpu.memref_squeeze %dma_start3A_15 : memref<1x128xi32, #tpu.memory_space<vmem>> -> memref<128xi32, #tpu.memory_space<vmem>>
    %dma_start3A_17 = arith.constant 0 : i32
    %dma_start3A_18 = arith.constant 0 : i32
    %dma_start3A_19 = tpu.memref_slice %arg2[%dma_start3A_17, %dma_start3A_18] : memref<10000x128xf32, #tpu.memory_space<hbm>> -> memref<10000x128xf32, #tpu.memory_space<hbm>>
    tpu.enqueue_indirect_dma source(%dma_start3A_19 : memref<10000x128xf32, #tpu.memory_space<hbm>>) target(%dma_start3A_13 : memref<128x128xf32, #tpu.memory_space<vmem>>) offsets(%dma_start3A_16 : memref<128xi32, #tpu.memory_space<vmem>>) semaphore(%arg11 : memref<!tpu.dma_semaphore, #tpu.memory_space<semaphore_mem>>)
    %barrier3A = arith.constant 0 : index
    tpu.barrier barrier_id(%barrier3A)
    %scan3A = arith.constant 0 : i32
    %scan3A_20 = arith.constant 0 : i32
    %scan3A_21 = arith.constant 20 : i32
    %scan3A_22 = arith.addi %scan3A_20, %scan3A_21 : i32
    %scan3A_23 = arith.constant 1 : i32
    scf.for %scan3A_81 = %scan3A_20 to %scan3A_22 step %scan3A_23  : i32 {
      %mul3A_82 = arith.constant 2 : i32
      %mul3A_83 = arith.muli %mul3A_82, %scan3A_81 : i32
      %mul3A_84 = arith.constant 2 : i32
      %mul3A_85 = arith.muli %mul3A_84, %scan3A_81 : i32
      %add3A_86 = arith.constant 1 : i32
      %add3A_87 = arith.addi %mul3A_85, %add3A_86 : i32
      %dma_wait3A_88 = arith.constant 0 : i32
      %dma_wait3A_89 = arith.constant 0 : i32
      %dma_wait3A_90 = arith.constant 0 : i32
      %dma_wait3A_91 = tpu.memref_slice %arg10[%dma_wait3A_88, %dma_wait3A_89, %dma_wait3A_90] : memref<2x128x128xf32, #tpu.memory_space<vmem>> -> memref<1x128x128xf32, #tpu.memory_space<vmem>>
      %dma_wait3A_92 = tpu.memref_squeeze %dma_wait3A_91 : memref<1x128x128xf32, #tpu.memory_space<vmem>> -> memref<128x128xf32, #tpu.memory_space<vmem>>
      %dma_wait3A_93 = arith.constant 0 : i32
      %dma_wait3A_94 = arith.constant 0 : i32
      %dma_wait3A_95 = tpu.memref_slice %arg2[%dma_wait3A_93, %dma_wait3A_94] : memref<10000x128xf32, #tpu.memory_space<hbm>> -> memref<128x128xf32, #tpu.memory_space<hbm>>
      %dma_wait3A_96 = arith.constant 0 : i32
      %dma_wait3A_97 = arith.constant 0 : i32
      %dma_wait3A_98 = tpu.memref_slice %arg10[%dma_wait3A_88, %dma_wait3A_96, %dma_wait3A_97] : memref<2x128x128xf32, #tpu.memory_space<vmem>> -> memref<1x128x128xf32, #tpu.memory_space<vmem>>
      %dma_wait3A_99 = tpu.memref_squeeze %dma_wait3A_98 : memref<1x128x128xf32, #tpu.memory_space<vmem>> -> memref<128x128xf32, #tpu.memory_space<vmem>>
      %dma_wait3A_100 = arith.constant 0 : i32
      %dma_wait3A_101 = arith.constant 0 : i32
      %dma_wait3A_102 = tpu.memref_slice %arg2[%dma_wait3A_100, %dma_wait3A_101] : memref<10000x128xf32, #tpu.memory_space<hbm>> -> memref<128x128xf32, #tpu.memory_space<hbm>>
      tpu.wait_dma2 semaphore(%arg11 : memref<!tpu.dma_semaphore, #tpu.memory_space<semaphore_mem>>) src(%dma_wait3A_102 : memref<128x128xf32, #tpu.memory_space<hbm>>) dst(%dma_wait3A_99 : memref<128x128xf32, #tpu.memory_space<vmem>>)
      %dma_start3A_103 = arith.constant 0 : i32
      %dma_start3A_104 = arith.constant 0 : i32
      %dma_start3A_105 = arith.constant 0 : i32
      %dma_start3A_106 = tpu.memref_slice %arg10[%dma_start3A_103, %dma_start3A_104, %dma_start3A_105] : memref<2x128x128xf32, #tpu.memory_space<vmem>> -> memref<1x128x128xf32, #tpu.memory_space<vmem>>
      %dma_start3A_107 = tpu.memref_squeeze %dma_start3A_106 : memref<1x128x128xf32, #tpu.memory_space<vmem>> -> memref<128x128xf32, #tpu.memory_space<vmem>>
      %dma_start3A_108 = arith.constant 0 : i32
      %dma_start3A_109 = tpu.memref_slice %arg9[%mul3A_83, %dma_start3A_108] : memref<40x128xi32, #tpu.memory_space<vmem>> -> memref<1x128xi32, #tpu.memory_space<vmem>>
      %dma_start3A_110 = tpu.memref_squeeze %dma_start3A_109 : memref<1x128xi32, #tpu.memory_space<vmem>> -> memref<128xi32, #tpu.memory_space<vmem>>
      %dma_start3A_111 = arith.constant 0 : i32
      %dma_start3A_112 = arith.constant 0 : i32
      %dma_start3A_113 = tpu.memref_slice %arg7[%dma_start3A_111, %dma_start3A_112] : memref<10112x128xf32, #tpu.memory_space<vmem_shared>> -> memref<10112x128xf32, #tpu.memory_space<vmem_shared>>
      tpu.enqueue_indirect_dma source(%dma_start3A_107 : memref<128x128xf32, #tpu.memory_space<vmem>>) target(%dma_start3A_113 : memref<10112x128xf32, #tpu.memory_space<vmem_shared>>) offsets(%dma_start3A_110 : memref<128xi32, #tpu.memory_space<vmem>>) semaphore(%arg12 : memref<!tpu.dma_semaphore, #tpu.memory_space<semaphore_mem>>) {add = true}
      %gt3A = arith.constant 0 : i32
      %gt3A_114 = arith.cmpi sgt, %scan3A_81, %gt3A : i32
      %convert_element_type3A = arith.extui %gt3A_114 : i1 to i32
      %cond3A = arith.constant 0 : i32
      %cond3A_115 = arith.cmpi ne, %convert_element_type3A, %cond3A : i32
      scf.if %cond3A_115 {
        %sub3A = arith.constant 2 : i32
        %sub3A_170 = arith.subi %add3A_87, %sub3A : i32
        %dma_wait3A_171 = arith.constant 1 : i32
        %dma_wait3A_172 = arith.constant 0 : i32
        %dma_wait3A_173 = arith.constant 0 : i32
        %dma_wait3A_174 = tpu.memref_slice %arg10[%dma_wait3A_171, %dma_wait3A_172, %dma_wait3A_173] : memref<2x128x128xf32, #tpu.memory_space<vmem>> -> memref<1x128x128xf32, #tpu.memory_space<vmem>>
        %dma_wait3A_175 = tpu.memref_squeeze %dma_wait3A_174 : memref<1x128x128xf32, #tpu.memory_space<vmem>> -> memref<128x128xf32, #tpu.memory_space<vmem>>
        %dma_wait3A_176 = arith.constant 0 : i32
        %dma_wait3A_177 = arith.constant 0 : i32
        %dma_wait3A_178 = tpu.memref_slice %arg7[%dma_wait3A_176, %dma_wait3A_177] : memref<10112x128xf32, #tpu.memory_space<vmem_shared>> -> memref<128x128xf32, #tpu.memory_space<vmem_shared>>
        %dma_wait3A_179 = arith.constant 0 : i32
        %dma_wait3A_180 = arith.constant 0 : i32
        %dma_wait3A_181 = tpu.memref_slice %arg7[%dma_wait3A_179, %dma_wait3A_180] : memref<10112x128xf32, #tpu.memory_space<vmem_shared>> -> memref<128x128xf32, #tpu.memory_space<vmem_shared>>
        %dma_wait3A_182 = arith.constant 0 : i32
        %dma_wait3A_183 = arith.constant 0 : i32
        %dma_wait3A_184 = tpu.memref_slice %arg10[%dma_wait3A_171, %dma_wait3A_182, %dma_wait3A_183] : memref<2x128x128xf32, #tpu.memory_space<vmem>> -> memref<1x128x128xf32, #tpu.memory_space<vmem>>
        %dma_wait3A_185 = tpu.memref_squeeze %dma_wait3A_184 : memref<1x128x128xf32, #tpu.memory_space<vmem>> -> memref<128x128xf32, #tpu.memory_space<vmem>>
        tpu.wait_dma2 semaphore(%arg13 : memref<!tpu.dma_semaphore, #tpu.memory_space<semaphore_mem>>) src(%dma_wait3A_185 : memref<128x128xf32, #tpu.memory_space<vmem>>) dst(%dma_wait3A_181 : memref<128x128xf32, #tpu.memory_space<vmem_shared>>)
      } else {
      }
      %dma_start3A_116 = arith.constant 1 : i32
      %dma_start3A_117 = arith.constant 0 : i32
      %dma_start3A_118 = arith.constant 0 : i32
      %dma_start3A_119 = tpu.memref_slice %arg10[%dma_start3A_116, %dma_start3A_117, %dma_start3A_118] : memref<2x128x128xf32, #tpu.memory_space<vmem>> -> memref<1x128x128xf32, #tpu.memory_space<vmem>>
      %dma_start3A_120 = tpu.memref_squeeze %dma_start3A_119 : memref<1x128x128xf32, #tpu.memory_space<vmem>> -> memref<128x128xf32, #tpu.memory_space<vmem>>
      %dma_start3A_121 = arith.constant 0 : i32
      %dma_start3A_122 = tpu.memref_slice %arg8[%add3A_87, %dma_start3A_121] : memref<40x128xi32, #tpu.memory_space<vmem>> -> memref<1x128xi32, #tpu.memory_space<vmem>>
      %dma_start3A_123 = tpu.memref_squeeze %dma_start3A_122 : memref<1x128xi32, #tpu.memory_space<vmem>> -> memref<128xi32, #tpu.memory_space<vmem>>
      %dma_start3A_124 = arith.constant 0 : i32
      %dma_start3A_125 = arith.constant 0 : i32
      %dma_start3A_126 = tpu.memref_slice %arg2[%dma_start3A_124, %dma_start3A_125] : memref<10000x128xf32, #tpu.memory_space<hbm>> -> memref<10000x128xf32, #tpu.memory_space<hbm>>
      tpu.enqueue_indirect_dma source(%dma_start3A_126 : memref<10000x128xf32, #tpu.memory_space<hbm>>) target(%dma_start3A_120 : memref<128x128xf32, #tpu.memory_space<vmem>>) offsets(%dma_start3A_123 : memref<128xi32, #tpu.memory_space<vmem>>) semaphore(%arg11 : memref<!tpu.dma_semaphore, #tpu.memory_space<semaphore_mem>>)
      %dma_wait3A_127 = arith.constant 1 : i32
      %dma_wait3A_128 = arith.constant 0 : i32
      %dma_wait3A_129 = arith.constant 0 : i32
      %dma_wait3A_130 = tpu.memref_slice %arg10[%dma_wait3A_127, %dma_wait3A_128, %dma_wait3A_129] : memref<2x128x128xf32, #tpu.memory_space<vmem>> -> memref<1x128x128xf32, #tpu.memory_space<vmem>>
      %dma_wait3A_131 = tpu.memref_squeeze %dma_wait3A_130 : memref<1x128x128xf32, #tpu.memory_space<vmem>> -> memref<128x128xf32, #tpu.memory_space<vmem>>
      %dma_wait3A_132 = arith.constant 0 : i32
      %dma_wait3A_133 = arith.constant 0 : i32
      %dma_wait3A_134 = tpu.memref_slice %arg2[%dma_wait3A_132, %dma_wait3A_133] : memref<10000x128xf32, #tpu.memory_space<hbm>> -> memref<128x128xf32, #tpu.memory_space<hbm>>
      %dma_wait3A_135 = arith.constant 0 : i32
      %dma_wait3A_136 = arith.constant 0 : i32
      %dma_wait3A_137 = tpu.memref_slice %arg10[%dma_wait3A_127, %dma_wait3A_135, %dma_wait3A_136] : memref<2x128x128xf32, #tpu.memory_space<vmem>> -> memref<1x128x128xf32, #tpu.memory_space<vmem>>
      %dma_wait3A_138 = tpu.memref_squeeze %dma_wait3A_137 : memref<1x128x128xf32, #tpu.memory_space<vmem>> -> memref<128x128xf32, #tpu.memory_space<vmem>>
      %dma_wait3A_139 = arith.constant 0 : i32
      %dma_wait3A_140 = arith.constant 0 : i32
      %dma_wait3A_141 = tpu.memref_slice %arg2[%dma_wait3A_139, %dma_wait3A_140] : memref<10000x128xf32, #tpu.memory_space<hbm>> -> memref<128x128xf32, #tpu.memory_space<hbm>>
      tpu.wait_dma2 semaphore(%arg11 : memref<!tpu.dma_semaphore, #tpu.memory_space<semaphore_mem>>) src(%dma_wait3A_141 : memref<128x128xf32, #tpu.memory_space<hbm>>) dst(%dma_wait3A_138 : memref<128x128xf32, #tpu.memory_space<vmem>>)
      %dma_start3A_142 = arith.constant 1 : i32
      %dma_start3A_143 = arith.constant 0 : i32
      %dma_start3A_144 = arith.constant 0 : i32
      %dma_start3A_145 = tpu.memref_slice %arg10[%dma_start3A_142, %dma_start3A_143, %dma_start3A_144] : memref<2x128x128xf32, #tpu.memory_space<vmem>> -> memref<1x128x128xf32, #tpu.memory_space<vmem>>
      %dma_start3A_146 = tpu.memref_squeeze %dma_start3A_145 : memref<1x128x128xf32, #tpu.memory_space<vmem>> -> memref<128x128xf32, #tpu.memory_space<vmem>>
      %dma_start3A_147 = arith.constant 0 : i32
      %dma_start3A_148 = tpu.memref_slice %arg9[%add3A_87, %dma_start3A_147] : memref<40x128xi32, #tpu.memory_space<vmem>> -> memref<1x128xi32, #tpu.memory_space<vmem>>
      %dma_start3A_149 = tpu.memref_squeeze %dma_start3A_148 : memref<1x128xi32, #tpu.memory_space<vmem>> -> memref<128xi32, #tpu.memory_space<vmem>>
      %dma_start3A_150 = arith.constant 0 : i32
      %dma_start3A_151 = arith.constant 0 : i32
      %dma_start3A_152 = tpu.memref_slice %arg7[%dma_start3A_150, %dma_start3A_151] : memref<10112x128xf32, #tpu.memory_space<vmem_shared>> -> memref<10112x128xf32, #tpu.memory_space<vmem_shared>>
      tpu.enqueue_indirect_dma source(%dma_start3A_146 : memref<128x128xf32, #tpu.memory_space<vmem>>) target(%dma_start3A_152 : memref<10112x128xf32, #tpu.memory_space<vmem_shared>>) offsets(%dma_start3A_149 : memref<128xi32, #tpu.memory_space<vmem>>) semaphore(%arg13 : memref<!tpu.dma_semaphore, #tpu.memory_space<semaphore_mem>>) {add = true}
      %dma_wait3A_153 = arith.constant 0 : i32
      %dma_wait3A_154 = arith.constant 0 : i32
      %dma_wait3A_155 = arith.constant 0 : i32
      %dma_wait3A_156 = tpu.memref_slice %arg10[%dma_wait3A_153, %dma_wait3A_154, %dma_wait3A_155] : memref<2x128x128xf32, #tpu.memory_space<vmem>> -> memref<1x128x128xf32, #tpu.memory_space<vmem>>
      %dma_wait3A_157 = tpu.memref_squeeze %dma_wait3A_156 : memref<1x128x128xf32, #tpu.memory_space<vmem>> -> memref<128x128xf32, #tpu.memory_space<vmem>>
      %dma_wait3A_158 = arith.constant 0 : i32
      %dma_wait3A_159 = tpu.memref_slice %arg9[%mul3A_83, %dma_wait3A_158] : memref<40x128xi32, #tpu.memory_space<vmem>> -> memref<1x128xi32, #tpu.memory_space<vmem>>
      %dma_wait3A_160 = tpu.memref_squeeze %dma_wait3A_159 : memref<1x128xi32, #tpu.memory_space<vmem>> -> memref<128xi32, #tpu.memory_space<vmem>>
      %dma_wait3A_161 = arith.constant 0 : i32
      %dma_wait3A_162 = arith.constant 0 : i32
      %dma_wait3A_163 = tpu.memref_slice %arg7[%dma_wait3A_161, %dma_wait3A_162] : memref<10112x128xf32, #tpu.memory_space<vmem_shared>> -> memref<10112x128xf32, #tpu.memory_space<vmem_shared>>
      tpu.wait_indirect_dma semaphore(%arg12 : memref<!tpu.dma_semaphore, #tpu.memory_space<semaphore_mem>>) src(%dma_wait3A_157 : memref<128x128xf32, #tpu.memory_space<vmem>>) dst(%dma_wait3A_163 : memref<10112x128xf32, #tpu.memory_space<vmem_shared>>)
      %add3A_164 = arith.constant 1 : i32
      %add3A_165 = arith.addi %scan3A_81, %add3A_164 : i32
      %lt3A = arith.constant 20 : i32
      %lt3A_166 = arith.cmpi slt, %add3A_165, %lt3A : i32
      %convert_element_type3A_167 = arith.extui %lt3A_166 : i1 to i32
      %cond3A_168 = arith.constant 0 : i32
      %cond3A_169 = arith.cmpi ne, %convert_element_type3A_167, %cond3A_168 : i32
      scf.if %cond3A_169 {
        %add3A_170 = arith.constant 2 : i32
        %add3A_171 = arith.addi %mul3A_83, %add3A_170 : i32
        %dma_start3A_172 = arith.constant 0 : i32
        %dma_start3A_173 = arith.constant 0 : i32
        %dma_start3A_174 = arith.constant 0 : i32
        %dma_start3A_175 = tpu.memref_slice %arg10[%dma_start3A_172, %dma_start3A_173, %dma_start3A_174] : memref<2x128x128xf32, #tpu.memory_space<vmem>> -> memref<1x128x128xf32, #tpu.memory_space<vmem>>
        %dma_start3A_176 = tpu.memref_squeeze %dma_start3A_175 : memref<1x128x128xf32, #tpu.memory_space<vmem>> -> memref<128x128xf32, #tpu.memory_space<vmem>>
        %dma_start3A_177 = arith.constant 0 : i32
        %dma_start3A_178 = tpu.memref_slice %arg8[%add3A_171, %dma_start3A_177] : memref<40x128xi32, #tpu.memory_space<vmem>> -> memref<1x128xi32, #tpu.memory_space<vmem>>
        %dma_start3A_179 = tpu.memref_squeeze %dma_start3A_178 : memref<1x128xi32, #tpu.memory_space<vmem>> -> memref<128xi32, #tpu.memory_space<vmem>>
        %dma_start3A_180 = arith.constant 0 : i32
        %dma_start3A_181 = arith.constant 0 : i32
        %dma_start3A_182 = tpu.memref_slice %arg2[%dma_start3A_180, %dma_start3A_181] : memref<10000x128xf32, #tpu.memory_space<hbm>> -> memref<10000x128xf32, #tpu.memory_space<hbm>>
        tpu.enqueue_indirect_dma source(%dma_start3A_182 : memref<10000x128xf32, #tpu.memory_space<hbm>>) target(%dma_start3A_176 : memref<128x128xf32, #tpu.memory_space<vmem>>) offsets(%dma_start3A_179 : memref<128xi32, #tpu.memory_space<vmem>>) semaphore(%arg11 : memref<!tpu.dma_semaphore, #tpu.memory_space<semaphore_mem>>)
      } else {
      }
    }
    %scan3A_24 = arith.constant 20 : i32
    %dma_wait3A = arith.constant 1 : i32
    %dma_wait3A_25 = arith.constant 0 : i32
    %dma_wait3A_26 = arith.constant 0 : i32
    %dma_wait3A_27 = tpu.memref_slice %arg10[%dma_wait3A, %dma_wait3A_25, %dma_wait3A_26] : memref<2x128x128xf32, #tpu.memory_space<vmem>> -> memref<1x128x128xf32, #tpu.memory_space<vmem>>
    %dma_wait3A_28 = tpu.memref_squeeze %dma_wait3A_27 : memref<1x128x128xf32, #tpu.memory_space<vmem>> -> memref<128x128xf32, #tpu.memory_space<vmem>>
    %dma_wait3A_29 = arith.constant 0 : i32
    %dma_wait3A_30 = arith.constant 0 : i32
    %dma_wait3A_31 = tpu.memref_slice %arg7[%dma_wait3A_29, %dma_wait3A_30] : memref<10112x128xf32, #tpu.memory_space<vmem_shared>> -> memref<128x128xf32, #tpu.memory_space<vmem_shared>>
    %dma_wait3A_32 = arith.constant 0 : i32
    %dma_wait3A_33 = arith.constant 0 : i32
    %dma_wait3A_34 = tpu.memref_slice %arg7[%dma_wait3A_32, %dma_wait3A_33] : memref<10112x128xf32, #tpu.memory_space<vmem_shared>> -> memref<128x128xf32, #tpu.memory_space<vmem_shared>>
    %dma_wait3A_35 = arith.constant 0 : i32
    %dma_wait3A_36 = arith.constant 0 : i32
    %dma_wait3A_37 = tpu.memref_slice %arg10[%dma_wait3A, %dma_wait3A_35, %dma_wait3A_36] : memref<2x128x128xf32, #tpu.memory_space<vmem>> -> memref<1x128x128xf32, #tpu.memory_space<vmem>>
    %dma_wait3A_38 = tpu.memref_squeeze %dma_wait3A_37 : memref<1x128x128xf32, #tpu.memory_space<vmem>> -> memref<128x128xf32, #tpu.memory_space<vmem>>
    tpu.wait_dma2 semaphore(%arg13 : memref<!tpu.dma_semaphore, #tpu.memory_space<semaphore_mem>>) src(%dma_wait3A_38 : memref<128x128xf32, #tpu.memory_space<vmem>>) dst(%dma_wait3A_34 : memref<128x128xf32, #tpu.memory_space<vmem_shared>>)
    %mul3A_39 = arith.constant 80 : i32
    %mul3A_40 = arith.muli %add3A, %mul3A_39 : i32
    %add3A_41 = arith.constant 40 : i32
    %add3A_42 = arith.addi %mul3A_40, %add3A_41 : i32
    "tpu.region"() ({
      %run_scoped3A = tpu.sem_alloc : memref<!tpu.dma_semaphore, #tpu.memory_space<semaphore_mem>>
      %dma_start3A_81 = arith.constant 0 : i32
      %dma_start3A_82 = tpu.memref_slice %arg3[%add3A_42, %dma_start3A_81] : memref<2560x128xi32, #tpu.memory_space<hbm>> -> memref<40x128xi32, #tpu.memory_space<hbm>>
      %dma_start3A_83 = arith.constant 0 : i32
      %dma_start3A_84 = tpu.memref_slice %arg3[%add3A_42, %dma_start3A_83] : memref<2560x128xi32, #tpu.memory_space<hbm>> -> memref<40x128xi32, #tpu.memory_space<hbm>>
      tpu.enqueue_dma source(%dma_start3A_84 : memref<40x128xi32, #tpu.memory_space<hbm>>) target(%arg8 : memref<40x128xi32, #tpu.memory_space<vmem>>) target_semaphore(%run_scoped3A : memref<!tpu.dma_semaphore, #tpu.memory_space<semaphore_mem>>)
      %dma_wait3A_85 = arith.constant 0 : i32
      %dma_wait3A_86 = tpu.memref_slice %arg3[%add3A_42, %dma_wait3A_85] : memref<2560x128xi32, #tpu.memory_space<hbm>> -> memref<40x128xi32, #tpu.memory_space<hbm>>
      %dma_wait3A_87 = arith.constant 0 : i32
      %dma_wait3A_88 = tpu.memref_slice %arg3[%add3A_42, %dma_wait3A_87] : memref<2560x128xi32, #tpu.memory_space<hbm>> -> memref<40x128xi32, #tpu.memory_space<hbm>>
      tpu.wait_dma2 semaphore(%run_scoped3A : memref<!tpu.dma_semaphore, #tpu.memory_space<semaphore_mem>>) src(%dma_wait3A_88 : memref<40x128xi32, #tpu.memory_space<hbm>>) dst(%arg8 : memref<40x128xi32, #tpu.memory_space<vmem>>)
      tpu.yield
    }) : () -> ()
    "tpu.region"() ({
      %run_scoped3A = tpu.sem_alloc : memref<!tpu.dma_semaphore, #tpu.memory_space<semaphore_mem>>
      %dma_start3A_81 = arith.constant 0 : i32
      %dma_start3A_82 = tpu.memref_slice %arg4[%add3A_42, %dma_start3A_81] : memref<2560x128xi32, #tpu.memory_space<hbm>> -> memref<40x128xi32, #tpu.memory_space<hbm>>
      %dma_start3A_83 = arith.constant 0 : i32
      %dma_start3A_84 = tpu.memref_slice %arg4[%add3A_42, %dma_start3A_83] : memref<2560x128xi32, #tpu.memory_space<hbm>> -> memref<40x128xi32, #tpu.memory_space<hbm>>
      tpu.enqueue_dma source(%dma_start3A_84 : memref<40x128xi32, #tpu.memory_space<hbm>>) target(%arg9 : memref<40x128xi32, #tpu.memory_space<vmem>>) target_semaphore(%run_scoped3A : memref<!tpu.dma_semaphore, #tpu.memory_space<semaphore_mem>>)
      %dma_wait3A_85 = arith.constant 0 : i32
      %dma_wait3A_86 = tpu.memref_slice %arg4[%add3A_42, %dma_wait3A_85] : memref<2560x128xi32, #tpu.memory_space<hbm>> -> memref<40x128xi32, #tpu.memory_space<hbm>>
      %dma_wait3A_87 = arith.constant 0 : i32
      %dma_wait3A_88 = tpu.memref_slice %arg4[%add3A_42, %dma_wait3A_87] : memref<2560x128xi32, #tpu.memory_space<hbm>> -> memref<40x128xi32, #tpu.memory_space<hbm>>
      tpu.wait_dma2 semaphore(%run_scoped3A : memref<!tpu.dma_semaphore, #tpu.memory_space<semaphore_mem>>) src(%dma_wait3A_88 : memref<40x128xi32, #tpu.memory_space<hbm>>) dst(%arg9 : memref<40x128xi32, #tpu.memory_space<vmem>>)
      tpu.yield
    }) : () -> ()
    %dma_start3A_43 = arith.constant 0 : i32
    %dma_start3A_44 = arith.constant 0 : i32
    %dma_start3A_45 = arith.constant 0 : i32
    %dma_start3A_46 = arith.constant 0 : i32
    %dma_start3A_47 = tpu.memref_slice %arg10[%dma_start3A_44, %dma_start3A_45, %dma_start3A_46] : memref<2x128x128xf32, #tpu.memory_space<vmem>> -> memref<1x128x128xf32, #tpu.memory_space<vmem>>
    %dma_start3A_48 = tpu.memref_squeeze %dma_start3A_47 : memref<1x128x128xf32, #tpu.memory_space<vmem>> -> memref<128x128xf32, #tpu.memory_space<vmem>>
    %dma_start3A_49 = arith.constant 0 : i32
    %dma_start3A_50 = tpu.memref_slice %arg8[%dma_start3A_43, %dma_start3A_49] : memref<40x128xi32, #tpu.memory_space<vmem>> -> memref<1x128xi32, #tpu.memory_space<vmem>>
    %dma_start3A_51 = tpu.memref_squeeze %dma_start3A_50 : memref<1x128xi32, #tpu.memory_space<vmem>> -> memref<128xi32, #tpu.memory_space<vmem>>
    %dma_start3A_52 = arith.constant 0 : i32
    %dma_start3A_53 = arith.constant 0 : i32
    %dma_start3A_54 = tpu.memref_slice %arg2[%dma_start3A_52, %dma_start3A_53] : memref<10000x128xf32, #tpu.memory_space<hbm>> -> memref<10000x128xf32, #tpu.memory_space<hbm>>
    tpu.enqueue_indirect_dma source(%dma_start3A_54 : memref<10000x128xf32, #tpu.memory_space<hbm>>) target(%dma_start3A_48 : memref<128x128xf32, #tpu.memory_space<vmem>>) offsets(%dma_start3A_51 : memref<128xi32, #tpu.memory_space<vmem>>) semaphore(%arg11 : memref<!tpu.dma_semaphore, #tpu.memory_space<semaphore_mem>>)
    %scan3A_55 = arith.constant 0 : i32
    %scan3A_56 = arith.constant 0 : i32
    %scan3A_57 = arith.constant 20 : i32
    %scan3A_58 = arith.addi %scan3A_56, %scan3A_57 : i32
    %scan3A_59 = arith.constant 1 : i32
    scf.for %scan3A_81 = %scan3A_56 to %scan3A_58 step %scan3A_59  : i32 {
      %mul3A_82 = arith.constant 2 : i32
      %mul3A_83 = arith.muli %mul3A_82, %scan3A_81 : i32
      %mul3A_84 = arith.constant 2 : i32
      %mul3A_85 = arith.muli %mul3A_84, %scan3A_81 : i32
      %add3A_86 = arith.constant 1 : i32
      %add3A_87 = arith.addi %mul3A_85, %add3A_86 : i32
      %dma_wait3A_88 = arith.constant 0 : i32
      %dma_wait3A_89 = arith.constant 0 : i32
      %dma_wait3A_90 = arith.constant 0 : i32
      %dma_wait3A_91 = tpu.memref_slice %arg10[%dma_wait3A_88, %dma_wait3A_89, %dma_wait3A_90] : memref<2x128x128xf32, #tpu.memory_space<vmem>> -> memref<1x128x128xf32, #tpu.memory_space<vmem>>
      %dma_wait3A_92 = tpu.memref_squeeze %dma_wait3A_91 : memref<1x128x128xf32, #tpu.memory_space<vmem>> -> memref<128x128xf32, #tpu.memory_space<vmem>>
      %dma_wait3A_93 = arith.constant 0 : i32
      %dma_wait3A_94 = arith.constant 0 : i32
      %dma_wait3A_95 = tpu.memref_slice %arg2[%dma_wait3A_93, %dma_wait3A_94] : memref<10000x128xf32, #tpu.memory_space<hbm>> -> memref<128x128xf32, #tpu.memory_space<hbm>>
      %dma_wait3A_96 = arith.constant 0 : i32
      %dma_wait3A_97 = arith.constant 0 : i32
      %dma_wait3A_98 = tpu.memref_slice %arg10[%dma_wait3A_88, %dma_wait3A_96, %dma_wait3A_97] : memref<2x128x128xf32, #tpu.memory_space<vmem>> -> memref<1x128x128xf32, #tpu.memory_space<vmem>>
      %dma_wait3A_99 = tpu.memref_squeeze %dma_wait3A_98 : memref<1x128x128xf32, #tpu.memory_space<vmem>> -> memref<128x128xf32, #tpu.memory_space<vmem>>
      %dma_wait3A_100 = arith.constant 0 : i32
      %dma_wait3A_101 = arith.constant 0 : i32
      %dma_wait3A_102 = tpu.memref_slice %arg2[%dma_wait3A_100, %dma_wait3A_101] : memref<10000x128xf32, #tpu.memory_space<hbm>> -> memref<128x128xf32, #tpu.memory_space<hbm>>
      tpu.wait_dma2 semaphore(%arg11 : memref<!tpu.dma_semaphore, #tpu.memory_space<semaphore_mem>>) src(%dma_wait3A_102 : memref<128x128xf32, #tpu.memory_space<hbm>>) dst(%dma_wait3A_99 : memref<128x128xf32, #tpu.memory_space<vmem>>)
      %dma_start3A_103 = arith.constant 0 : i32
      %dma_start3A_104 = arith.constant 0 : i32
      %dma_start3A_105 = arith.constant 0 : i32
      %dma_start3A_106 = tpu.memref_slice %arg10[%dma_start3A_103, %dma_start3A_104, %dma_start3A_105] : memref<2x128x128xf32, #tpu.memory_space<vmem>> -> memref<1x128x128xf32, #tpu.memory_space<vmem>>
      %dma_start3A_107 = tpu.memref_squeeze %dma_start3A_106 : memref<1x128x128xf32, #tpu.memory_space<vmem>> -> memref<128x128xf32, #tpu.memory_space<vmem>>
      %dma_start3A_108 = arith.constant 0 : i32
      %dma_start3A_109 = tpu.memref_slice %arg9[%mul3A_83, %dma_start3A_108] : memref<40x128xi32, #tpu.memory_space<vmem>> -> memref<1x128xi32, #tpu.memory_space<vmem>>
      %dma_start3A_110 = tpu.memref_squeeze %dma_start3A_109 : memref<1x128xi32, #tpu.memory_space<vmem>> -> memref<128xi32, #tpu.memory_space<vmem>>
      %dma_start3A_111 = arith.constant 0 : i32
      %dma_start3A_112 = arith.constant 0 : i32
      %dma_start3A_113 = tpu.memref_slice %arg7[%dma_start3A_111, %dma_start3A_112] : memref<10112x128xf32, #tpu.memory_space<vmem_shared>> -> memref<10112x128xf32, #tpu.memory_space<vmem_shared>>
      tpu.enqueue_indirect_dma source(%dma_start3A_107 : memref<128x128xf32, #tpu.memory_space<vmem>>) target(%dma_start3A_113 : memref<10112x128xf32, #tpu.memory_space<vmem_shared>>) offsets(%dma_start3A_110 : memref<128xi32, #tpu.memory_space<vmem>>) semaphore(%arg12 : memref<!tpu.dma_semaphore, #tpu.memory_space<semaphore_mem>>) {add = true}
      %gt3A = arith.constant 0 : i32
      %gt3A_114 = arith.cmpi sgt, %scan3A_81, %gt3A : i32
      %convert_element_type3A = arith.extui %gt3A_114 : i1 to i32
      %cond3A = arith.constant 0 : i32
      %cond3A_115 = arith.cmpi ne, %convert_element_type3A, %cond3A : i32
      scf.if %cond3A_115 {
        %sub3A = arith.constant 2 : i32
        %sub3A_170 = arith.subi %add3A_87, %sub3A : i32
        %dma_wait3A_171 = arith.constant 1 : i32
        %dma_wait3A_172 = arith.constant 0 : i32
        %dma_wait3A_173 = arith.constant 0 : i32
        %dma_wait3A_174 = tpu.memref_slice %arg10[%dma_wait3A_171, %dma_wait3A_172, %dma_wait3A_173] : memref<2x128x128xf32, #tpu.memory_space<vmem>> -> memref<1x128x128xf32, #tpu.memory_space<vmem>>
        %dma_wait3A_175 = tpu.memref_squeeze %dma_wait3A_174 : memref<1x128x128xf32, #tpu.memory_space<vmem>> -> memref<128x128xf32, #tpu.memory_space<vmem>>
        %dma_wait3A_176 = arith.constant 0 : i32
        %dma_wait3A_177 = arith.constant 0 : i32
        %dma_wait3A_178 = tpu.memref_slice %arg7[%dma_wait3A_176, %dma_wait3A_177] : memref<10112x128xf32, #tpu.memory_space<vmem_shared>> -> memref<128x128xf32, #tpu.memory_space<vmem_shared>>
        %dma_wait3A_179 = arith.constant 0 : i32
        %dma_wait3A_180 = arith.constant 0 : i32
        %dma_wait3A_181 = tpu.memref_slice %arg7[%dma_wait3A_179, %dma_wait3A_180] : memref<10112x128xf32, #tpu.memory_space<vmem_shared>> -> memref<128x128xf32, #tpu.memory_space<vmem_shared>>
        %dma_wait3A_182 = arith.constant 0 : i32
        %dma_wait3A_183 = arith.constant 0 : i32
        %dma_wait3A_184 = tpu.memref_slice %arg10[%dma_wait3A_171, %dma_wait3A_182, %dma_wait3A_183] : memref<2x128x128xf32, #tpu.memory_space<vmem>> -> memref<1x128x128xf32, #tpu.memory_space<vmem>>
        %dma_wait3A_185 = tpu.memref_squeeze %dma_wait3A_184 : memref<1x128x128xf32, #tpu.memory_space<vmem>> -> memref<128x128xf32, #tpu.memory_space<vmem>>
        tpu.wait_dma2 semaphore(%arg13 : memref<!tpu.dma_semaphore, #tpu.memory_space<semaphore_mem>>) src(%dma_wait3A_185 : memref<128x128xf32, #tpu.memory_space<vmem>>) dst(%dma_wait3A_181 : memref<128x128xf32, #tpu.memory_space<vmem_shared>>)
      } else {
      }
      %dma_start3A_116 = arith.constant 1 : i32
      %dma_start3A_117 = arith.constant 0 : i32
      %dma_start3A_118 = arith.constant 0 : i32
      %dma_start3A_119 = tpu.memref_slice %arg10[%dma_start3A_116, %dma_start3A_117, %dma_start3A_118] : memref<2x128x128xf32, #tpu.memory_space<vmem>> -> memref<1x128x128xf32, #tpu.memory_space<vmem>>
      %dma_start3A_120 = tpu.memref_squeeze %dma_start3A_119 : memref<1x128x128xf32, #tpu.memory_space<vmem>> -> memref<128x128xf32, #tpu.memory_space<vmem>>
      %dma_start3A_121 = arith.constant 0 : i32
      %dma_start3A_122 = tpu.memref_slice %arg8[%add3A_87, %dma_start3A_121] : memref<40x128xi32, #tpu.memory_space<vmem>> -> memref<1x128xi32, #tpu.memory_space<vmem>>
      %dma_start3A_123 = tpu.memref_squeeze %dma_start3A_122 : memref<1x128xi32, #tpu.memory_space<vmem>> -> memref<128xi32, #tpu.memory_space<vmem>>
      %dma_start3A_124 = arith.constant 0 : i32
      %dma_start3A_125 = arith.constant 0 : i32
      %dma_start3A_126 = tpu.memref_slice %arg2[%dma_start3A_124, %dma_start3A_125] : memref<10000x128xf32, #tpu.memory_space<hbm>> -> memref<10000x128xf32, #tpu.memory_space<hbm>>
      tpu.enqueue_indirect_dma source(%dma_start3A_126 : memref<10000x128xf32, #tpu.memory_space<hbm>>) target(%dma_start3A_120 : memref<128x128xf32, #tpu.memory_space<vmem>>) offsets(%dma_start3A_123 : memref<128xi32, #tpu.memory_space<vmem>>) semaphore(%arg11 : memref<!tpu.dma_semaphore, #tpu.memory_space<semaphore_mem>>)
      %dma_wait3A_127 = arith.constant 1 : i32
      %dma_wait3A_128 = arith.constant 0 : i32
      %dma_wait3A_129 = arith.constant 0 : i32
      %dma_wait3A_130 = tpu.memref_slice %arg10[%dma_wait3A_127, %dma_wait3A_128, %dma_wait3A_129] : memref<2x128x128xf32, #tpu.memory_space<vmem>> -> memref<1x128x128xf32, #tpu.memory_space<vmem>>
      %dma_wait3A_131 = tpu.memref_squeeze %dma_wait3A_130 : memref<1x128x128xf32, #tpu.memory_space<vmem>> -> memref<128x128xf32, #tpu.memory_space<vmem>>
      %dma_wait3A_132 = arith.constant 0 : i32
      %dma_wait3A_133 = arith.constant 0 : i32
      %dma_wait3A_134 = tpu.memref_slice %arg2[%dma_wait3A_132, %dma_wait3A_133] : memref<10000x128xf32, #tpu.memory_space<hbm>> -> memref<128x128xf32, #tpu.memory_space<hbm>>
      %dma_wait3A_135 = arith.constant 0 : i32
      %dma_wait3A_136 = arith.constant 0 : i32
      %dma_wait3A_137 = tpu.memref_slice %arg10[%dma_wait3A_127, %dma_wait3A_135, %dma_wait3A_136] : memref<2x128x128xf32, #tpu.memory_space<vmem>> -> memref<1x128x128xf32, #tpu.memory_space<vmem>>
      %dma_wait3A_138 = tpu.memref_squeeze %dma_wait3A_137 : memref<1x128x128xf32, #tpu.memory_space<vmem>> -> memref<128x128xf32, #tpu.memory_space<vmem>>
      %dma_wait3A_139 = arith.constant 0 : i32
      %dma_wait3A_140 = arith.constant 0 : i32
      %dma_wait3A_141 = tpu.memref_slice %arg2[%dma_wait3A_139, %dma_wait3A_140] : memref<10000x128xf32, #tpu.memory_space<hbm>> -> memref<128x128xf32, #tpu.memory_space<hbm>>
      tpu.wait_dma2 semaphore(%arg11 : memref<!tpu.dma_semaphore, #tpu.memory_space<semaphore_mem>>) src(%dma_wait3A_141 : memref<128x128xf32, #tpu.memory_space<hbm>>) dst(%dma_wait3A_138 : memref<128x128xf32, #tpu.memory_space<vmem>>)
      %dma_start3A_142 = arith.constant 1 : i32
      %dma_start3A_143 = arith.constant 0 : i32
      %dma_start3A_144 = arith.constant 0 : i32
      %dma_start3A_145 = tpu.memref_slice %arg10[%dma_start3A_142, %dma_start3A_143, %dma_start3A_144] : memref<2x128x128xf32, #tpu.memory_space<vmem>> -> memref<1x128x128xf32, #tpu.memory_space<vmem>>
      %dma_start3A_146 = tpu.memref_squeeze %dma_start3A_145 : memref<1x128x128xf32, #tpu.memory_space<vmem>> -> memref<128x128xf32, #tpu.memory_space<vmem>>
      %dma_start3A_147 = arith.constant 0 : i32
      %dma_start3A_148 = tpu.memref_slice %arg9[%add3A_87, %dma_start3A_147] : memref<40x128xi32, #tpu.memory_space<vmem>> -> memref<1x128xi32, #tpu.memory_space<vmem>>
      %dma_start3A_149 = tpu.memref_squeeze %dma_start3A_148 : memref<1x128xi32, #tpu.memory_space<vmem>> -> memref<128xi32, #tpu.memory_space<vmem>>
      %dma_start3A_150 = arith.constant 0 : i32
      %dma_start3A_151 = arith.constant 0 : i32
      %dma_start3A_152 = tpu.memref_slice %arg7[%dma_start3A_150, %dma_start3A_151] : memref<10112x128xf32, #tpu.memory_space<vmem_shared>> -> memref<10112x128xf32, #tpu.memory_space<vmem_shared>>
      tpu.enqueue_indirect_dma source(%dma_start3A_146 : memref<128x128xf32, #tpu.memory_space<vmem>>) target(%dma_start3A_152 : memref<10112x128xf32, #tpu.memory_space<vmem_shared>>) offsets(%dma_start3A_149 : memref<128xi32, #tpu.memory_space<vmem>>) semaphore(%arg13 : memref<!tpu.dma_semaphore, #tpu.memory_space<semaphore_mem>>) {add = true}
      %dma_wait3A_153 = arith.constant 0 : i32
      %dma_wait3A_154 = arith.constant 0 : i32
      %dma_wait3A_155 = arith.constant 0 : i32
      %dma_wait3A_156 = tpu.memref_slice %arg10[%dma_wait3A_153, %dma_wait3A_154, %dma_wait3A_155] : memref<2x128x128xf32, #tpu.memory_space<vmem>> -> memref<1x128x128xf32, #tpu.memory_space<vmem>>
      %dma_wait3A_157 = tpu.memref_squeeze %dma_wait3A_156 : memref<1x128x128xf32, #tpu.memory_space<vmem>> -> memref<128x128xf32, #tpu.memory_space<vmem>>
      %dma_wait3A_158 = arith.constant 0 : i32
      %dma_wait3A_159 = tpu.memref_slice %arg9[%mul3A_83, %dma_wait3A_158] : memref<40x128xi32, #tpu.memory_space<vmem>> -> memref<1x128xi32, #tpu.memory_space<vmem>>
      %dma_wait3A_160 = tpu.memref_squeeze %dma_wait3A_159 : memref<1x128xi32, #tpu.memory_space<vmem>> -> memref<128xi32, #tpu.memory_space<vmem>>
      %dma_wait3A_161 = arith.constant 0 : i32
      %dma_wait3A_162 = arith.constant 0 : i32
      %dma_wait3A_163 = tpu.memref_slice %arg7[%dma_wait3A_161, %dma_wait3A_162] : memref<10112x128xf32, #tpu.memory_space<vmem_shared>> -> memref<10112x128xf32, #tpu.memory_space<vmem_shared>>
      tpu.wait_indirect_dma semaphore(%arg12 : memref<!tpu.dma_semaphore, #tpu.memory_space<semaphore_mem>>) src(%dma_wait3A_157 : memref<128x128xf32, #tpu.memory_space<vmem>>) dst(%dma_wait3A_163 : memref<10112x128xf32, #tpu.memory_space<vmem_shared>>)
      %add3A_164 = arith.constant 1 : i32
      %add3A_165 = arith.addi %scan3A_81, %add3A_164 : i32
      %lt3A = arith.constant 20 : i32
      %lt3A_166 = arith.cmpi slt, %add3A_165, %lt3A : i32
      %convert_element_type3A_167 = arith.extui %lt3A_166 : i1 to i32
      %cond3A_168 = arith.constant 0 : i32
      %cond3A_169 = arith.cmpi ne, %convert_element_type3A_167, %cond3A_168 : i32
      scf.if %cond3A_169 {
        %add3A_170 = arith.constant 2 : i32
        %add3A_171 = arith.addi %mul3A_83, %add3A_170 : i32
        %dma_start3A_172 = arith.constant 0 : i32
        %dma_start3A_173 = arith.constant 0 : i32
        %dma_start3A_174 = arith.constant 0 : i32
        %dma_start3A_175 = tpu.memref_slice %arg10[%dma_start3A_172, %dma_start3A_173, %dma_start3A_174] : memref<2x128x128xf32, #tpu.memory_space<vmem>> -> memref<1x128x128xf32, #tpu.memory_space<vmem>>
        %dma_start3A_176 = tpu.memref_squeeze %dma_start3A_175 : memref<1x128x128xf32, #tpu.memory_space<vmem>> -> memref<128x128xf32, #tpu.memory_space<vmem>>
        %dma_start3A_177 = arith.constant 0 : i32
        %dma_start3A_178 = tpu.memref_slice %arg8[%add3A_171, %dma_start3A_177] : memref<40x128xi32, #tpu.memory_space<vmem>> -> memref<1x128xi32, #tpu.memory_space<vmem>>
        %dma_start3A_179 = tpu.memref_squeeze %dma_start3A_178 : memref<1x128xi32, #tpu.memory_space<vmem>> -> memref<128xi32, #tpu.memory_space<vmem>>
        %dma_start3A_180 = arith.constant 0 : i32
        %dma_start3A_181 = arith.constant 0 : i32
        %dma_start3A_182 = tpu.memref_slice %arg2[%dma_start3A_180, %dma_start3A_181] : memref<10000x128xf32, #tpu.memory_space<hbm>> -> memref<10000x128xf32, #tpu.memory_space<hbm>>
        tpu.enqueue_indirect_dma source(%dma_start3A_182 : memref<10000x128xf32, #tpu.memory_space<hbm>>) target(%dma_start3A_176 : memref<128x128xf32, #tpu.memory_space<vmem>>) offsets(%dma_start3A_179 : memref<128xi32, #tpu.memory_space<vmem>>) semaphore(%arg11 : memref<!tpu.dma_semaphore, #tpu.memory_space<semaphore_mem>>)
      } else {
      }
    }
    %scan3A_60 = arith.constant 20 : i32
    %dma_wait3A_61 = arith.constant 1 : i32
    %dma_wait3A_62 = arith.constant 0 : i32
    %dma_wait3A_63 = arith.constant 0 : i32
    %dma_wait3A_64 = tpu.memref_slice %arg10[%dma_wait3A_61, %dma_wait3A_62, %dma_wait3A_63] : memref<2x128x128xf32, #tpu.memory_space<vmem>> -> memref<1x128x128xf32, #tpu.memory_space<vmem>>
    %dma_wait3A_65 = tpu.memref_squeeze %dma_wait3A_64 : memref<1x128x128xf32, #tpu.memory_space<vmem>> -> memref<128x128xf32, #tpu.memory_space<vmem>>
    %dma_wait3A_66 = arith.constant 0 : i32
    %dma_wait3A_67 = arith.constant 0 : i32
    %dma_wait3A_68 = tpu.memref_slice %arg7[%dma_wait3A_66, %dma_wait3A_67] : memref<10112x128xf32, #tpu.memory_space<vmem_shared>> -> memref<128x128xf32, #tpu.memory_space<vmem_shared>>
    %dma_wait3A_69 = arith.constant 0 : i32
    %dma_wait3A_70 = arith.constant 0 : i32
    %dma_wait3A_71 = tpu.memref_slice %arg7[%dma_wait3A_69, %dma_wait3A_70] : memref<10112x128xf32, #tpu.memory_space<vmem_shared>> -> memref<128x128xf32, #tpu.memory_space<vmem_shared>>
    %dma_wait3A_72 = arith.constant 0 : i32
    %dma_wait3A_73 = arith.constant 0 : i32
    %dma_wait3A_74 = tpu.memref_slice %arg10[%dma_wait3A_61, %dma_wait3A_72, %dma_wait3A_73] : memref<2x128x128xf32, #tpu.memory_space<vmem>> -> memref<1x128x128xf32, #tpu.memory_space<vmem>>
    %dma_wait3A_75 = tpu.memref_squeeze %dma_wait3A_74 : memref<1x128x128xf32, #tpu.memory_space<vmem>> -> memref<128x128xf32, #tpu.memory_space<vmem>>
    tpu.wait_dma2 semaphore(%arg13 : memref<!tpu.dma_semaphore, #tpu.memory_space<semaphore_mem>>) src(%dma_wait3A_75 : memref<128x128xf32, #tpu.memory_space<vmem>>) dst(%dma_wait3A_71 : memref<128x128xf32, #tpu.memory_space<vmem_shared>>)
    %barrier3A_76 = arith.constant 0 : index
    tpu.barrier barrier_id(%barrier3A_76)
    %mul3A_77 = arith.constant 632 : i32
    %mul3A_78 = arith.muli %arg1, %mul3A_77 : i32
    %mul3A_79 = arith.constant 632 : i32
    %mul3A_80 = arith.muli %arg1, %mul3A_79 : i32
    "tpu.region"() ({
      %run_scoped3A = tpu.sem_alloc : memref<!tpu.dma_semaphore, #tpu.memory_space<semaphore_mem>>
      %dma_start3A_81 = arith.constant 0 : i32
      %dma_start3A_82 = tpu.memref_slice %arg6[%arg0, %mul3A_80, %dma_start3A_81] : memref<2x10112x128xf32, #tpu.memory_space<hbm>> -> memref<1x632x128xf32, #tpu.memory_space<hbm>>
      %dma_start3A_83 = tpu.memref_squeeze %dma_start3A_82 : memref<1x632x128xf32, #tpu.memory_space<hbm>> -> memref<632x128xf32, #tpu.memory_space<hbm>>
      %dma_start3A_84 = arith.constant 0 : i32
      %dma_start3A_85 = tpu.memref_slice %arg7[%mul3A_78, %dma_start3A_84] : memref<10112x128xf32, #tpu.memory_space<vmem_shared>> -> memref<632x128xf32, #tpu.memory_space<vmem_shared>>
      tpu.enqueue_dma source(%dma_start3A_85 : memref<632x128xf32, #tpu.memory_space<vmem_shared>>) target(%dma_start3A_83 : memref<632x128xf32, #tpu.memory_space<hbm>>) target_semaphore(%run_scoped3A : memref<!tpu.dma_semaphore, #tpu.memory_space<semaphore_mem>>)
      %dma_wait3A_86 = arith.constant 0 : i32
      %dma_wait3A_87 = tpu.memref_slice %arg6[%arg0, %mul3A_80, %dma_wait3A_86] : memref<2x10112x128xf32, #tpu.memory_space<hbm>> -> memref<1x632x128xf32, #tpu.memory_space<hbm>>
      %dma_wait3A_88 = tpu.memref_squeeze %dma_wait3A_87 : memref<1x632x128xf32, #tpu.memory_space<hbm>> -> memref<632x128xf32, #tpu.memory_space<hbm>>
      %dma_wait3A_89 = arith.constant 0 : i32
      %dma_wait3A_90 = tpu.memref_slice %arg7[%mul3A_78, %dma_wait3A_89] : memref<10112x128xf32, #tpu.memory_space<vmem_shared>> -> memref<632x128xf32, #tpu.memory_space<vmem_shared>>
      tpu.wait_dma2 semaphore(%run_scoped3A : memref<!tpu.dma_semaphore, #tpu.memory_space<semaphore_mem>>) src(%dma_wait3A_90 : memref<632x128xf32, #tpu.memory_space<vmem_shared>>) dst(%dma_wait3A_88 : memref<632x128xf32, #tpu.memory_space<hbm>>)
      tpu.yield
    }) : () -> ()
    return
  }
}

#map = affine_map<(d0, d1) -> (0, 0)>
#map1 = affine_map<(d0, d1) -> (0, 0, 0)>
module attributes {stable_mosaic.version = 14 : i64} {
  func.func @deg_kernel(%arg0: i32, %arg1: i32, %arg2: memref<2560x128xi32, #tpu.memory_space<hbm>>, %arg3: memref<10112x128xf32, #tpu.memory_space<hbm>>, %arg4: memref<128x128xf32, #tpu.memory_space<hbm>>, %arg5: memref<2x10112x128xf32, #tpu.memory_space<hbm>>, %arg6: memref<10112x128xf32, #tpu.memory_space<vmem_shared>>, %arg7: memref<80x128xi32, #tpu.memory_space<vmem>>, %arg8: memref<128x128xf32, #tpu.memory_space<vmem>>, %arg9: memref<!tpu.dma_semaphore, #tpu.memory_space<semaphore_mem>>) attributes {dimension_semantics = [#tpu.dimension_semantics<core_parallel>, #tpu.dimension_semantics<subcore_parallel>], iteration_bounds = array<i64: 2, 16>, scalar_prefetch = 0 : i64, scratch_operands = 4 : i64, tpu.core_type = #tpu.core_type<sc_vector_subcore>, window_params = [{transform_indices = #map}, {transform_indices = #map}, {transform_indices = #map}, {transform_indices = #map1}]} {
    %mul3A = arith.constant 2 : i32
    %mul3A_0 = arith.muli %arg1, %mul3A : i32
    %add3A = arith.addi %mul3A_0, %arg0 : i32
    %mul3A_1 = arith.constant 632 : i32
    %mul3A_2 = arith.muli %arg1, %mul3A_1 : i32
    %mul3A_3 = arith.constant 632 : i32
    %mul3A_4 = arith.muli %arg1, %mul3A_3 : i32
    "tpu.region"() ({
      %run_scoped3A = tpu.sem_alloc : memref<!tpu.dma_semaphore, #tpu.memory_space<semaphore_mem>>
      %dma_start3A = arith.constant 0 : i32
      %dma_start3A_64 = tpu.memref_slice %arg6[%mul3A_4, %dma_start3A] : memref<10112x128xf32, #tpu.memory_space<vmem_shared>> -> memref<632x128xf32, #tpu.memory_space<vmem_shared>>
      %dma_start3A_65 = arith.constant 0 : i32
      %dma_start3A_66 = tpu.memref_slice %arg3[%mul3A_2, %dma_start3A_65] : memref<10112x128xf32, #tpu.memory_space<hbm>> -> memref<632x128xf32, #tpu.memory_space<hbm>>
      tpu.enqueue_dma source(%dma_start3A_66 : memref<632x128xf32, #tpu.memory_space<hbm>>) target(%dma_start3A_64 : memref<632x128xf32, #tpu.memory_space<vmem_shared>>) target_semaphore(%run_scoped3A : memref<!tpu.dma_semaphore, #tpu.memory_space<semaphore_mem>>)
      %dma_wait3A_67 = arith.constant 0 : i32
      %dma_wait3A_68 = tpu.memref_slice %arg6[%mul3A_4, %dma_wait3A_67] : memref<10112x128xf32, #tpu.memory_space<vmem_shared>> -> memref<632x128xf32, #tpu.memory_space<vmem_shared>>
      %dma_wait3A_69 = arith.constant 0 : i32
      %dma_wait3A_70 = tpu.memref_slice %arg3[%mul3A_2, %dma_wait3A_69] : memref<10112x128xf32, #tpu.memory_space<hbm>> -> memref<632x128xf32, #tpu.memory_space<hbm>>
      tpu.wait_dma2 semaphore(%run_scoped3A : memref<!tpu.dma_semaphore, #tpu.memory_space<semaphore_mem>>) src(%dma_wait3A_70 : memref<632x128xf32, #tpu.memory_space<hbm>>) dst(%dma_wait3A_68 : memref<632x128xf32, #tpu.memory_space<vmem_shared>>)
      tpu.yield
    }) : () -> ()
    "tpu.region"() ({
      %run_scoped3A = tpu.sem_alloc : memref<!tpu.dma_semaphore, #tpu.memory_space<semaphore_mem>>
      tpu.enqueue_dma source(%arg4 : memref<128x128xf32, #tpu.memory_space<hbm>>) target(%arg8 : memref<128x128xf32, #tpu.memory_space<vmem>>) target_semaphore(%run_scoped3A : memref<!tpu.dma_semaphore, #tpu.memory_space<semaphore_mem>>)
      tpu.wait_dma2 semaphore(%run_scoped3A : memref<!tpu.dma_semaphore, #tpu.memory_space<semaphore_mem>>) src(%arg4 : memref<128x128xf32, #tpu.memory_space<hbm>>) dst(%arg8 : memref<128x128xf32, #tpu.memory_space<vmem>>)
      tpu.yield
    }) : () -> ()
    %mul3A_5 = arith.constant 80 : i32
    %mul3A_6 = arith.muli %add3A, %mul3A_5 : i32
    "tpu.region"() ({
      %run_scoped3A = tpu.sem_alloc : memref<!tpu.dma_semaphore, #tpu.memory_space<semaphore_mem>>
      %dma_start3A = arith.constant 0 : i32
      %dma_start3A_64 = tpu.memref_slice %arg2[%mul3A_6, %dma_start3A] : memref<2560x128xi32, #tpu.memory_space<hbm>> -> memref<80x128xi32, #tpu.memory_space<hbm>>
      %dma_start3A_65 = arith.constant 0 : i32
      %dma_start3A_66 = tpu.memref_slice %arg2[%mul3A_6, %dma_start3A_65] : memref<2560x128xi32, #tpu.memory_space<hbm>> -> memref<80x128xi32, #tpu.memory_space<hbm>>
      tpu.enqueue_dma source(%dma_start3A_66 : memref<80x128xi32, #tpu.memory_space<hbm>>) target(%arg7 : memref<80x128xi32, #tpu.memory_space<vmem>>) target_semaphore(%run_scoped3A : memref<!tpu.dma_semaphore, #tpu.memory_space<semaphore_mem>>)
      %dma_wait3A_67 = arith.constant 0 : i32
      %dma_wait3A_68 = tpu.memref_slice %arg2[%mul3A_6, %dma_wait3A_67] : memref<2560x128xi32, #tpu.memory_space<hbm>> -> memref<80x128xi32, #tpu.memory_space<hbm>>
      %dma_wait3A_69 = arith.constant 0 : i32
      %dma_wait3A_70 = tpu.memref_slice %arg2[%mul3A_6, %dma_wait3A_69] : memref<2560x128xi32, #tpu.memory_space<hbm>> -> memref<80x128xi32, #tpu.memory_space<hbm>>
      tpu.wait_dma2 semaphore(%run_scoped3A : memref<!tpu.dma_semaphore, #tpu.memory_space<semaphore_mem>>) src(%dma_wait3A_70 : memref<80x128xi32, #tpu.memory_space<hbm>>) dst(%arg7 : memref<80x128xi32, #tpu.memory_space<vmem>>)
      tpu.yield
    }) : () -> ()
    %barrier3A = arith.constant 0 : index
    tpu.barrier barrier_id(%barrier3A)
    %scan3A = arith.constant 0 : i32
    %scan3A_7 = arith.constant 0 : i32
    %scan3A_8 = arith.constant 10 : i32
    %scan3A_9 = arith.addi %scan3A_7, %scan3A_8 : i32
    %scan3A_10 = arith.constant 1 : i32
    scf.for %scan3A_64 = %scan3A_7 to %scan3A_9 step %scan3A_10  : i32 {
      %gt3A = arith.constant 0 : i32
      %gt3A_65 = arith.cmpi sgt, %scan3A_64, %gt3A : i32
      %convert_element_type3A = arith.extui %gt3A_65 : i1 to i32
      %cond3A = arith.constant 0 : i32
      %cond3A_66 = arith.cmpi ne, %convert_element_type3A, %cond3A : i32
      scf.if %cond3A_66 {
        %dma_wait3A_146 = arith.constant 0 : i32
        %dma_wait3A_147 = arith.constant 0 : i32
        %dma_wait3A_148 = tpu.memref_slice %arg6[%dma_wait3A_146, %dma_wait3A_147] : memref<10112x128xf32, #tpu.memory_space<vmem_shared>> -> memref<128x128xf32, #tpu.memory_space<vmem_shared>>
        %dma_wait3A_149 = arith.constant 0 : i32
        %dma_wait3A_150 = arith.constant 0 : i32
        %dma_wait3A_151 = tpu.memref_slice %arg6[%dma_wait3A_149, %dma_wait3A_150] : memref<10112x128xf32, #tpu.memory_space<vmem_shared>> -> memref<128x128xf32, #tpu.memory_space<vmem_shared>>
        tpu.wait_dma2 semaphore(%arg9 : memref<!tpu.dma_semaphore, #tpu.memory_space<semaphore_mem>>) src(%arg8 : memref<128x128xf32, #tpu.memory_space<vmem>>) dst(%dma_wait3A_151 : memref<128x128xf32, #tpu.memory_space<vmem_shared>>)
        %dma_wait3A_152 = arith.constant 0 : i32
        %dma_wait3A_153 = arith.constant 0 : i32
        %dma_wait3A_154 = tpu.memref_slice %arg6[%dma_wait3A_152, %dma_wait3A_153] : memref<10112x128xf32, #tpu.memory_space<vmem_shared>> -> memref<128x128xf32, #tpu.memory_space<vmem_shared>>
        %dma_wait3A_155 = arith.constant 0 : i32
        %dma_wait3A_156 = arith.constant 0 : i32
        %dma_wait3A_157 = tpu.memref_slice %arg6[%dma_wait3A_155, %dma_wait3A_156] : memref<10112x128xf32, #tpu.memory_space<vmem_shared>> -> memref<128x128xf32, #tpu.memory_space<vmem_shared>>
        tpu.wait_dma2 semaphore(%arg9 : memref<!tpu.dma_semaphore, #tpu.memory_space<semaphore_mem>>) src(%arg8 : memref<128x128xf32, #tpu.memory_space<vmem>>) dst(%dma_wait3A_157 : memref<128x128xf32, #tpu.memory_space<vmem_shared>>)
        %dma_wait3A_158 = arith.constant 0 : i32
        %dma_wait3A_159 = arith.constant 0 : i32
        %dma_wait3A_160 = tpu.memref_slice %arg6[%dma_wait3A_158, %dma_wait3A_159] : memref<10112x128xf32, #tpu.memory_space<vmem_shared>> -> memref<128x128xf32, #tpu.memory_space<vmem_shared>>
        %dma_wait3A_161 = arith.constant 0 : i32
        %dma_wait3A_162 = arith.constant 0 : i32
        %dma_wait3A_163 = tpu.memref_slice %arg6[%dma_wait3A_161, %dma_wait3A_162] : memref<10112x128xf32, #tpu.memory_space<vmem_shared>> -> memref<128x128xf32, #tpu.memory_space<vmem_shared>>
        tpu.wait_dma2 semaphore(%arg9 : memref<!tpu.dma_semaphore, #tpu.memory_space<semaphore_mem>>) src(%arg8 : memref<128x128xf32, #tpu.memory_space<vmem>>) dst(%dma_wait3A_163 : memref<128x128xf32, #tpu.memory_space<vmem_shared>>)
        %dma_wait3A_164 = arith.constant 0 : i32
        %dma_wait3A_165 = arith.constant 0 : i32
        %dma_wait3A_166 = tpu.memref_slice %arg6[%dma_wait3A_164, %dma_wait3A_165] : memref<10112x128xf32, #tpu.memory_space<vmem_shared>> -> memref<128x128xf32, #tpu.memory_space<vmem_shared>>
        %dma_wait3A_167 = arith.constant 0 : i32
        %dma_wait3A_168 = arith.constant 0 : i32
        %dma_wait3A_169 = tpu.memref_slice %arg6[%dma_wait3A_167, %dma_wait3A_168] : memref<10112x128xf32, #tpu.memory_space<vmem_shared>> -> memref<128x128xf32, #tpu.memory_space<vmem_shared>>
        tpu.wait_dma2 semaphore(%arg9 : memref<!tpu.dma_semaphore, #tpu.memory_space<semaphore_mem>>) src(%arg8 : memref<128x128xf32, #tpu.memory_space<vmem>>) dst(%dma_wait3A_169 : memref<128x128xf32, #tpu.memory_space<vmem_shared>>)
        %dma_wait3A_170 = arith.constant 0 : i32
        %dma_wait3A_171 = arith.constant 0 : i32
        %dma_wait3A_172 = tpu.memref_slice %arg6[%dma_wait3A_170, %dma_wait3A_171] : memref<10112x128xf32, #tpu.memory_space<vmem_shared>> -> memref<128x128xf32, #tpu.memory_space<vmem_shared>>
        %dma_wait3A_173 = arith.constant 0 : i32
        %dma_wait3A_174 = arith.constant 0 : i32
        %dma_wait3A_175 = tpu.memref_slice %arg6[%dma_wait3A_173, %dma_wait3A_174] : memref<10112x128xf32, #tpu.memory_space<vmem_shared>> -> memref<128x128xf32, #tpu.memory_space<vmem_shared>>
        tpu.wait_dma2 semaphore(%arg9 : memref<!tpu.dma_semaphore, #tpu.memory_space<semaphore_mem>>) src(%arg8 : memref<128x128xf32, #tpu.memory_space<vmem>>) dst(%dma_wait3A_175 : memref<128x128xf32, #tpu.memory_space<vmem_shared>>)
        %dma_wait3A_176 = arith.constant 0 : i32
        %dma_wait3A_177 = arith.constant 0 : i32
        %dma_wait3A_178 = tpu.memref_slice %arg6[%dma_wait3A_176, %dma_wait3A_177] : memref<10112x128xf32, #tpu.memory_space<vmem_shared>> -> memref<128x128xf32, #tpu.memory_space<vmem_shared>>
        %dma_wait3A_179 = arith.constant 0 : i32
        %dma_wait3A_180 = arith.constant 0 : i32
        %dma_wait3A_181 = tpu.memref_slice %arg6[%dma_wait3A_179, %dma_wait3A_180] : memref<10112x128xf32, #tpu.memory_space<vmem_shared>> -> memref<128x128xf32, #tpu.memory_space<vmem_shared>>
        tpu.wait_dma2 semaphore(%arg9 : memref<!tpu.dma_semaphore, #tpu.memory_space<semaphore_mem>>) src(%arg8 : memref<128x128xf32, #tpu.memory_space<vmem>>) dst(%dma_wait3A_181 : memref<128x128xf32, #tpu.memory_space<vmem_shared>>)
        %dma_wait3A_182 = arith.constant 0 : i32
        %dma_wait3A_183 = arith.constant 0 : i32
        %dma_wait3A_184 = tpu.memref_slice %arg6[%dma_wait3A_182, %dma_wait3A_183] : memref<10112x128xf32, #tpu.memory_space<vmem_shared>> -> memref<128x128xf32, #tpu.memory_space<vmem_shared>>
        %dma_wait3A_185 = arith.constant 0 : i32
        %dma_wait3A_186 = arith.constant 0 : i32
        %dma_wait3A_187 = tpu.memref_slice %arg6[%dma_wait3A_185, %dma_wait3A_186] : memref<10112x128xf32, #tpu.memory_space<vmem_shared>> -> memref<128x128xf32, #tpu.memory_space<vmem_shared>>
        tpu.wait_dma2 semaphore(%arg9 : memref<!tpu.dma_semaphore, #tpu.memory_space<semaphore_mem>>) src(%arg8 : memref<128x128xf32, #tpu.memory_space<vmem>>) dst(%dma_wait3A_187 : memref<128x128xf32, #tpu.memory_space<vmem_shared>>)
        %dma_wait3A_188 = arith.constant 0 : i32
        %dma_wait3A_189 = arith.constant 0 : i32
        %dma_wait3A_190 = tpu.memref_slice %arg6[%dma_wait3A_188, %dma_wait3A_189] : memref<10112x128xf32, #tpu.memory_space<vmem_shared>> -> memref<128x128xf32, #tpu.memory_space<vmem_shared>>
        %dma_wait3A_191 = arith.constant 0 : i32
        %dma_wait3A_192 = arith.constant 0 : i32
        %dma_wait3A_193 = tpu.memref_slice %arg6[%dma_wait3A_191, %dma_wait3A_192] : memref<10112x128xf32, #tpu.memory_space<vmem_shared>> -> memref<128x128xf32, #tpu.memory_space<vmem_shared>>
        tpu.wait_dma2 semaphore(%arg9 : memref<!tpu.dma_semaphore, #tpu.memory_space<semaphore_mem>>) src(%arg8 : memref<128x128xf32, #tpu.memory_space<vmem>>) dst(%dma_wait3A_193 : memref<128x128xf32, #tpu.memory_space<vmem_shared>>)
      } else {
      }
      %mul3A_67 = arith.constant 8 : i32
      %mul3A_68 = arith.muli %scan3A_64, %mul3A_67 : i32
      %add3A_69 = arith.constant 0 : i32
      %add3A_70 = arith.addi %mul3A_68, %add3A_69 : i32
      %dma_start3A = arith.constant 0 : i32
      %dma_start3A_71 = tpu.memref_slice %arg7[%add3A_70, %dma_start3A] : memref<80x128xi32, #tpu.memory_space<vmem>> -> memref<1x128xi32, #tpu.memory_space<vmem>>
      %dma_start3A_72 = tpu.memref_squeeze %dma_start3A_71 : memref<1x128xi32, #tpu.memory_space<vmem>> -> memref<128xi32, #tpu.memory_space<vmem>>
      %dma_start3A_73 = arith.constant 0 : i32
      %dma_start3A_74 = arith.constant 0 : i32
      %dma_start3A_75 = tpu.memref_slice %arg6[%dma_start3A_73, %dma_start3A_74] : memref<10112x128xf32, #tpu.memory_space<vmem_shared>> -> memref<10112x128xf32, #tpu.memory_space<vmem_shared>>
      tpu.enqueue_indirect_dma source(%arg8 : memref<128x128xf32, #tpu.memory_space<vmem>>) target(%dma_start3A_75 : memref<10112x128xf32, #tpu.memory_space<vmem_shared>>) offsets(%dma_start3A_72 : memref<128xi32, #tpu.memory_space<vmem>>) semaphore(%arg9 : memref<!tpu.dma_semaphore, #tpu.memory_space<semaphore_mem>>) {add = true}
      %mul3A_76 = arith.constant 8 : i32
      %mul3A_77 = arith.muli %scan3A_64, %mul3A_76 : i32
      %add3A_78 = arith.constant 1 : i32
      %add3A_79 = arith.addi %mul3A_77, %add3A_78 : i32
      %dma_start3A_80 = arith.constant 0 : i32
      %dma_start3A_81 = tpu.memref_slice %arg7[%add3A_79, %dma_start3A_80] : memref<80x128xi32, #tpu.memory_space<vmem>> -> memref<1x128xi32, #tpu.memory_space<vmem>>
      %dma_start3A_82 = tpu.memref_squeeze %dma_start3A_81 : memref<1x128xi32, #tpu.memory_space<vmem>> -> memref<128xi32, #tpu.memory_space<vmem>>
      %dma_start3A_83 = arith.constant 0 : i32
      %dma_start3A_84 = arith.constant 0 : i32
      %dma_start3A_85 = tpu.memref_slice %arg6[%dma_start3A_83, %dma_start3A_84] : memref<10112x128xf32, #tpu.memory_space<vmem_shared>> -> memref<10112x128xf32, #tpu.memory_space<vmem_shared>>
      tpu.enqueue_indirect_dma source(%arg8 : memref<128x128xf32, #tpu.memory_space<vmem>>) target(%dma_start3A_85 : memref<10112x128xf32, #tpu.memory_space<vmem_shared>>) offsets(%dma_start3A_82 : memref<128xi32, #tpu.memory_space<vmem>>) semaphore(%arg9 : memref<!tpu.dma_semaphore, #tpu.memory_space<semaphore_mem>>) {add = true}
      %mul3A_86 = arith.constant 8 : i32
      %mul3A_87 = arith.muli %scan3A_64, %mul3A_86 : i32
      %add3A_88 = arith.constant 2 : i32
      %add3A_89 = arith.addi %mul3A_87, %add3A_88 : i32
      %dma_start3A_90 = arith.constant 0 : i32
      %dma_start3A_91 = tpu.memref_slice %arg7[%add3A_89, %dma_start3A_90] : memref<80x128xi32, #tpu.memory_space<vmem>> -> memref<1x128xi32, #tpu.memory_space<vmem>>
      %dma_start3A_92 = tpu.memref_squeeze %dma_start3A_91 : memref<1x128xi32, #tpu.memory_space<vmem>> -> memref<128xi32, #tpu.memory_space<vmem>>
      %dma_start3A_93 = arith.constant 0 : i32
      %dma_start3A_94 = arith.constant 0 : i32
      %dma_start3A_95 = tpu.memref_slice %arg6[%dma_start3A_93, %dma_start3A_94] : memref<10112x128xf32, #tpu.memory_space<vmem_shared>> -> memref<10112x128xf32, #tpu.memory_space<vmem_shared>>
      tpu.enqueue_indirect_dma source(%arg8 : memref<128x128xf32, #tpu.memory_space<vmem>>) target(%dma_start3A_95 : memref<10112x128xf32, #tpu.memory_space<vmem_shared>>) offsets(%dma_start3A_92 : memref<128xi32, #tpu.memory_space<vmem>>) semaphore(%arg9 : memref<!tpu.dma_semaphore, #tpu.memory_space<semaphore_mem>>) {add = true}
      %mul3A_96 = arith.constant 8 : i32
      %mul3A_97 = arith.muli %scan3A_64, %mul3A_96 : i32
      %add3A_98 = arith.constant 3 : i32
      %add3A_99 = arith.addi %mul3A_97, %add3A_98 : i32
      %dma_start3A_100 = arith.constant 0 : i32
      %dma_start3A_101 = tpu.memref_slice %arg7[%add3A_99, %dma_start3A_100] : memref<80x128xi32, #tpu.memory_space<vmem>> -> memref<1x128xi32, #tpu.memory_space<vmem>>
      %dma_start3A_102 = tpu.memref_squeeze %dma_start3A_101 : memref<1x128xi32, #tpu.memory_space<vmem>> -> memref<128xi32, #tpu.memory_space<vmem>>
      %dma_start3A_103 = arith.constant 0 : i32
      %dma_start3A_104 = arith.constant 0 : i32
      %dma_start3A_105 = tpu.memref_slice %arg6[%dma_start3A_103, %dma_start3A_104] : memref<10112x128xf32, #tpu.memory_space<vmem_shared>> -> memref<10112x128xf32, #tpu.memory_space<vmem_shared>>
      tpu.enqueue_indirect_dma source(%arg8 : memref<128x128xf32, #tpu.memory_space<vmem>>) target(%dma_start3A_105 : memref<10112x128xf32, #tpu.memory_space<vmem_shared>>) offsets(%dma_start3A_102 : memref<128xi32, #tpu.memory_space<vmem>>) semaphore(%arg9 : memref<!tpu.dma_semaphore, #tpu.memory_space<semaphore_mem>>) {add = true}
      %mul3A_106 = arith.constant 8 : i32
      %mul3A_107 = arith.muli %scan3A_64, %mul3A_106 : i32
      %add3A_108 = arith.constant 4 : i32
      %add3A_109 = arith.addi %mul3A_107, %add3A_108 : i32
      %dma_start3A_110 = arith.constant 0 : i32
      %dma_start3A_111 = tpu.memref_slice %arg7[%add3A_109, %dma_start3A_110] : memref<80x128xi32, #tpu.memory_space<vmem>> -> memref<1x128xi32, #tpu.memory_space<vmem>>
      %dma_start3A_112 = tpu.memref_squeeze %dma_start3A_111 : memref<1x128xi32, #tpu.memory_space<vmem>> -> memref<128xi32, #tpu.memory_space<vmem>>
      %dma_start3A_113 = arith.constant 0 : i32
      %dma_start3A_114 = arith.constant 0 : i32
      %dma_start3A_115 = tpu.memref_slice %arg6[%dma_start3A_113, %dma_start3A_114] : memref<10112x128xf32, #tpu.memory_space<vmem_shared>> -> memref<10112x128xf32, #tpu.memory_space<vmem_shared>>
      tpu.enqueue_indirect_dma source(%arg8 : memref<128x128xf32, #tpu.memory_space<vmem>>) target(%dma_start3A_115 : memref<10112x128xf32, #tpu.memory_space<vmem_shared>>) offsets(%dma_start3A_112 : memref<128xi32, #tpu.memory_space<vmem>>) semaphore(%arg9 : memref<!tpu.dma_semaphore, #tpu.memory_space<semaphore_mem>>) {add = true}
      %mul3A_116 = arith.constant 8 : i32
      %mul3A_117 = arith.muli %scan3A_64, %mul3A_116 : i32
      %add3A_118 = arith.constant 5 : i32
      %add3A_119 = arith.addi %mul3A_117, %add3A_118 : i32
      %dma_start3A_120 = arith.constant 0 : i32
      %dma_start3A_121 = tpu.memref_slice %arg7[%add3A_119, %dma_start3A_120] : memref<80x128xi32, #tpu.memory_space<vmem>> -> memref<1x128xi32, #tpu.memory_space<vmem>>
      %dma_start3A_122 = tpu.memref_squeeze %dma_start3A_121 : memref<1x128xi32, #tpu.memory_space<vmem>> -> memref<128xi32, #tpu.memory_space<vmem>>
      %dma_start3A_123 = arith.constant 0 : i32
      %dma_start3A_124 = arith.constant 0 : i32
      %dma_start3A_125 = tpu.memref_slice %arg6[%dma_start3A_123, %dma_start3A_124] : memref<10112x128xf32, #tpu.memory_space<vmem_shared>> -> memref<10112x128xf32, #tpu.memory_space<vmem_shared>>
      tpu.enqueue_indirect_dma source(%arg8 : memref<128x128xf32, #tpu.memory_space<vmem>>) target(%dma_start3A_125 : memref<10112x128xf32, #tpu.memory_space<vmem_shared>>) offsets(%dma_start3A_122 : memref<128xi32, #tpu.memory_space<vmem>>) semaphore(%arg9 : memref<!tpu.dma_semaphore, #tpu.memory_space<semaphore_mem>>) {add = true}
      %mul3A_126 = arith.constant 8 : i32
      %mul3A_127 = arith.muli %scan3A_64, %mul3A_126 : i32
      %add3A_128 = arith.constant 6 : i32
      %add3A_129 = arith.addi %mul3A_127, %add3A_128 : i32
      %dma_start3A_130 = arith.constant 0 : i32
      %dma_start3A_131 = tpu.memref_slice %arg7[%add3A_129, %dma_start3A_130] : memref<80x128xi32, #tpu.memory_space<vmem>> -> memref<1x128xi32, #tpu.memory_space<vmem>>
      %dma_start3A_132 = tpu.memref_squeeze %dma_start3A_131 : memref<1x128xi32, #tpu.memory_space<vmem>> -> memref<128xi32, #tpu.memory_space<vmem>>
      %dma_start3A_133 = arith.constant 0 : i32
      %dma_start3A_134 = arith.constant 0 : i32
      %dma_start3A_135 = tpu.memref_slice %arg6[%dma_start3A_133, %dma_start3A_134] : memref<10112x128xf32, #tpu.memory_space<vmem_shared>> -> memref<10112x128xf32, #tpu.memory_space<vmem_shared>>
      tpu.enqueue_indirect_dma source(%arg8 : memref<128x128xf32, #tpu.memory_space<vmem>>) target(%dma_start3A_135 : memref<10112x128xf32, #tpu.memory_space<vmem_shared>>) offsets(%dma_start3A_132 : memref<128xi32, #tpu.memory_space<vmem>>) semaphore(%arg9 : memref<!tpu.dma_semaphore, #tpu.memory_space<semaphore_mem>>) {add = true}
      %mul3A_136 = arith.constant 8 : i32
      %mul3A_137 = arith.muli %scan3A_64, %mul3A_136 : i32
      %add3A_138 = arith.constant 7 : i32
      %add3A_139 = arith.addi %mul3A_137, %add3A_138 : i32
      %dma_start3A_140 = arith.constant 0 : i32
      %dma_start3A_141 = tpu.memref_slice %arg7[%add3A_139, %dma_start3A_140] : memref<80x128xi32, #tpu.memory_space<vmem>> -> memref<1x128xi32, #tpu.memory_space<vmem>>
      %dma_start3A_142 = tpu.memref_squeeze %dma_start3A_141 : memref<1x128xi32, #tpu.memory_space<vmem>> -> memref<128xi32, #tpu.memory_space<vmem>>
      %dma_start3A_143 = arith.constant 0 : i32
      %dma_start3A_144 = arith.constant 0 : i32
      %dma_start3A_145 = tpu.memref_slice %arg6[%dma_start3A_143, %dma_start3A_144] : memref<10112x128xf32, #tpu.memory_space<vmem_shared>> -> memref<10112x128xf32, #tpu.memory_space<vmem_shared>>
      tpu.enqueue_indirect_dma source(%arg8 : memref<128x128xf32, #tpu.memory_space<vmem>>) target(%dma_start3A_145 : memref<10112x128xf32, #tpu.memory_space<vmem_shared>>) offsets(%dma_start3A_142 : memref<128xi32, #tpu.memory_space<vmem>>) semaphore(%arg9 : memref<!tpu.dma_semaphore, #tpu.memory_space<semaphore_mem>>) {add = true}
    }
    %scan3A_11 = arith.constant 10 : i32
    %dma_wait3A = arith.constant 0 : i32
    %dma_wait3A_12 = arith.constant 0 : i32
    %dma_wait3A_13 = tpu.memref_slice %arg6[%dma_wait3A, %dma_wait3A_12] : memref<10112x128xf32, #tpu.memory_space<vmem_shared>> -> memref<128x128xf32, #tpu.memory_space<vmem_shared>>
    %dma_wait3A_14 = arith.constant 0 : i32
    %dma_wait3A_15 = arith.constant 0 : i32
    %dma_wait3A_16 = tpu.memref_slice %arg6[%dma_wait3A_14, %dma_wait3A_15] : memref<10112x128xf32, #tpu.memory_space<vmem_shared>> -> memref<128x128xf32, #tpu.memory_space<vmem_shared>>
    tpu.wait_dma2 semaphore(%arg9 : memref<!tpu.dma_semaphore, #tpu.memory_space<semaphore_mem>>) src(%arg8 : memref<128x128xf32, #tpu.memory_space<vmem>>) dst(%dma_wait3A_16 : memref<128x128xf32, #tpu.memory_space<vmem_shared>>)
    %dma_wait3A_17 = arith.constant 0 : i32
    %dma_wait3A_18 = arith.constant 0 : i32
    %dma_wait3A_19 = tpu.memref_slice %arg6[%dma_wait3A_17, %dma_wait3A_18] : memref<10112x128xf32, #tpu.memory_space<vmem_shared>> -> memref<128x128xf32, #tpu.memory_space<vmem_shared>>
    %dma_wait3A_20 = arith.constant 0 : i32
    %dma_wait3A_21 = arith.constant 0 : i32
    %dma_wait3A_22 = tpu.memref_slice %arg6[%dma_wait3A_20, %dma_wait3A_21] : memref<10112x128xf32, #tpu.memory_space<vmem_shared>> -> memref<128x128xf32, #tpu.memory_space<vmem_shared>>
    tpu.wait_dma2 semaphore(%arg9 : memref<!tpu.dma_semaphore, #tpu.memory_space<semaphore_mem>>) src(%arg8 : memref<128x128xf32, #tpu.memory_space<vmem>>) dst(%dma_wait3A_22 : memref<128x128xf32, #tpu.memory_space<vmem_shared>>)
    %dma_wait3A_23 = arith.constant 0 : i32
    %dma_wait3A_24 = arith.constant 0 : i32
    %dma_wait3A_25 = tpu.memref_slice %arg6[%dma_wait3A_23, %dma_wait3A_24] : memref<10112x128xf32, #tpu.memory_space<vmem_shared>> -> memref<128x128xf32, #tpu.memory_space<vmem_shared>>
    %dma_wait3A_26 = arith.constant 0 : i32
    %dma_wait3A_27 = arith.constant 0 : i32
    %dma_wait3A_28 = tpu.memref_slice %arg6[%dma_wait3A_26, %dma_wait3A_27] : memref<10112x128xf32, #tpu.memory_space<vmem_shared>> -> memref<128x128xf32, #tpu.memory_space<vmem_shared>>
    tpu.wait_dma2 semaphore(%arg9 : memref<!tpu.dma_semaphore, #tpu.memory_space<semaphore_mem>>) src(%arg8 : memref<128x128xf32, #tpu.memory_space<vmem>>) dst(%dma_wait3A_28 : memref<128x128xf32, #tpu.memory_space<vmem_shared>>)
    %dma_wait3A_29 = arith.constant 0 : i32
    %dma_wait3A_30 = arith.constant 0 : i32
    %dma_wait3A_31 = tpu.memref_slice %arg6[%dma_wait3A_29, %dma_wait3A_30] : memref<10112x128xf32, #tpu.memory_space<vmem_shared>> -> memref<128x128xf32, #tpu.memory_space<vmem_shared>>
    %dma_wait3A_32 = arith.constant 0 : i32
    %dma_wait3A_33 = arith.constant 0 : i32
    %dma_wait3A_34 = tpu.memref_slice %arg6[%dma_wait3A_32, %dma_wait3A_33] : memref<10112x128xf32, #tpu.memory_space<vmem_shared>> -> memref<128x128xf32, #tpu.memory_space<vmem_shared>>
    tpu.wait_dma2 semaphore(%arg9 : memref<!tpu.dma_semaphore, #tpu.memory_space<semaphore_mem>>) src(%arg8 : memref<128x128xf32, #tpu.memory_space<vmem>>) dst(%dma_wait3A_34 : memref<128x128xf32, #tpu.memory_space<vmem_shared>>)
    %dma_wait3A_35 = arith.constant 0 : i32
    %dma_wait3A_36 = arith.constant 0 : i32
    %dma_wait3A_37 = tpu.memref_slice %arg6[%dma_wait3A_35, %dma_wait3A_36] : memref<10112x128xf32, #tpu.memory_space<vmem_shared>> -> memref<128x128xf32, #tpu.memory_space<vmem_shared>>
    %dma_wait3A_38 = arith.constant 0 : i32
    %dma_wait3A_39 = arith.constant 0 : i32
    %dma_wait3A_40 = tpu.memref_slice %arg6[%dma_wait3A_38, %dma_wait3A_39] : memref<10112x128xf32, #tpu.memory_space<vmem_shared>> -> memref<128x128xf32, #tpu.memory_space<vmem_shared>>
    tpu.wait_dma2 semaphore(%arg9 : memref<!tpu.dma_semaphore, #tpu.memory_space<semaphore_mem>>) src(%arg8 : memref<128x128xf32, #tpu.memory_space<vmem>>) dst(%dma_wait3A_40 : memref<128x128xf32, #tpu.memory_space<vmem_shared>>)
    %dma_wait3A_41 = arith.constant 0 : i32
    %dma_wait3A_42 = arith.constant 0 : i32
    %dma_wait3A_43 = tpu.memref_slice %arg6[%dma_wait3A_41, %dma_wait3A_42] : memref<10112x128xf32, #tpu.memory_space<vmem_shared>> -> memref<128x128xf32, #tpu.memory_space<vmem_shared>>
    %dma_wait3A_44 = arith.constant 0 : i32
    %dma_wait3A_45 = arith.constant 0 : i32
    %dma_wait3A_46 = tpu.memref_slice %arg6[%dma_wait3A_44, %dma_wait3A_45] : memref<10112x128xf32, #tpu.memory_space<vmem_shared>> -> memref<128x128xf32, #tpu.memory_space<vmem_shared>>
    tpu.wait_dma2 semaphore(%arg9 : memref<!tpu.dma_semaphore, #tpu.memory_space<semaphore_mem>>) src(%arg8 : memref<128x128xf32, #tpu.memory_space<vmem>>) dst(%dma_wait3A_46 : memref<128x128xf32, #tpu.memory_space<vmem_shared>>)
    %dma_wait3A_47 = arith.constant 0 : i32
    %dma_wait3A_48 = arith.constant 0 : i32
    %dma_wait3A_49 = tpu.memref_slice %arg6[%dma_wait3A_47, %dma_wait3A_48] : memref<10112x128xf32, #tpu.memory_space<vmem_shared>> -> memref<128x128xf32, #tpu.memory_space<vmem_shared>>
    %dma_wait3A_50 = arith.constant 0 : i32
    %dma_wait3A_51 = arith.constant 0 : i32
    %dma_wait3A_52 = tpu.memref_slice %arg6[%dma_wait3A_50, %dma_wait3A_51] : memref<10112x128xf32, #tpu.memory_space<vmem_shared>> -> memref<128x128xf32, #tpu.memory_space<vmem_shared>>
    tpu.wait_dma2 semaphore(%arg9 : memref<!tpu.dma_semaphore, #tpu.memory_space<semaphore_mem>>) src(%arg8 : memref<128x128xf32, #tpu.memory_space<vmem>>) dst(%dma_wait3A_52 : memref<128x128xf32, #tpu.memory_space<vmem_shared>>)
    %dma_wait3A_53 = arith.constant 0 : i32
    %dma_wait3A_54 = arith.constant 0 : i32
    %dma_wait3A_55 = tpu.memref_slice %arg6[%dma_wait3A_53, %dma_wait3A_54] : memref<10112x128xf32, #tpu.memory_space<vmem_shared>> -> memref<128x128xf32, #tpu.memory_space<vmem_shared>>
    %dma_wait3A_56 = arith.constant 0 : i32
    %dma_wait3A_57 = arith.constant 0 : i32
    %dma_wait3A_58 = tpu.memref_slice %arg6[%dma_wait3A_56, %dma_wait3A_57] : memref<10112x128xf32, #tpu.memory_space<vmem_shared>> -> memref<128x128xf32, #tpu.memory_space<vmem_shared>>
    tpu.wait_dma2 semaphore(%arg9 : memref<!tpu.dma_semaphore, #tpu.memory_space<semaphore_mem>>) src(%arg8 : memref<128x128xf32, #tpu.memory_space<vmem>>) dst(%dma_wait3A_58 : memref<128x128xf32, #tpu.memory_space<vmem_shared>>)
    %barrier3A_59 = arith.constant 0 : index
    tpu.barrier barrier_id(%barrier3A_59)
    %mul3A_60 = arith.constant 632 : i32
    %mul3A_61 = arith.muli %arg1, %mul3A_60 : i32
    %mul3A_62 = arith.constant 632 : i32
    %mul3A_63 = arith.muli %arg1, %mul3A_62 : i32
    "tpu.region"() ({
      %run_scoped3A = tpu.sem_alloc : memref<!tpu.dma_semaphore, #tpu.memory_space<semaphore_mem>>
      %dma_start3A = arith.constant 0 : i32
      %dma_start3A_64 = tpu.memref_slice %arg5[%arg0, %mul3A_63, %dma_start3A] : memref<2x10112x128xf32, #tpu.memory_space<hbm>> -> memref<1x632x128xf32, #tpu.memory_space<hbm>>
      %dma_start3A_65 = tpu.memref_squeeze %dma_start3A_64 : memref<1x632x128xf32, #tpu.memory_space<hbm>> -> memref<632x128xf32, #tpu.memory_space<hbm>>
      %dma_start3A_66 = arith.constant 0 : i32
      %dma_start3A_67 = tpu.memref_slice %arg6[%mul3A_61, %dma_start3A_66] : memref<10112x128xf32, #tpu.memory_space<vmem_shared>> -> memref<632x128xf32, #tpu.memory_space<vmem_shared>>
      tpu.enqueue_dma source(%dma_start3A_67 : memref<632x128xf32, #tpu.memory_space<vmem_shared>>) target(%dma_start3A_65 : memref<632x128xf32, #tpu.memory_space<hbm>>) target_semaphore(%run_scoped3A : memref<!tpu.dma_semaphore, #tpu.memory_space<semaphore_mem>>)
      %dma_wait3A_68 = arith.constant 0 : i32
      %dma_wait3A_69 = tpu.memref_slice %arg5[%arg0, %mul3A_63, %dma_wait3A_68] : memref<2x10112x128xf32, #tpu.memory_space<hbm>> -> memref<1x632x128xf32, #tpu.memory_space<hbm>>
      %dma_wait3A_70 = tpu.memref_squeeze %dma_wait3A_69 : memref<1x632x128xf32, #tpu.memory_space<hbm>> -> memref<632x128xf32, #tpu.memory_space<hbm>>
      %dma_wait3A_71 = arith.constant 0 : i32
      %dma_wait3A_72 = tpu.memref_slice %arg6[%mul3A_61, %dma_wait3A_71] : memref<10112x128xf32, #tpu.memory_space<vmem_shared>> -> memref<632x128xf32, #tpu.memory_space<vmem_shared>>
      tpu.wait_dma2 semaphore(%run_scoped3A : memref<!tpu.dma_semaphore, #tpu.memory_space<semaphore_mem>>) src(%dma_wait3A_72 : memref<632x128xf32, #tpu.memory_space<vmem_shared>>) dst(%dma_wait3A_70 : memref<632x128xf32, #tpu.memory_space<hbm>>)
      tpu.yield
    }) : () -> ()
    return
  }
}

#map = affine_map<(d0, d1) -> (0, 0)>
#map1 = affine_map<(d0, d1) -> (0, 0, 0)>
module attributes {stable_mosaic.version = 14 : i64} {
  func.func @scat_kernel(%arg0: i32, %arg1: i32, %arg2: memref<10000x128xf32, #tpu.memory_space<hbm>>, %arg3: memref<2560x128xi32, #tpu.memory_space<hbm>>, %arg4: memref<2560x128xi32, #tpu.memory_space<hbm>>, %arg5: memref<10112x128xf32, #tpu.memory_space<hbm>>, %arg6: memref<2x10112x128xf32, #tpu.memory_space<hbm>>, %arg7: memref<10112x128xf32, #tpu.memory_space<vmem_shared>>, %arg8: memref<40x128xi32, #tpu.memory_space<vmem>>, %arg9: memref<40x128xi32, #tpu.memory_space<vmem>>, %arg10: memref<2x128x128xf32, #tpu.memory_space<vmem>>, %arg11: memref<!tpu.dma_semaphore, #tpu.memory_space<semaphore_mem>>, %arg12: memref<!tpu.dma_semaphore, #tpu.memory_space<semaphore_mem>>, %arg13: memref<!tpu.dma_semaphore, #tpu.memory_space<semaphore_mem>>) attributes {dimension_semantics = [#tpu.dimension_semantics<core_parallel>, #tpu.dimension_semantics<subcore_parallel>], iteration_bounds = array<i64: 2, 16>, scalar_prefetch = 0 : i64, scratch_operands = 7 : i64, tpu.core_type = #tpu.core_type<sc_vector_subcore>, window_params = [{transform_indices = #map}, {transform_indices = #map}, {transform_indices = #map}, {transform_indices = #map}, {transform_indices = #map1}]} {
    %mul3A = arith.constant 2 : i32
    %mul3A_0 = arith.muli %arg1, %mul3A : i32
    %add3A = arith.addi %mul3A_0, %arg0 : i32
    %mul3A_1 = arith.constant 632 : i32
    %mul3A_2 = arith.muli %arg1, %mul3A_1 : i32
    %mul3A_3 = arith.constant 632 : i32
    %mul3A_4 = arith.muli %arg1, %mul3A_3 : i32
    "tpu.region"() ({
      %run_scoped3A = tpu.sem_alloc : memref<!tpu.dma_semaphore, #tpu.memory_space<semaphore_mem>>
      %dma_start3A_81 = arith.constant 0 : i32
      %dma_start3A_82 = tpu.memref_slice %arg7[%mul3A_4, %dma_start3A_81] : memref<10112x128xf32, #tpu.memory_space<vmem_shared>> -> memref<632x128xf32, #tpu.memory_space<vmem_shared>>
      %dma_start3A_83 = arith.constant 0 : i32
      %dma_start3A_84 = tpu.memref_slice %arg5[%mul3A_2, %dma_start3A_83] : memref<10112x128xf32, #tpu.memory_space<hbm>> -> memref<632x128xf32, #tpu.memory_space<hbm>>
      tpu.enqueue_dma source(%dma_start3A_84 : memref<632x128xf32, #tpu.memory_space<hbm>>) target(%dma_start3A_82 : memref<632x128xf32, #tpu.memory_space<vmem_shared>>) target_semaphore(%run_scoped3A : memref<!tpu.dma_semaphore, #tpu.memory_space<semaphore_mem>>)
      %dma_wait3A_85 = arith.constant 0 : i32
      %dma_wait3A_86 = tpu.memref_slice %arg7[%mul3A_4, %dma_wait3A_85] : memref<10112x128xf32, #tpu.memory_space<vmem_shared>> -> memref<632x128xf32, #tpu.memory_space<vmem_shared>>
      %dma_wait3A_87 = arith.constant 0 : i32
      %dma_wait3A_88 = tpu.memref_slice %arg5[%mul3A_2, %dma_wait3A_87] : memref<10112x128xf32, #tpu.memory_space<hbm>> -> memref<632x128xf32, #tpu.memory_space<hbm>>
      tpu.wait_dma2 semaphore(%run_scoped3A : memref<!tpu.dma_semaphore, #tpu.memory_space<semaphore_mem>>) src(%dma_wait3A_88 : memref<632x128xf32, #tpu.memory_space<hbm>>) dst(%dma_wait3A_86 : memref<632x128xf32, #tpu.memory_space<vmem_shared>>)
      tpu.yield
    }) : () -> ()
    %mul3A_5 = arith.constant 80 : i32
    %mul3A_6 = arith.muli %add3A, %mul3A_5 : i32
    %add3A_7 = arith.constant 0 : i32
    %add3A_8 = arith.addi %mul3A_6, %add3A_7 : i32
    "tpu.region"() ({
      %run_scoped3A = tpu.sem_alloc : memref<!tpu.dma_semaphore, #tpu.memory_space<semaphore_mem>>
      %dma_start3A_81 = arith.constant 0 : i32
      %dma_start3A_82 = tpu.memref_slice %arg3[%add3A_8, %dma_start3A_81] : memref<2560x128xi32, #tpu.memory_space<hbm>> -> memref<40x128xi32, #tpu.memory_space<hbm>>
      %dma_start3A_83 = arith.constant 0 : i32
      %dma_start3A_84 = tpu.memref_slice %arg3[%add3A_8, %dma_start3A_83] : memref<2560x128xi32, #tpu.memory_space<hbm>> -> memref<40x128xi32, #tpu.memory_space<hbm>>
      tpu.enqueue_dma source(%dma_start3A_84 : memref<40x128xi32, #tpu.memory_space<hbm>>) target(%arg8 : memref<40x128xi32, #tpu.memory_space<vmem>>) target_semaphore(%run_scoped3A : memref<!tpu.dma_semaphore, #tpu.memory_space<semaphore_mem>>)
      %dma_wait3A_85 = arith.constant 0 : i32
      %dma_wait3A_86 = tpu.memref_slice %arg3[%add3A_8, %dma_wait3A_85] : memref<2560x128xi32, #tpu.memory_space<hbm>> -> memref<40x128xi32, #tpu.memory_space<hbm>>
      %dma_wait3A_87 = arith.constant 0 : i32
      %dma_wait3A_88 = tpu.memref_slice %arg3[%add3A_8, %dma_wait3A_87] : memref<2560x128xi32, #tpu.memory_space<hbm>> -> memref<40x128xi32, #tpu.memory_space<hbm>>
      tpu.wait_dma2 semaphore(%run_scoped3A : memref<!tpu.dma_semaphore, #tpu.memory_space<semaphore_mem>>) src(%dma_wait3A_88 : memref<40x128xi32, #tpu.memory_space<hbm>>) dst(%arg8 : memref<40x128xi32, #tpu.memory_space<vmem>>)
      tpu.yield
    }) : () -> ()
    "tpu.region"() ({
      %run_scoped3A = tpu.sem_alloc : memref<!tpu.dma_semaphore, #tpu.memory_space<semaphore_mem>>
      %dma_start3A_81 = arith.constant 0 : i32
      %dma_start3A_82 = tpu.memref_slice %arg4[%add3A_8, %dma_start3A_81] : memref<2560x128xi32, #tpu.memory_space<hbm>> -> memref<40x128xi32, #tpu.memory_space<hbm>>
      %dma_start3A_83 = arith.constant 0 : i32
      %dma_start3A_84 = tpu.memref_slice %arg4[%add3A_8, %dma_start3A_83] : memref<2560x128xi32, #tpu.memory_space<hbm>> -> memref<40x128xi32, #tpu.memory_space<hbm>>
      tpu.enqueue_dma source(%dma_start3A_84 : memref<40x128xi32, #tpu.memory_space<hbm>>) target(%arg9 : memref<40x128xi32, #tpu.memory_space<vmem>>) target_semaphore(%run_scoped3A : memref<!tpu.dma_semaphore, #tpu.memory_space<semaphore_mem>>)
      %dma_wait3A_85 = arith.constant 0 : i32
      %dma_wait3A_86 = tpu.memref_slice %arg4[%add3A_8, %dma_wait3A_85] : memref<2560x128xi32, #tpu.memory_space<hbm>> -> memref<40x128xi32, #tpu.memory_space<hbm>>
      %dma_wait3A_87 = arith.constant 0 : i32
      %dma_wait3A_88 = tpu.memref_slice %arg4[%add3A_8, %dma_wait3A_87] : memref<2560x128xi32, #tpu.memory_space<hbm>> -> memref<40x128xi32, #tpu.memory_space<hbm>>
      tpu.wait_dma2 semaphore(%run_scoped3A : memref<!tpu.dma_semaphore, #tpu.memory_space<semaphore_mem>>) src(%dma_wait3A_88 : memref<40x128xi32, #tpu.memory_space<hbm>>) dst(%arg9 : memref<40x128xi32, #tpu.memory_space<vmem>>)
      tpu.yield
    }) : () -> ()
    %dma_start3A = arith.constant 0 : i32
    %dma_start3A_9 = arith.constant 0 : i32
    %dma_start3A_10 = arith.constant 0 : i32
    %dma_start3A_11 = arith.constant 0 : i32
    %dma_start3A_12 = tpu.memref_slice %arg10[%dma_start3A_9, %dma_start3A_10, %dma_start3A_11] : memref<2x128x128xf32, #tpu.memory_space<vmem>> -> memref<1x128x128xf32, #tpu.memory_space<vmem>>
    %dma_start3A_13 = tpu.memref_squeeze %dma_start3A_12 : memref<1x128x128xf32, #tpu.memory_space<vmem>> -> memref<128x128xf32, #tpu.memory_space<vmem>>
    %dma_start3A_14 = arith.constant 0 : i32
    %dma_start3A_15 = tpu.memref_slice %arg8[%dma_start3A, %dma_start3A_14] : memref<40x128xi32, #tpu.memory_space<vmem>> -> memref<1x128xi32, #tpu.memory_space<vmem>>
    %dma_start3A_16 = tpu.memref_squeeze %dma_start3A_15 : memref<1x128xi32, #tpu.memory_space<vmem>> -> memref<128xi32, #tpu.memory_space<vmem>>
    %dma_start3A_17 = arith.constant 0 : i32
    %dma_start3A_18 = arith.constant 0 : i32
    %dma_start3A_19 = tpu.memref_slice %arg2[%dma_start3A_17, %dma_start3A_18] : memref<10000x128xf32, #tpu.memory_space<hbm>> -> memref<10000x128xf32, #tpu.memory_space<hbm>>
    tpu.enqueue_indirect_dma source(%dma_start3A_19 : memref<10000x128xf32, #tpu.memory_space<hbm>>) target(%dma_start3A_13 : memref<128x128xf32, #tpu.memory_space<vmem>>) offsets(%dma_start3A_16 : memref<128xi32, #tpu.memory_space<vmem>>) semaphore(%arg11 : memref<!tpu.dma_semaphore, #tpu.memory_space<semaphore_mem>>)
    %barrier3A = arith.constant 0 : index
    tpu.barrier barrier_id(%barrier3A)
    %scan3A = arith.constant 0 : i32
    %scan3A_20 = arith.constant 0 : i32
    %scan3A_21 = arith.constant 20 : i32
    %scan3A_22 = arith.addi %scan3A_20, %scan3A_21 : i32
    %scan3A_23 = arith.constant 1 : i32
    scf.for %scan3A_81 = %scan3A_20 to %scan3A_22 step %scan3A_23  : i32 {
      %mul3A_82 = arith.constant 2 : i32
      %mul3A_83 = arith.muli %mul3A_82, %scan3A_81 : i32
      %mul3A_84 = arith.constant 2 : i32
      %mul3A_85 = arith.muli %mul3A_84, %scan3A_81 : i32
      %add3A_86 = arith.constant 1 : i32
      %add3A_87 = arith.addi %mul3A_85, %add3A_86 : i32
      %dma_wait3A_88 = arith.constant 0 : i32
      %dma_wait3A_89 = arith.constant 0 : i32
      %dma_wait3A_90 = arith.constant 0 : i32
      %dma_wait3A_91 = tpu.memref_slice %arg10[%dma_wait3A_88, %dma_wait3A_89, %dma_wait3A_90] : memref<2x128x128xf32, #tpu.memory_space<vmem>> -> memref<1x128x128xf32, #tpu.memory_space<vmem>>
      %dma_wait3A_92 = tpu.memref_squeeze %dma_wait3A_91 : memref<1x128x128xf32, #tpu.memory_space<vmem>> -> memref<128x128xf32, #tpu.memory_space<vmem>>
      %dma_wait3A_93 = arith.constant 0 : i32
      %dma_wait3A_94 = arith.constant 0 : i32
      %dma_wait3A_95 = tpu.memref_slice %arg2[%dma_wait3A_93, %dma_wait3A_94] : memref<10000x128xf32, #tpu.memory_space<hbm>> -> memref<128x128xf32, #tpu.memory_space<hbm>>
      %dma_wait3A_96 = arith.constant 0 : i32
      %dma_wait3A_97 = arith.constant 0 : i32
      %dma_wait3A_98 = tpu.memref_slice %arg10[%dma_wait3A_88, %dma_wait3A_96, %dma_wait3A_97] : memref<2x128x128xf32, #tpu.memory_space<vmem>> -> memref<1x128x128xf32, #tpu.memory_space<vmem>>
      %dma_wait3A_99 = tpu.memref_squeeze %dma_wait3A_98 : memref<1x128x128xf32, #tpu.memory_space<vmem>> -> memref<128x128xf32, #tpu.memory_space<vmem>>
      %dma_wait3A_100 = arith.constant 0 : i32
      %dma_wait3A_101 = arith.constant 0 : i32
      %dma_wait3A_102 = tpu.memref_slice %arg2[%dma_wait3A_100, %dma_wait3A_101] : memref<10000x128xf32, #tpu.memory_space<hbm>> -> memref<128x128xf32, #tpu.memory_space<hbm>>
      tpu.wait_dma2 semaphore(%arg11 : memref<!tpu.dma_semaphore, #tpu.memory_space<semaphore_mem>>) src(%dma_wait3A_102 : memref<128x128xf32, #tpu.memory_space<hbm>>) dst(%dma_wait3A_99 : memref<128x128xf32, #tpu.memory_space<vmem>>)
      %dma_start3A_103 = arith.constant 0 : i32
      %dma_start3A_104 = arith.constant 0 : i32
      %dma_start3A_105 = arith.constant 0 : i32
      %dma_start3A_106 = tpu.memref_slice %arg10[%dma_start3A_103, %dma_start3A_104, %dma_start3A_105] : memref<2x128x128xf32, #tpu.memory_space<vmem>> -> memref<1x128x128xf32, #tpu.memory_space<vmem>>
      %dma_start3A_107 = tpu.memref_squeeze %dma_start3A_106 : memref<1x128x128xf32, #tpu.memory_space<vmem>> -> memref<128x128xf32, #tpu.memory_space<vmem>>
      %dma_start3A_108 = arith.constant 0 : i32
      %dma_start3A_109 = tpu.memref_slice %arg9[%mul3A_83, %dma_start3A_108] : memref<40x128xi32, #tpu.memory_space<vmem>> -> memref<1x128xi32, #tpu.memory_space<vmem>>
      %dma_start3A_110 = tpu.memref_squeeze %dma_start3A_109 : memref<1x128xi32, #tpu.memory_space<vmem>> -> memref<128xi32, #tpu.memory_space<vmem>>
      %dma_start3A_111 = arith.constant 0 : i32
      %dma_start3A_112 = arith.constant 0 : i32
      %dma_start3A_113 = tpu.memref_slice %arg7[%dma_start3A_111, %dma_start3A_112] : memref<10112x128xf32, #tpu.memory_space<vmem_shared>> -> memref<10112x128xf32, #tpu.memory_space<vmem_shared>>
      tpu.enqueue_indirect_dma source(%dma_start3A_107 : memref<128x128xf32, #tpu.memory_space<vmem>>) target(%dma_start3A_113 : memref<10112x128xf32, #tpu.memory_space<vmem_shared>>) offsets(%dma_start3A_110 : memref<128xi32, #tpu.memory_space<vmem>>) semaphore(%arg12 : memref<!tpu.dma_semaphore, #tpu.memory_space<semaphore_mem>>) {add = true}
      %gt3A = arith.constant 0 : i32
      %gt3A_114 = arith.cmpi sgt, %scan3A_81, %gt3A : i32
      %convert_element_type3A = arith.extui %gt3A_114 : i1 to i32
      %cond3A = arith.constant 0 : i32
      %cond3A_115 = arith.cmpi ne, %convert_element_type3A, %cond3A : i32
      scf.if %cond3A_115 {
        %sub3A = arith.constant 2 : i32
        %sub3A_170 = arith.subi %add3A_87, %sub3A : i32
        %dma_wait3A_171 = arith.constant 1 : i32
        %dma_wait3A_172 = arith.constant 0 : i32
        %dma_wait3A_173 = arith.constant 0 : i32
        %dma_wait3A_174 = tpu.memref_slice %arg10[%dma_wait3A_171, %dma_wait3A_172, %dma_wait3A_173] : memref<2x128x128xf32, #tpu.memory_space<vmem>> -> memref<1x128x128xf32, #tpu.memory_space<vmem>>
        %dma_wait3A_175 = tpu.memref_squeeze %dma_wait3A_174 : memref<1x128x128xf32, #tpu.memory_space<vmem>> -> memref<128x128xf32, #tpu.memory_space<vmem>>
        %dma_wait3A_176 = arith.constant 0 : i32
        %dma_wait3A_177 = arith.constant 0 : i32
        %dma_wait3A_178 = tpu.memref_slice %arg7[%dma_wait3A_176, %dma_wait3A_177] : memref<10112x128xf32, #tpu.memory_space<vmem_shared>> -> memref<128x128xf32, #tpu.memory_space<vmem_shared>>
        %dma_wait3A_179 = arith.constant 0 : i32
        %dma_wait3A_180 = arith.constant 0 : i32
        %dma_wait3A_181 = tpu.memref_slice %arg7[%dma_wait3A_179, %dma_wait3A_180] : memref<10112x128xf32, #tpu.memory_space<vmem_shared>> -> memref<128x128xf32, #tpu.memory_space<vmem_shared>>
        %dma_wait3A_182 = arith.constant 0 : i32
        %dma_wait3A_183 = arith.constant 0 : i32
        %dma_wait3A_184 = tpu.memref_slice %arg10[%dma_wait3A_171, %dma_wait3A_182, %dma_wait3A_183] : memref<2x128x128xf32, #tpu.memory_space<vmem>> -> memref<1x128x128xf32, #tpu.memory_space<vmem>>
        %dma_wait3A_185 = tpu.memref_squeeze %dma_wait3A_184 : memref<1x128x128xf32, #tpu.memory_space<vmem>> -> memref<128x128xf32, #tpu.memory_space<vmem>>
        tpu.wait_dma2 semaphore(%arg13 : memref<!tpu.dma_semaphore, #tpu.memory_space<semaphore_mem>>) src(%dma_wait3A_185 : memref<128x128xf32, #tpu.memory_space<vmem>>) dst(%dma_wait3A_181 : memref<128x128xf32, #tpu.memory_space<vmem_shared>>)
      } else {
      }
      %dma_start3A_116 = arith.constant 1 : i32
      %dma_start3A_117 = arith.constant 0 : i32
      %dma_start3A_118 = arith.constant 0 : i32
      %dma_start3A_119 = tpu.memref_slice %arg10[%dma_start3A_116, %dma_start3A_117, %dma_start3A_118] : memref<2x128x128xf32, #tpu.memory_space<vmem>> -> memref<1x128x128xf32, #tpu.memory_space<vmem>>
      %dma_start3A_120 = tpu.memref_squeeze %dma_start3A_119 : memref<1x128x128xf32, #tpu.memory_space<vmem>> -> memref<128x128xf32, #tpu.memory_space<vmem>>
      %dma_start3A_121 = arith.constant 0 : i32
      %dma_start3A_122 = tpu.memref_slice %arg8[%add3A_87, %dma_start3A_121] : memref<40x128xi32, #tpu.memory_space<vmem>> -> memref<1x128xi32, #tpu.memory_space<vmem>>
      %dma_start3A_123 = tpu.memref_squeeze %dma_start3A_122 : memref<1x128xi32, #tpu.memory_space<vmem>> -> memref<128xi32, #tpu.memory_space<vmem>>
      %dma_start3A_124 = arith.constant 0 : i32
      %dma_start3A_125 = arith.constant 0 : i32
      %dma_start3A_126 = tpu.memref_slice %arg2[%dma_start3A_124, %dma_start3A_125] : memref<10000x128xf32, #tpu.memory_space<hbm>> -> memref<10000x128xf32, #tpu.memory_space<hbm>>
      tpu.enqueue_indirect_dma source(%dma_start3A_126 : memref<10000x128xf32, #tpu.memory_space<hbm>>) target(%dma_start3A_120 : memref<128x128xf32, #tpu.memory_space<vmem>>) offsets(%dma_start3A_123 : memref<128xi32, #tpu.memory_space<vmem>>) semaphore(%arg11 : memref<!tpu.dma_semaphore, #tpu.memory_space<semaphore_mem>>)
      %dma_wait3A_127 = arith.constant 1 : i32
      %dma_wait3A_128 = arith.constant 0 : i32
      %dma_wait3A_129 = arith.constant 0 : i32
      %dma_wait3A_130 = tpu.memref_slice %arg10[%dma_wait3A_127, %dma_wait3A_128, %dma_wait3A_129] : memref<2x128x128xf32, #tpu.memory_space<vmem>> -> memref<1x128x128xf32, #tpu.memory_space<vmem>>
      %dma_wait3A_131 = tpu.memref_squeeze %dma_wait3A_130 : memref<1x128x128xf32, #tpu.memory_space<vmem>> -> memref<128x128xf32, #tpu.memory_space<vmem>>
      %dma_wait3A_132 = arith.constant 0 : i32
      %dma_wait3A_133 = arith.constant 0 : i32
      %dma_wait3A_134 = tpu.memref_slice %arg2[%dma_wait3A_132, %dma_wait3A_133] : memref<10000x128xf32, #tpu.memory_space<hbm>> -> memref<128x128xf32, #tpu.memory_space<hbm>>
      %dma_wait3A_135 = arith.constant 0 : i32
      %dma_wait3A_136 = arith.constant 0 : i32
      %dma_wait3A_137 = tpu.memref_slice %arg10[%dma_wait3A_127, %dma_wait3A_135, %dma_wait3A_136] : memref<2x128x128xf32, #tpu.memory_space<vmem>> -> memref<1x128x128xf32, #tpu.memory_space<vmem>>
      %dma_wait3A_138 = tpu.memref_squeeze %dma_wait3A_137 : memref<1x128x128xf32, #tpu.memory_space<vmem>> -> memref<128x128xf32, #tpu.memory_space<vmem>>
      %dma_wait3A_139 = arith.constant 0 : i32
      %dma_wait3A_140 = arith.constant 0 : i32
      %dma_wait3A_141 = tpu.memref_slice %arg2[%dma_wait3A_139, %dma_wait3A_140] : memref<10000x128xf32, #tpu.memory_space<hbm>> -> memref<128x128xf32, #tpu.memory_space<hbm>>
      tpu.wait_dma2 semaphore(%arg11 : memref<!tpu.dma_semaphore, #tpu.memory_space<semaphore_mem>>) src(%dma_wait3A_141 : memref<128x128xf32, #tpu.memory_space<hbm>>) dst(%dma_wait3A_138 : memref<128x128xf32, #tpu.memory_space<vmem>>)
      %dma_start3A_142 = arith.constant 1 : i32
      %dma_start3A_143 = arith.constant 0 : i32
      %dma_start3A_144 = arith.constant 0 : i32
      %dma_start3A_145 = tpu.memref_slice %arg10[%dma_start3A_142, %dma_start3A_143, %dma_start3A_144] : memref<2x128x128xf32, #tpu.memory_space<vmem>> -> memref<1x128x128xf32, #tpu.memory_space<vmem>>
      %dma_start3A_146 = tpu.memref_squeeze %dma_start3A_145 : memref<1x128x128xf32, #tpu.memory_space<vmem>> -> memref<128x128xf32, #tpu.memory_space<vmem>>
      %dma_start3A_147 = arith.constant 0 : i32
      %dma_start3A_148 = tpu.memref_slice %arg9[%add3A_87, %dma_start3A_147] : memref<40x128xi32, #tpu.memory_space<vmem>> -> memref<1x128xi32, #tpu.memory_space<vmem>>
      %dma_start3A_149 = tpu.memref_squeeze %dma_start3A_148 : memref<1x128xi32, #tpu.memory_space<vmem>> -> memref<128xi32, #tpu.memory_space<vmem>>
      %dma_start3A_150 = arith.constant 0 : i32
      %dma_start3A_151 = arith.constant 0 : i32
      %dma_start3A_152 = tpu.memref_slice %arg7[%dma_start3A_150, %dma_start3A_151] : memref<10112x128xf32, #tpu.memory_space<vmem_shared>> -> memref<10112x128xf32, #tpu.memory_space<vmem_shared>>
      tpu.enqueue_indirect_dma source(%dma_start3A_146 : memref<128x128xf32, #tpu.memory_space<vmem>>) target(%dma_start3A_152 : memref<10112x128xf32, #tpu.memory_space<vmem_shared>>) offsets(%dma_start3A_149 : memref<128xi32, #tpu.memory_space<vmem>>) semaphore(%arg13 : memref<!tpu.dma_semaphore, #tpu.memory_space<semaphore_mem>>) {add = true}
      %dma_wait3A_153 = arith.constant 0 : i32
      %dma_wait3A_154 = arith.constant 0 : i32
      %dma_wait3A_155 = arith.constant 0 : i32
      %dma_wait3A_156 = tpu.memref_slice %arg10[%dma_wait3A_153, %dma_wait3A_154, %dma_wait3A_155] : memref<2x128x128xf32, #tpu.memory_space<vmem>> -> memref<1x128x128xf32, #tpu.memory_space<vmem>>
      %dma_wait3A_157 = tpu.memref_squeeze %dma_wait3A_156 : memref<1x128x128xf32, #tpu.memory_space<vmem>> -> memref<128x128xf32, #tpu.memory_space<vmem>>
      %dma_wait3A_158 = arith.constant 0 : i32
      %dma_wait3A_159 = tpu.memref_slice %arg9[%mul3A_83, %dma_wait3A_158] : memref<40x128xi32, #tpu.memory_space<vmem>> -> memref<1x128xi32, #tpu.memory_space<vmem>>
      %dma_wait3A_160 = tpu.memref_squeeze %dma_wait3A_159 : memref<1x128xi32, #tpu.memory_space<vmem>> -> memref<128xi32, #tpu.memory_space<vmem>>
      %dma_wait3A_161 = arith.constant 0 : i32
      %dma_wait3A_162 = arith.constant 0 : i32
      %dma_wait3A_163 = tpu.memref_slice %arg7[%dma_wait3A_161, %dma_wait3A_162] : memref<10112x128xf32, #tpu.memory_space<vmem_shared>> -> memref<10112x128xf32, #tpu.memory_space<vmem_shared>>
      tpu.wait_indirect_dma semaphore(%arg12 : memref<!tpu.dma_semaphore, #tpu.memory_space<semaphore_mem>>) src(%dma_wait3A_157 : memref<128x128xf32, #tpu.memory_space<vmem>>) dst(%dma_wait3A_163 : memref<10112x128xf32, #tpu.memory_space<vmem_shared>>)
      %add3A_164 = arith.constant 1 : i32
      %add3A_165 = arith.addi %scan3A_81, %add3A_164 : i32
      %lt3A = arith.constant 20 : i32
      %lt3A_166 = arith.cmpi slt, %add3A_165, %lt3A : i32
      %convert_element_type3A_167 = arith.extui %lt3A_166 : i1 to i32
      %cond3A_168 = arith.constant 0 : i32
      %cond3A_169 = arith.cmpi ne, %convert_element_type3A_167, %cond3A_168 : i32
      scf.if %cond3A_169 {
        %add3A_170 = arith.constant 2 : i32
        %add3A_171 = arith.addi %mul3A_83, %add3A_170 : i32
        %dma_start3A_172 = arith.constant 0 : i32
        %dma_start3A_173 = arith.constant 0 : i32
        %dma_start3A_174 = arith.constant 0 : i32
        %dma_start3A_175 = tpu.memref_slice %arg10[%dma_start3A_172, %dma_start3A_173, %dma_start3A_174] : memref<2x128x128xf32, #tpu.memory_space<vmem>> -> memref<1x128x128xf32, #tpu.memory_space<vmem>>
        %dma_start3A_176 = tpu.memref_squeeze %dma_start3A_175 : memref<1x128x128xf32, #tpu.memory_space<vmem>> -> memref<128x128xf32, #tpu.memory_space<vmem>>
        %dma_start3A_177 = arith.constant 0 : i32
        %dma_start3A_178 = tpu.memref_slice %arg8[%add3A_171, %dma_start3A_177] : memref<40x128xi32, #tpu.memory_space<vmem>> -> memref<1x128xi32, #tpu.memory_space<vmem>>
        %dma_start3A_179 = tpu.memref_squeeze %dma_start3A_178 : memref<1x128xi32, #tpu.memory_space<vmem>> -> memref<128xi32, #tpu.memory_space<vmem>>
        %dma_start3A_180 = arith.constant 0 : i32
        %dma_start3A_181 = arith.constant 0 : i32
        %dma_start3A_182 = tpu.memref_slice %arg2[%dma_start3A_180, %dma_start3A_181] : memref<10000x128xf32, #tpu.memory_space<hbm>> -> memref<10000x128xf32, #tpu.memory_space<hbm>>
        tpu.enqueue_indirect_dma source(%dma_start3A_182 : memref<10000x128xf32, #tpu.memory_space<hbm>>) target(%dma_start3A_176 : memref<128x128xf32, #tpu.memory_space<vmem>>) offsets(%dma_start3A_179 : memref<128xi32, #tpu.memory_space<vmem>>) semaphore(%arg11 : memref<!tpu.dma_semaphore, #tpu.memory_space<semaphore_mem>>)
      } else {
      }
    }
    %scan3A_24 = arith.constant 20 : i32
    %dma_wait3A = arith.constant 1 : i32
    %dma_wait3A_25 = arith.constant 0 : i32
    %dma_wait3A_26 = arith.constant 0 : i32
    %dma_wait3A_27 = tpu.memref_slice %arg10[%dma_wait3A, %dma_wait3A_25, %dma_wait3A_26] : memref<2x128x128xf32, #tpu.memory_space<vmem>> -> memref<1x128x128xf32, #tpu.memory_space<vmem>>
    %dma_wait3A_28 = tpu.memref_squeeze %dma_wait3A_27 : memref<1x128x128xf32, #tpu.memory_space<vmem>> -> memref<128x128xf32, #tpu.memory_space<vmem>>
    %dma_wait3A_29 = arith.constant 0 : i32
    %dma_wait3A_30 = arith.constant 0 : i32
    %dma_wait3A_31 = tpu.memref_slice %arg7[%dma_wait3A_29, %dma_wait3A_30] : memref<10112x128xf32, #tpu.memory_space<vmem_shared>> -> memref<128x128xf32, #tpu.memory_space<vmem_shared>>
    %dma_wait3A_32 = arith.constant 0 : i32
    %dma_wait3A_33 = arith.constant 0 : i32
    %dma_wait3A_34 = tpu.memref_slice %arg7[%dma_wait3A_32, %dma_wait3A_33] : memref<10112x128xf32, #tpu.memory_space<vmem_shared>> -> memref<128x128xf32, #tpu.memory_space<vmem_shared>>
    %dma_wait3A_35 = arith.constant 0 : i32
    %dma_wait3A_36 = arith.constant 0 : i32
    %dma_wait3A_37 = tpu.memref_slice %arg10[%dma_wait3A, %dma_wait3A_35, %dma_wait3A_36] : memref<2x128x128xf32, #tpu.memory_space<vmem>> -> memref<1x128x128xf32, #tpu.memory_space<vmem>>
    %dma_wait3A_38 = tpu.memref_squeeze %dma_wait3A_37 : memref<1x128x128xf32, #tpu.memory_space<vmem>> -> memref<128x128xf32, #tpu.memory_space<vmem>>
    tpu.wait_dma2 semaphore(%arg13 : memref<!tpu.dma_semaphore, #tpu.memory_space<semaphore_mem>>) src(%dma_wait3A_38 : memref<128x128xf32, #tpu.memory_space<vmem>>) dst(%dma_wait3A_34 : memref<128x128xf32, #tpu.memory_space<vmem_shared>>)
    %mul3A_39 = arith.constant 80 : i32
    %mul3A_40 = arith.muli %add3A, %mul3A_39 : i32
    %add3A_41 = arith.constant 40 : i32
    %add3A_42 = arith.addi %mul3A_40, %add3A_41 : i32
    "tpu.region"() ({
      %run_scoped3A = tpu.sem_alloc : memref<!tpu.dma_semaphore, #tpu.memory_space<semaphore_mem>>
      %dma_start3A_81 = arith.constant 0 : i32
      %dma_start3A_82 = tpu.memref_slice %arg3[%add3A_42, %dma_start3A_81] : memref<2560x128xi32, #tpu.memory_space<hbm>> -> memref<40x128xi32, #tpu.memory_space<hbm>>
      %dma_start3A_83 = arith.constant 0 : i32
      %dma_start3A_84 = tpu.memref_slice %arg3[%add3A_42, %dma_start3A_83] : memref<2560x128xi32, #tpu.memory_space<hbm>> -> memref<40x128xi32, #tpu.memory_space<hbm>>
      tpu.enqueue_dma source(%dma_start3A_84 : memref<40x128xi32, #tpu.memory_space<hbm>>) target(%arg8 : memref<40x128xi32, #tpu.memory_space<vmem>>) target_semaphore(%run_scoped3A : memref<!tpu.dma_semaphore, #tpu.memory_space<semaphore_mem>>)
      %dma_wait3A_85 = arith.constant 0 : i32
      %dma_wait3A_86 = tpu.memref_slice %arg3[%add3A_42, %dma_wait3A_85] : memref<2560x128xi32, #tpu.memory_space<hbm>> -> memref<40x128xi32, #tpu.memory_space<hbm>>
      %dma_wait3A_87 = arith.constant 0 : i32
      %dma_wait3A_88 = tpu.memref_slice %arg3[%add3A_42, %dma_wait3A_87] : memref<2560x128xi32, #tpu.memory_space<hbm>> -> memref<40x128xi32, #tpu.memory_space<hbm>>
      tpu.wait_dma2 semaphore(%run_scoped3A : memref<!tpu.dma_semaphore, #tpu.memory_space<semaphore_mem>>) src(%dma_wait3A_88 : memref<40x128xi32, #tpu.memory_space<hbm>>) dst(%arg8 : memref<40x128xi32, #tpu.memory_space<vmem>>)
      tpu.yield
    }) : () -> ()
    "tpu.region"() ({
      %run_scoped3A = tpu.sem_alloc : memref<!tpu.dma_semaphore, #tpu.memory_space<semaphore_mem>>
      %dma_start3A_81 = arith.constant 0 : i32
      %dma_start3A_82 = tpu.memref_slice %arg4[%add3A_42, %dma_start3A_81] : memref<2560x128xi32, #tpu.memory_space<hbm>> -> memref<40x128xi32, #tpu.memory_space<hbm>>
      %dma_start3A_83 = arith.constant 0 : i32
      %dma_start3A_84 = tpu.memref_slice %arg4[%add3A_42, %dma_start3A_83] : memref<2560x128xi32, #tpu.memory_space<hbm>> -> memref<40x128xi32, #tpu.memory_space<hbm>>
      tpu.enqueue_dma source(%dma_start3A_84 : memref<40x128xi32, #tpu.memory_space<hbm>>) target(%arg9 : memref<40x128xi32, #tpu.memory_space<vmem>>) target_semaphore(%run_scoped3A : memref<!tpu.dma_semaphore, #tpu.memory_space<semaphore_mem>>)
      %dma_wait3A_85 = arith.constant 0 : i32
      %dma_wait3A_86 = tpu.memref_slice %arg4[%add3A_42, %dma_wait3A_85] : memref<2560x128xi32, #tpu.memory_space<hbm>> -> memref<40x128xi32, #tpu.memory_space<hbm>>
      %dma_wait3A_87 = arith.constant 0 : i32
      %dma_wait3A_88 = tpu.memref_slice %arg4[%add3A_42, %dma_wait3A_87] : memref<2560x128xi32, #tpu.memory_space<hbm>> -> memref<40x128xi32, #tpu.memory_space<hbm>>
      tpu.wait_dma2 semaphore(%run_scoped3A : memref<!tpu.dma_semaphore, #tpu.memory_space<semaphore_mem>>) src(%dma_wait3A_88 : memref<40x128xi32, #tpu.memory_space<hbm>>) dst(%arg9 : memref<40x128xi32, #tpu.memory_space<vmem>>)
      tpu.yield
    }) : () -> ()
    %dma_start3A_43 = arith.constant 0 : i32
    %dma_start3A_44 = arith.constant 0 : i32
    %dma_start3A_45 = arith.constant 0 : i32
    %dma_start3A_46 = arith.constant 0 : i32
    %dma_start3A_47 = tpu.memref_slice %arg10[%dma_start3A_44, %dma_start3A_45, %dma_start3A_46] : memref<2x128x128xf32, #tpu.memory_space<vmem>> -> memref<1x128x128xf32, #tpu.memory_space<vmem>>
    %dma_start3A_48 = tpu.memref_squeeze %dma_start3A_47 : memref<1x128x128xf32, #tpu.memory_space<vmem>> -> memref<128x128xf32, #tpu.memory_space<vmem>>
    %dma_start3A_49 = arith.constant 0 : i32
    %dma_start3A_50 = tpu.memref_slice %arg8[%dma_start3A_43, %dma_start3A_49] : memref<40x128xi32, #tpu.memory_space<vmem>> -> memref<1x128xi32, #tpu.memory_space<vmem>>
    %dma_start3A_51 = tpu.memref_squeeze %dma_start3A_50 : memref<1x128xi32, #tpu.memory_space<vmem>> -> memref<128xi32, #tpu.memory_space<vmem>>
    %dma_start3A_52 = arith.constant 0 : i32
    %dma_start3A_53 = arith.constant 0 : i32
    %dma_start3A_54 = tpu.memref_slice %arg2[%dma_start3A_52, %dma_start3A_53] : memref<10000x128xf32, #tpu.memory_space<hbm>> -> memref<10000x128xf32, #tpu.memory_space<hbm>>
    tpu.enqueue_indirect_dma source(%dma_start3A_54 : memref<10000x128xf32, #tpu.memory_space<hbm>>) target(%dma_start3A_48 : memref<128x128xf32, #tpu.memory_space<vmem>>) offsets(%dma_start3A_51 : memref<128xi32, #tpu.memory_space<vmem>>) semaphore(%arg11 : memref<!tpu.dma_semaphore, #tpu.memory_space<semaphore_mem>>)
    %scan3A_55 = arith.constant 0 : i32
    %scan3A_56 = arith.constant 0 : i32
    %scan3A_57 = arith.constant 20 : i32
    %scan3A_58 = arith.addi %scan3A_56, %scan3A_57 : i32
    %scan3A_59 = arith.constant 1 : i32
    scf.for %scan3A_81 = %scan3A_56 to %scan3A_58 step %scan3A_59  : i32 {
      %mul3A_82 = arith.constant 2 : i32
      %mul3A_83 = arith.muli %mul3A_82, %scan3A_81 : i32
      %mul3A_84 = arith.constant 2 : i32
      %mul3A_85 = arith.muli %mul3A_84, %scan3A_81 : i32
      %add3A_86 = arith.constant 1 : i32
      %add3A_87 = arith.addi %mul3A_85, %add3A_86 : i32
      %dma_wait3A_88 = arith.constant 0 : i32
      %dma_wait3A_89 = arith.constant 0 : i32
      %dma_wait3A_90 = arith.constant 0 : i32
      %dma_wait3A_91 = tpu.memref_slice %arg10[%dma_wait3A_88, %dma_wait3A_89, %dma_wait3A_90] : memref<2x128x128xf32, #tpu.memory_space<vmem>> -> memref<1x128x128xf32, #tpu.memory_space<vmem>>
      %dma_wait3A_92 = tpu.memref_squeeze %dma_wait3A_91 : memref<1x128x128xf32, #tpu.memory_space<vmem>> -> memref<128x128xf32, #tpu.memory_space<vmem>>
      %dma_wait3A_93 = arith.constant 0 : i32
      %dma_wait3A_94 = arith.constant 0 : i32
      %dma_wait3A_95 = tpu.memref_slice %arg2[%dma_wait3A_93, %dma_wait3A_94] : memref<10000x128xf32, #tpu.memory_space<hbm>> -> memref<128x128xf32, #tpu.memory_space<hbm>>
      %dma_wait3A_96 = arith.constant 0 : i32
      %dma_wait3A_97 = arith.constant 0 : i32
      %dma_wait3A_98 = tpu.memref_slice %arg10[%dma_wait3A_88, %dma_wait3A_96, %dma_wait3A_97] : memref<2x128x128xf32, #tpu.memory_space<vmem>> -> memref<1x128x128xf32, #tpu.memory_space<vmem>>
      %dma_wait3A_99 = tpu.memref_squeeze %dma_wait3A_98 : memref<1x128x128xf32, #tpu.memory_space<vmem>> -> memref<128x128xf32, #tpu.memory_space<vmem>>
      %dma_wait3A_100 = arith.constant 0 : i32
      %dma_wait3A_101 = arith.constant 0 : i32
      %dma_wait3A_102 = tpu.memref_slice %arg2[%dma_wait3A_100, %dma_wait3A_101] : memref<10000x128xf32, #tpu.memory_space<hbm>> -> memref<128x128xf32, #tpu.memory_space<hbm>>
      tpu.wait_dma2 semaphore(%arg11 : memref<!tpu.dma_semaphore, #tpu.memory_space<semaphore_mem>>) src(%dma_wait3A_102 : memref<128x128xf32, #tpu.memory_space<hbm>>) dst(%dma_wait3A_99 : memref<128x128xf32, #tpu.memory_space<vmem>>)
      %dma_start3A_103 = arith.constant 0 : i32
      %dma_start3A_104 = arith.constant 0 : i32
      %dma_start3A_105 = arith.constant 0 : i32
      %dma_start3A_106 = tpu.memref_slice %arg10[%dma_start3A_103, %dma_start3A_104, %dma_start3A_105] : memref<2x128x128xf32, #tpu.memory_space<vmem>> -> memref<1x128x128xf32, #tpu.memory_space<vmem>>
      %dma_start3A_107 = tpu.memref_squeeze %dma_start3A_106 : memref<1x128x128xf32, #tpu.memory_space<vmem>> -> memref<128x128xf32, #tpu.memory_space<vmem>>
      %dma_start3A_108 = arith.constant 0 : i32
      %dma_start3A_109 = tpu.memref_slice %arg9[%mul3A_83, %dma_start3A_108] : memref<40x128xi32, #tpu.memory_space<vmem>> -> memref<1x128xi32, #tpu.memory_space<vmem>>
      %dma_start3A_110 = tpu.memref_squeeze %dma_start3A_109 : memref<1x128xi32, #tpu.memory_space<vmem>> -> memref<128xi32, #tpu.memory_space<vmem>>
      %dma_start3A_111 = arith.constant 0 : i32
      %dma_start3A_112 = arith.constant 0 : i32
      %dma_start3A_113 = tpu.memref_slice %arg7[%dma_start3A_111, %dma_start3A_112] : memref<10112x128xf32, #tpu.memory_space<vmem_shared>> -> memref<10112x128xf32, #tpu.memory_space<vmem_shared>>
      tpu.enqueue_indirect_dma source(%dma_start3A_107 : memref<128x128xf32, #tpu.memory_space<vmem>>) target(%dma_start3A_113 : memref<10112x128xf32, #tpu.memory_space<vmem_shared>>) offsets(%dma_start3A_110 : memref<128xi32, #tpu.memory_space<vmem>>) semaphore(%arg12 : memref<!tpu.dma_semaphore, #tpu.memory_space<semaphore_mem>>) {add = true}
      %gt3A = arith.constant 0 : i32
      %gt3A_114 = arith.cmpi sgt, %scan3A_81, %gt3A : i32
      %convert_element_type3A = arith.extui %gt3A_114 : i1 to i32
      %cond3A = arith.constant 0 : i32
      %cond3A_115 = arith.cmpi ne, %convert_element_type3A, %cond3A : i32
      scf.if %cond3A_115 {
        %sub3A = arith.constant 2 : i32
        %sub3A_170 = arith.subi %add3A_87, %sub3A : i32
        %dma_wait3A_171 = arith.constant 1 : i32
        %dma_wait3A_172 = arith.constant 0 : i32
        %dma_wait3A_173 = arith.constant 0 : i32
        %dma_wait3A_174 = tpu.memref_slice %arg10[%dma_wait3A_171, %dma_wait3A_172, %dma_wait3A_173] : memref<2x128x128xf32, #tpu.memory_space<vmem>> -> memref<1x128x128xf32, #tpu.memory_space<vmem>>
        %dma_wait3A_175 = tpu.memref_squeeze %dma_wait3A_174 : memref<1x128x128xf32, #tpu.memory_space<vmem>> -> memref<128x128xf32, #tpu.memory_space<vmem>>
        %dma_wait3A_176 = arith.constant 0 : i32
        %dma_wait3A_177 = arith.constant 0 : i32
        %dma_wait3A_178 = tpu.memref_slice %arg7[%dma_wait3A_176, %dma_wait3A_177] : memref<10112x128xf32, #tpu.memory_space<vmem_shared>> -> memref<128x128xf32, #tpu.memory_space<vmem_shared>>
        %dma_wait3A_179 = arith.constant 0 : i32
        %dma_wait3A_180 = arith.constant 0 : i32
        %dma_wait3A_181 = tpu.memref_slice %arg7[%dma_wait3A_179, %dma_wait3A_180] : memref<10112x128xf32, #tpu.memory_space<vmem_shared>> -> memref<128x128xf32, #tpu.memory_space<vmem_shared>>
        %dma_wait3A_182 = arith.constant 0 : i32
        %dma_wait3A_183 = arith.constant 0 : i32
        %dma_wait3A_184 = tpu.memref_slice %arg10[%dma_wait3A_171, %dma_wait3A_182, %dma_wait3A_183] : memref<2x128x128xf32, #tpu.memory_space<vmem>> -> memref<1x128x128xf32, #tpu.memory_space<vmem>>
        %dma_wait3A_185 = tpu.memref_squeeze %dma_wait3A_184 : memref<1x128x128xf32, #tpu.memory_space<vmem>> -> memref<128x128xf32, #tpu.memory_space<vmem>>
        tpu.wait_dma2 semaphore(%arg13 : memref<!tpu.dma_semaphore, #tpu.memory_space<semaphore_mem>>) src(%dma_wait3A_185 : memref<128x128xf32, #tpu.memory_space<vmem>>) dst(%dma_wait3A_181 : memref<128x128xf32, #tpu.memory_space<vmem_shared>>)
      } else {
      }
      %dma_start3A_116 = arith.constant 1 : i32
      %dma_start3A_117 = arith.constant 0 : i32
      %dma_start3A_118 = arith.constant 0 : i32
      %dma_start3A_119 = tpu.memref_slice %arg10[%dma_start3A_116, %dma_start3A_117, %dma_start3A_118] : memref<2x128x128xf32, #tpu.memory_space<vmem>> -> memref<1x128x128xf32, #tpu.memory_space<vmem>>
      %dma_start3A_120 = tpu.memref_squeeze %dma_start3A_119 : memref<1x128x128xf32, #tpu.memory_space<vmem>> -> memref<128x128xf32, #tpu.memory_space<vmem>>
      %dma_start3A_121 = arith.constant 0 : i32
      %dma_start3A_122 = tpu.memref_slice %arg8[%add3A_87, %dma_start3A_121] : memref<40x128xi32, #tpu.memory_space<vmem>> -> memref<1x128xi32, #tpu.memory_space<vmem>>
      %dma_start3A_123 = tpu.memref_squeeze %dma_start3A_122 : memref<1x128xi32, #tpu.memory_space<vmem>> -> memref<128xi32, #tpu.memory_space<vmem>>
      %dma_start3A_124 = arith.constant 0 : i32
      %dma_start3A_125 = arith.constant 0 : i32
      %dma_start3A_126 = tpu.memref_slice %arg2[%dma_start3A_124, %dma_start3A_125] : memref<10000x128xf32, #tpu.memory_space<hbm>> -> memref<10000x128xf32, #tpu.memory_space<hbm>>
      tpu.enqueue_indirect_dma source(%dma_start3A_126 : memref<10000x128xf32, #tpu.memory_space<hbm>>) target(%dma_start3A_120 : memref<128x128xf32, #tpu.memory_space<vmem>>) offsets(%dma_start3A_123 : memref<128xi32, #tpu.memory_space<vmem>>) semaphore(%arg11 : memref<!tpu.dma_semaphore, #tpu.memory_space<semaphore_mem>>)
      %dma_wait3A_127 = arith.constant 1 : i32
      %dma_wait3A_128 = arith.constant 0 : i32
      %dma_wait3A_129 = arith.constant 0 : i32
      %dma_wait3A_130 = tpu.memref_slice %arg10[%dma_wait3A_127, %dma_wait3A_128, %dma_wait3A_129] : memref<2x128x128xf32, #tpu.memory_space<vmem>> -> memref<1x128x128xf32, #tpu.memory_space<vmem>>
      %dma_wait3A_131 = tpu.memref_squeeze %dma_wait3A_130 : memref<1x128x128xf32, #tpu.memory_space<vmem>> -> memref<128x128xf32, #tpu.memory_space<vmem>>
      %dma_wait3A_132 = arith.constant 0 : i32
      %dma_wait3A_133 = arith.constant 0 : i32
      %dma_wait3A_134 = tpu.memref_slice %arg2[%dma_wait3A_132, %dma_wait3A_133] : memref<10000x128xf32, #tpu.memory_space<hbm>> -> memref<128x128xf32, #tpu.memory_space<hbm>>
      %dma_wait3A_135 = arith.constant 0 : i32
      %dma_wait3A_136 = arith.constant 0 : i32
      %dma_wait3A_137 = tpu.memref_slice %arg10[%dma_wait3A_127, %dma_wait3A_135, %dma_wait3A_136] : memref<2x128x128xf32, #tpu.memory_space<vmem>> -> memref<1x128x128xf32, #tpu.memory_space<vmem>>
      %dma_wait3A_138 = tpu.memref_squeeze %dma_wait3A_137 : memref<1x128x128xf32, #tpu.memory_space<vmem>> -> memref<128x128xf32, #tpu.memory_space<vmem>>
      %dma_wait3A_139 = arith.constant 0 : i32
      %dma_wait3A_140 = arith.constant 0 : i32
      %dma_wait3A_141 = tpu.memref_slice %arg2[%dma_wait3A_139, %dma_wait3A_140] : memref<10000x128xf32, #tpu.memory_space<hbm>> -> memref<128x128xf32, #tpu.memory_space<hbm>>
      tpu.wait_dma2 semaphore(%arg11 : memref<!tpu.dma_semaphore, #tpu.memory_space<semaphore_mem>>) src(%dma_wait3A_141 : memref<128x128xf32, #tpu.memory_space<hbm>>) dst(%dma_wait3A_138 : memref<128x128xf32, #tpu.memory_space<vmem>>)
      %dma_start3A_142 = arith.constant 1 : i32
      %dma_start3A_143 = arith.constant 0 : i32
      %dma_start3A_144 = arith.constant 0 : i32
      %dma_start3A_145 = tpu.memref_slice %arg10[%dma_start3A_142, %dma_start3A_143, %dma_start3A_144] : memref<2x128x128xf32, #tpu.memory_space<vmem>> -> memref<1x128x128xf32, #tpu.memory_space<vmem>>
      %dma_start3A_146 = tpu.memref_squeeze %dma_start3A_145 : memref<1x128x128xf32, #tpu.memory_space<vmem>> -> memref<128x128xf32, #tpu.memory_space<vmem>>
      %dma_start3A_147 = arith.constant 0 : i32
      %dma_start3A_148 = tpu.memref_slice %arg9[%add3A_87, %dma_start3A_147] : memref<40x128xi32, #tpu.memory_space<vmem>> -> memref<1x128xi32, #tpu.memory_space<vmem>>
      %dma_start3A_149 = tpu.memref_squeeze %dma_start3A_148 : memref<1x128xi32, #tpu.memory_space<vmem>> -> memref<128xi32, #tpu.memory_space<vmem>>
      %dma_start3A_150 = arith.constant 0 : i32
      %dma_start3A_151 = arith.constant 0 : i32
      %dma_start3A_152 = tpu.memref_slice %arg7[%dma_start3A_150, %dma_start3A_151] : memref<10112x128xf32, #tpu.memory_space<vmem_shared>> -> memref<10112x128xf32, #tpu.memory_space<vmem_shared>>
      tpu.enqueue_indirect_dma source(%dma_start3A_146 : memref<128x128xf32, #tpu.memory_space<vmem>>) target(%dma_start3A_152 : memref<10112x128xf32, #tpu.memory_space<vmem_shared>>) offsets(%dma_start3A_149 : memref<128xi32, #tpu.memory_space<vmem>>) semaphore(%arg13 : memref<!tpu.dma_semaphore, #tpu.memory_space<semaphore_mem>>) {add = true}
      %dma_wait3A_153 = arith.constant 0 : i32
      %dma_wait3A_154 = arith.constant 0 : i32
      %dma_wait3A_155 = arith.constant 0 : i32
      %dma_wait3A_156 = tpu.memref_slice %arg10[%dma_wait3A_153, %dma_wait3A_154, %dma_wait3A_155] : memref<2x128x128xf32, #tpu.memory_space<vmem>> -> memref<1x128x128xf32, #tpu.memory_space<vmem>>
      %dma_wait3A_157 = tpu.memref_squeeze %dma_wait3A_156 : memref<1x128x128xf32, #tpu.memory_space<vmem>> -> memref<128x128xf32, #tpu.memory_space<vmem>>
      %dma_wait3A_158 = arith.constant 0 : i32
      %dma_wait3A_159 = tpu.memref_slice %arg9[%mul3A_83, %dma_wait3A_158] : memref<40x128xi32, #tpu.memory_space<vmem>> -> memref<1x128xi32, #tpu.memory_space<vmem>>
      %dma_wait3A_160 = tpu.memref_squeeze %dma_wait3A_159 : memref<1x128xi32, #tpu.memory_space<vmem>> -> memref<128xi32, #tpu.memory_space<vmem>>
      %dma_wait3A_161 = arith.constant 0 : i32
      %dma_wait3A_162 = arith.constant 0 : i32
      %dma_wait3A_163 = tpu.memref_slice %arg7[%dma_wait3A_161, %dma_wait3A_162] : memref<10112x128xf32, #tpu.memory_space<vmem_shared>> -> memref<10112x128xf32, #tpu.memory_space<vmem_shared>>
      tpu.wait_indirect_dma semaphore(%arg12 : memref<!tpu.dma_semaphore, #tpu.memory_space<semaphore_mem>>) src(%dma_wait3A_157 : memref<128x128xf32, #tpu.memory_space<vmem>>) dst(%dma_wait3A_163 : memref<10112x128xf32, #tpu.memory_space<vmem_shared>>)
      %add3A_164 = arith.constant 1 : i32
      %add3A_165 = arith.addi %scan3A_81, %add3A_164 : i32
      %lt3A = arith.constant 20 : i32
      %lt3A_166 = arith.cmpi slt, %add3A_165, %lt3A : i32
      %convert_element_type3A_167 = arith.extui %lt3A_166 : i1 to i32
      %cond3A_168 = arith.constant 0 : i32
      %cond3A_169 = arith.cmpi ne, %convert_element_type3A_167, %cond3A_168 : i32
      scf.if %cond3A_169 {
        %add3A_170 = arith.constant 2 : i32
        %add3A_171 = arith.addi %mul3A_83, %add3A_170 : i32
        %dma_start3A_172 = arith.constant 0 : i32
        %dma_start3A_173 = arith.constant 0 : i32
        %dma_start3A_174 = arith.constant 0 : i32
        %dma_start3A_175 = tpu.memref_slice %arg10[%dma_start3A_172, %dma_start3A_173, %dma_start3A_174] : memref<2x128x128xf32, #tpu.memory_space<vmem>> -> memref<1x128x128xf32, #tpu.memory_space<vmem>>
        %dma_start3A_176 = tpu.memref_squeeze %dma_start3A_175 : memref<1x128x128xf32, #tpu.memory_space<vmem>> -> memref<128x128xf32, #tpu.memory_space<vmem>>
        %dma_start3A_177 = arith.constant 0 : i32
        %dma_start3A_178 = tpu.memref_slice %arg8[%add3A_171, %dma_start3A_177] : memref<40x128xi32, #tpu.memory_space<vmem>> -> memref<1x128xi32, #tpu.memory_space<vmem>>
        %dma_start3A_179 = tpu.memref_squeeze %dma_start3A_178 : memref<1x128xi32, #tpu.memory_space<vmem>> -> memref<128xi32, #tpu.memory_space<vmem>>
        %dma_start3A_180 = arith.constant 0 : i32
        %dma_start3A_181 = arith.constant 0 : i32
        %dma_start3A_182 = tpu.memref_slice %arg2[%dma_start3A_180, %dma_start3A_181] : memref<10000x128xf32, #tpu.memory_space<hbm>> -> memref<10000x128xf32, #tpu.memory_space<hbm>>
        tpu.enqueue_indirect_dma source(%dma_start3A_182 : memref<10000x128xf32, #tpu.memory_space<hbm>>) target(%dma_start3A_176 : memref<128x128xf32, #tpu.memory_space<vmem>>) offsets(%dma_start3A_179 : memref<128xi32, #tpu.memory_space<vmem>>) semaphore(%arg11 : memref<!tpu.dma_semaphore, #tpu.memory_space<semaphore_mem>>)
      } else {
      }
    }
    %scan3A_60 = arith.constant 20 : i32
    %dma_wait3A_61 = arith.constant 1 : i32
    %dma_wait3A_62 = arith.constant 0 : i32
    %dma_wait3A_63 = arith.constant 0 : i32
    %dma_wait3A_64 = tpu.memref_slice %arg10[%dma_wait3A_61, %dma_wait3A_62, %dma_wait3A_63] : memref<2x128x128xf32, #tpu.memory_space<vmem>> -> memref<1x128x128xf32, #tpu.memory_space<vmem>>
    %dma_wait3A_65 = tpu.memref_squeeze %dma_wait3A_64 : memref<1x128x128xf32, #tpu.memory_space<vmem>> -> memref<128x128xf32, #tpu.memory_space<vmem>>
    %dma_wait3A_66 = arith.constant 0 : i32
    %dma_wait3A_67 = arith.constant 0 : i32
    %dma_wait3A_68 = tpu.memref_slice %arg7[%dma_wait3A_66, %dma_wait3A_67] : memref<10112x128xf32, #tpu.memory_space<vmem_shared>> -> memref<128x128xf32, #tpu.memory_space<vmem_shared>>
    %dma_wait3A_69 = arith.constant 0 : i32
    %dma_wait3A_70 = arith.constant 0 : i32
    %dma_wait3A_71 = tpu.memref_slice %arg7[%dma_wait3A_69, %dma_wait3A_70] : memref<10112x128xf32, #tpu.memory_space<vmem_shared>> -> memref<128x128xf32, #tpu.memory_space<vmem_shared>>
    %dma_wait3A_72 = arith.constant 0 : i32
    %dma_wait3A_73 = arith.constant 0 : i32
    %dma_wait3A_74 = tpu.memref_slice %arg10[%dma_wait3A_61, %dma_wait3A_72, %dma_wait3A_73] : memref<2x128x128xf32, #tpu.memory_space<vmem>> -> memref<1x128x128xf32, #tpu.memory_space<vmem>>
    %dma_wait3A_75 = tpu.memref_squeeze %dma_wait3A_74 : memref<1x128x128xf32, #tpu.memory_space<vmem>> -> memref<128x128xf32, #tpu.memory_space<vmem>>
    tpu.wait_dma2 semaphore(%arg13 : memref<!tpu.dma_semaphore, #tpu.memory_space<semaphore_mem>>) src(%dma_wait3A_75 : memref<128x128xf32, #tpu.memory_space<vmem>>) dst(%dma_wait3A_71 : memref<128x128xf32, #tpu.memory_space<vmem_shared>>)
    %barrier3A_76 = arith.constant 0 : index
    tpu.barrier barrier_id(%barrier3A_76)
    %mul3A_77 = arith.constant 632 : i32
    %mul3A_78 = arith.muli %arg1, %mul3A_77 : i32
    %mul3A_79 = arith.constant 632 : i32
    %mul3A_80 = arith.muli %arg1, %mul3A_79 : i32
    "tpu.region"() ({
      %run_scoped3A = tpu.sem_alloc : memref<!tpu.dma_semaphore, #tpu.memory_space<semaphore_mem>>
      %dma_start3A_81 = arith.constant 0 : i32
      %dma_start3A_82 = tpu.memref_slice %arg6[%arg0, %mul3A_80, %dma_start3A_81] : memref<2x10112x128xf32, #tpu.memory_space<hbm>> -> memref<1x632x128xf32, #tpu.memory_space<hbm>>
      %dma_start3A_83 = tpu.memref_squeeze %dma_start3A_82 : memref<1x632x128xf32, #tpu.memory_space<hbm>> -> memref<632x128xf32, #tpu.memory_space<hbm>>
      %dma_start3A_84 = arith.constant 0 : i32
      %dma_start3A_85 = tpu.memref_slice %arg7[%mul3A_78, %dma_start3A_84] : memref<10112x128xf32, #tpu.memory_space<vmem_shared>> -> memref<632x128xf32, #tpu.memory_space<vmem_shared>>
      tpu.enqueue_dma source(%dma_start3A_85 : memref<632x128xf32, #tpu.memory_space<vmem_shared>>) target(%dma_start3A_83 : memref<632x128xf32, #tpu.memory_space<hbm>>) target_semaphore(%run_scoped3A : memref<!tpu.dma_semaphore, #tpu.memory_space<semaphore_mem>>)
      %dma_wait3A_86 = arith.constant 0 : i32
      %dma_wait3A_87 = tpu.memref_slice %arg6[%arg0, %mul3A_80, %dma_wait3A_86] : memref<2x10112x128xf32, #tpu.memory_space<hbm>> -> memref<1x632x128xf32, #tpu.memory_space<hbm>>
      %dma_wait3A_88 = tpu.memref_squeeze %dma_wait3A_87 : memref<1x632x128xf32, #tpu.memory_space<hbm>> -> memref<632x128xf32, #tpu.memory_space<hbm>>
      %dma_wait3A_89 = arith.constant 0 : i32
      %dma_wait3A_90 = tpu.memref_slice %arg7[%mul3A_78, %dma_wait3A_89] : memref<10112x128xf32, #tpu.memory_space<vmem_shared>> -> memref<632x128xf32, #tpu.memory_space<vmem_shared>>
      tpu.wait_dma2 semaphore(%run_scoped3A : memref<!tpu.dma_semaphore, #tpu.memory_space<semaphore_mem>>) src(%dma_wait3A_90 : memref<632x128xf32, #tpu.memory_space<vmem_shared>>) dst(%dma_wait3A_88 : memref<632x128xf32, #tpu.memory_space<hbm>>)
      tpu.yield
    }) : () -> ()
    return
  }
}

#map = affine_map<(d0, d1) -> (0, 0)>
#map1 = affine_map<(d0, d1) -> (0, 0, 0)>
module attributes {stable_mosaic.version = 14 : i64} {
  func.func @scat_kernel(%arg0: i32, %arg1: i32, %arg2: memref<10000x128xf32, #tpu.memory_space<hbm>>, %arg3: memref<2560x128xi32, #tpu.memory_space<hbm>>, %arg4: memref<2560x128xi32, #tpu.memory_space<hbm>>, %arg5: memref<10112x128xf32, #tpu.memory_space<hbm>>, %arg6: memref<2x10112x128xf32, #tpu.memory_space<hbm>>, %arg7: memref<10112x128xf32, #tpu.memory_space<vmem_shared>>, %arg8: memref<40x128xi32, #tpu.memory_space<vmem>>, %arg9: memref<40x128xi32, #tpu.memory_space<vmem>>, %arg10: memref<2x128x128xf32, #tpu.memory_space<vmem>>, %arg11: memref<!tpu.dma_semaphore, #tpu.memory_space<semaphore_mem>>, %arg12: memref<!tpu.dma_semaphore, #tpu.memory_space<semaphore_mem>>, %arg13: memref<!tpu.dma_semaphore, #tpu.memory_space<semaphore_mem>>) attributes {dimension_semantics = [#tpu.dimension_semantics<core_parallel>, #tpu.dimension_semantics<subcore_parallel>], iteration_bounds = array<i64: 2, 16>, scalar_prefetch = 0 : i64, scratch_operands = 7 : i64, tpu.core_type = #tpu.core_type<sc_vector_subcore>, window_params = [{transform_indices = #map}, {transform_indices = #map}, {transform_indices = #map}, {transform_indices = #map}, {transform_indices = #map1}]} {
    %mul3A = arith.constant 2 : i32
    %mul3A_0 = arith.muli %arg1, %mul3A : i32
    %add3A = arith.addi %mul3A_0, %arg0 : i32
    %mul3A_1 = arith.constant 632 : i32
    %mul3A_2 = arith.muli %arg1, %mul3A_1 : i32
    %mul3A_3 = arith.constant 632 : i32
    %mul3A_4 = arith.muli %arg1, %mul3A_3 : i32
    "tpu.region"() ({
      %run_scoped3A = tpu.sem_alloc : memref<!tpu.dma_semaphore, #tpu.memory_space<semaphore_mem>>
      %dma_start3A_81 = arith.constant 0 : i32
      %dma_start3A_82 = tpu.memref_slice %arg7[%mul3A_4, %dma_start3A_81] : memref<10112x128xf32, #tpu.memory_space<vmem_shared>> -> memref<632x128xf32, #tpu.memory_space<vmem_shared>>
      %dma_start3A_83 = arith.constant 0 : i32
      %dma_start3A_84 = tpu.memref_slice %arg5[%mul3A_2, %dma_start3A_83] : memref<10112x128xf32, #tpu.memory_space<hbm>> -> memref<632x128xf32, #tpu.memory_space<hbm>>
      tpu.enqueue_dma source(%dma_start3A_84 : memref<632x128xf32, #tpu.memory_space<hbm>>) target(%dma_start3A_82 : memref<632x128xf32, #tpu.memory_space<vmem_shared>>) target_semaphore(%run_scoped3A : memref<!tpu.dma_semaphore, #tpu.memory_space<semaphore_mem>>)
      %dma_wait3A_85 = arith.constant 0 : i32
      %dma_wait3A_86 = tpu.memref_slice %arg7[%mul3A_4, %dma_wait3A_85] : memref<10112x128xf32, #tpu.memory_space<vmem_shared>> -> memref<632x128xf32, #tpu.memory_space<vmem_shared>>
      %dma_wait3A_87 = arith.constant 0 : i32
      %dma_wait3A_88 = tpu.memref_slice %arg5[%mul3A_2, %dma_wait3A_87] : memref<10112x128xf32, #tpu.memory_space<hbm>> -> memref<632x128xf32, #tpu.memory_space<hbm>>
      tpu.wait_dma2 semaphore(%run_scoped3A : memref<!tpu.dma_semaphore, #tpu.memory_space<semaphore_mem>>) src(%dma_wait3A_88 : memref<632x128xf32, #tpu.memory_space<hbm>>) dst(%dma_wait3A_86 : memref<632x128xf32, #tpu.memory_space<vmem_shared>>)
      tpu.yield
    }) : () -> ()
    %mul3A_5 = arith.constant 80 : i32
    %mul3A_6 = arith.muli %add3A, %mul3A_5 : i32
    %add3A_7 = arith.constant 0 : i32
    %add3A_8 = arith.addi %mul3A_6, %add3A_7 : i32
    "tpu.region"() ({
      %run_scoped3A = tpu.sem_alloc : memref<!tpu.dma_semaphore, #tpu.memory_space<semaphore_mem>>
      %dma_start3A_81 = arith.constant 0 : i32
      %dma_start3A_82 = tpu.memref_slice %arg3[%add3A_8, %dma_start3A_81] : memref<2560x128xi32, #tpu.memory_space<hbm>> -> memref<40x128xi32, #tpu.memory_space<hbm>>
      %dma_start3A_83 = arith.constant 0 : i32
      %dma_start3A_84 = tpu.memref_slice %arg3[%add3A_8, %dma_start3A_83] : memref<2560x128xi32, #tpu.memory_space<hbm>> -> memref<40x128xi32, #tpu.memory_space<hbm>>
      tpu.enqueue_dma source(%dma_start3A_84 : memref<40x128xi32, #tpu.memory_space<hbm>>) target(%arg8 : memref<40x128xi32, #tpu.memory_space<vmem>>) target_semaphore(%run_scoped3A : memref<!tpu.dma_semaphore, #tpu.memory_space<semaphore_mem>>)
      %dma_wait3A_85 = arith.constant 0 : i32
      %dma_wait3A_86 = tpu.memref_slice %arg3[%add3A_8, %dma_wait3A_85] : memref<2560x128xi32, #tpu.memory_space<hbm>> -> memref<40x128xi32, #tpu.memory_space<hbm>>
      %dma_wait3A_87 = arith.constant 0 : i32
      %dma_wait3A_88 = tpu.memref_slice %arg3[%add3A_8, %dma_wait3A_87] : memref<2560x128xi32, #tpu.memory_space<hbm>> -> memref<40x128xi32, #tpu.memory_space<hbm>>
      tpu.wait_dma2 semaphore(%run_scoped3A : memref<!tpu.dma_semaphore, #tpu.memory_space<semaphore_mem>>) src(%dma_wait3A_88 : memref<40x128xi32, #tpu.memory_space<hbm>>) dst(%arg8 : memref<40x128xi32, #tpu.memory_space<vmem>>)
      tpu.yield
    }) : () -> ()
    "tpu.region"() ({
      %run_scoped3A = tpu.sem_alloc : memref<!tpu.dma_semaphore, #tpu.memory_space<semaphore_mem>>
      %dma_start3A_81 = arith.constant 0 : i32
      %dma_start3A_82 = tpu.memref_slice %arg4[%add3A_8, %dma_start3A_81] : memref<2560x128xi32, #tpu.memory_space<hbm>> -> memref<40x128xi32, #tpu.memory_space<hbm>>
      %dma_start3A_83 = arith.constant 0 : i32
      %dma_start3A_84 = tpu.memref_slice %arg4[%add3A_8, %dma_start3A_83] : memref<2560x128xi32, #tpu.memory_space<hbm>> -> memref<40x128xi32, #tpu.memory_space<hbm>>
      tpu.enqueue_dma source(%dma_start3A_84 : memref<40x128xi32, #tpu.memory_space<hbm>>) target(%arg9 : memref<40x128xi32, #tpu.memory_space<vmem>>) target_semaphore(%run_scoped3A : memref<!tpu.dma_semaphore, #tpu.memory_space<semaphore_mem>>)
      %dma_wait3A_85 = arith.constant 0 : i32
      %dma_wait3A_86 = tpu.memref_slice %arg4[%add3A_8, %dma_wait3A_85] : memref<2560x128xi32, #tpu.memory_space<hbm>> -> memref<40x128xi32, #tpu.memory_space<hbm>>
      %dma_wait3A_87 = arith.constant 0 : i32
      %dma_wait3A_88 = tpu.memref_slice %arg4[%add3A_8, %dma_wait3A_87] : memref<2560x128xi32, #tpu.memory_space<hbm>> -> memref<40x128xi32, #tpu.memory_space<hbm>>
      tpu.wait_dma2 semaphore(%run_scoped3A : memref<!tpu.dma_semaphore, #tpu.memory_space<semaphore_mem>>) src(%dma_wait3A_88 : memref<40x128xi32, #tpu.memory_space<hbm>>) dst(%arg9 : memref<40x128xi32, #tpu.memory_space<vmem>>)
      tpu.yield
    }) : () -> ()
    %dma_start3A = arith.constant 0 : i32
    %dma_start3A_9 = arith.constant 0 : i32
    %dma_start3A_10 = arith.constant 0 : i32
    %dma_start3A_11 = arith.constant 0 : i32
    %dma_start3A_12 = tpu.memref_slice %arg10[%dma_start3A_9, %dma_start3A_10, %dma_start3A_11] : memref<2x128x128xf32, #tpu.memory_space<vmem>> -> memref<1x128x128xf32, #tpu.memory_space<vmem>>
    %dma_start3A_13 = tpu.memref_squeeze %dma_start3A_12 : memref<1x128x128xf32, #tpu.memory_space<vmem>> -> memref<128x128xf32, #tpu.memory_space<vmem>>
    %dma_start3A_14 = arith.constant 0 : i32
    %dma_start3A_15 = tpu.memref_slice %arg8[%dma_start3A, %dma_start3A_14] : memref<40x128xi32, #tpu.memory_space<vmem>> -> memref<1x128xi32, #tpu.memory_space<vmem>>
    %dma_start3A_16 = tpu.memref_squeeze %dma_start3A_15 : memref<1x128xi32, #tpu.memory_space<vmem>> -> memref<128xi32, #tpu.memory_space<vmem>>
    %dma_start3A_17 = arith.constant 0 : i32
    %dma_start3A_18 = arith.constant 0 : i32
    %dma_start3A_19 = tpu.memref_slice %arg2[%dma_start3A_17, %dma_start3A_18] : memref<10000x128xf32, #tpu.memory_space<hbm>> -> memref<10000x128xf32, #tpu.memory_space<hbm>>
    tpu.enqueue_indirect_dma source(%dma_start3A_19 : memref<10000x128xf32, #tpu.memory_space<hbm>>) target(%dma_start3A_13 : memref<128x128xf32, #tpu.memory_space<vmem>>) offsets(%dma_start3A_16 : memref<128xi32, #tpu.memory_space<vmem>>) semaphore(%arg11 : memref<!tpu.dma_semaphore, #tpu.memory_space<semaphore_mem>>)
    %barrier3A = arith.constant 0 : index
    tpu.barrier barrier_id(%barrier3A)
    %scan3A = arith.constant 0 : i32
    %scan3A_20 = arith.constant 0 : i32
    %scan3A_21 = arith.constant 20 : i32
    %scan3A_22 = arith.addi %scan3A_20, %scan3A_21 : i32
    %scan3A_23 = arith.constant 1 : i32
    scf.for %scan3A_81 = %scan3A_20 to %scan3A_22 step %scan3A_23  : i32 {
      %mul3A_82 = arith.constant 2 : i32
      %mul3A_83 = arith.muli %mul3A_82, %scan3A_81 : i32
      %mul3A_84 = arith.constant 2 : i32
      %mul3A_85 = arith.muli %mul3A_84, %scan3A_81 : i32
      %add3A_86 = arith.constant 1 : i32
      %add3A_87 = arith.addi %mul3A_85, %add3A_86 : i32
      %dma_wait3A_88 = arith.constant 0 : i32
      %dma_wait3A_89 = arith.constant 0 : i32
      %dma_wait3A_90 = arith.constant 0 : i32
      %dma_wait3A_91 = tpu.memref_slice %arg10[%dma_wait3A_88, %dma_wait3A_89, %dma_wait3A_90] : memref<2x128x128xf32, #tpu.memory_space<vmem>> -> memref<1x128x128xf32, #tpu.memory_space<vmem>>
      %dma_wait3A_92 = tpu.memref_squeeze %dma_wait3A_91 : memref<1x128x128xf32, #tpu.memory_space<vmem>> -> memref<128x128xf32, #tpu.memory_space<vmem>>
      %dma_wait3A_93 = arith.constant 0 : i32
      %dma_wait3A_94 = arith.constant 0 : i32
      %dma_wait3A_95 = tpu.memref_slice %arg2[%dma_wait3A_93, %dma_wait3A_94] : memref<10000x128xf32, #tpu.memory_space<hbm>> -> memref<128x128xf32, #tpu.memory_space<hbm>>
      %dma_wait3A_96 = arith.constant 0 : i32
      %dma_wait3A_97 = arith.constant 0 : i32
      %dma_wait3A_98 = tpu.memref_slice %arg10[%dma_wait3A_88, %dma_wait3A_96, %dma_wait3A_97] : memref<2x128x128xf32, #tpu.memory_space<vmem>> -> memref<1x128x128xf32, #tpu.memory_space<vmem>>
      %dma_wait3A_99 = tpu.memref_squeeze %dma_wait3A_98 : memref<1x128x128xf32, #tpu.memory_space<vmem>> -> memref<128x128xf32, #tpu.memory_space<vmem>>
      %dma_wait3A_100 = arith.constant 0 : i32
      %dma_wait3A_101 = arith.constant 0 : i32
      %dma_wait3A_102 = tpu.memref_slice %arg2[%dma_wait3A_100, %dma_wait3A_101] : memref<10000x128xf32, #tpu.memory_space<hbm>> -> memref<128x128xf32, #tpu.memory_space<hbm>>
      tpu.wait_dma2 semaphore(%arg11 : memref<!tpu.dma_semaphore, #tpu.memory_space<semaphore_mem>>) src(%dma_wait3A_102 : memref<128x128xf32, #tpu.memory_space<hbm>>) dst(%dma_wait3A_99 : memref<128x128xf32, #tpu.memory_space<vmem>>)
      %dma_start3A_103 = arith.constant 0 : i32
      %dma_start3A_104 = arith.constant 0 : i32
      %dma_start3A_105 = arith.constant 0 : i32
      %dma_start3A_106 = tpu.memref_slice %arg10[%dma_start3A_103, %dma_start3A_104, %dma_start3A_105] : memref<2x128x128xf32, #tpu.memory_space<vmem>> -> memref<1x128x128xf32, #tpu.memory_space<vmem>>
      %dma_start3A_107 = tpu.memref_squeeze %dma_start3A_106 : memref<1x128x128xf32, #tpu.memory_space<vmem>> -> memref<128x128xf32, #tpu.memory_space<vmem>>
      %dma_start3A_108 = arith.constant 0 : i32
      %dma_start3A_109 = tpu.memref_slice %arg9[%mul3A_83, %dma_start3A_108] : memref<40x128xi32, #tpu.memory_space<vmem>> -> memref<1x128xi32, #tpu.memory_space<vmem>>
      %dma_start3A_110 = tpu.memref_squeeze %dma_start3A_109 : memref<1x128xi32, #tpu.memory_space<vmem>> -> memref<128xi32, #tpu.memory_space<vmem>>
      %dma_start3A_111 = arith.constant 0 : i32
      %dma_start3A_112 = arith.constant 0 : i32
      %dma_start3A_113 = tpu.memref_slice %arg7[%dma_start3A_111, %dma_start3A_112] : memref<10112x128xf32, #tpu.memory_space<vmem_shared>> -> memref<10112x128xf32, #tpu.memory_space<vmem_shared>>
      tpu.enqueue_indirect_dma source(%dma_start3A_107 : memref<128x128xf32, #tpu.memory_space<vmem>>) target(%dma_start3A_113 : memref<10112x128xf32, #tpu.memory_space<vmem_shared>>) offsets(%dma_start3A_110 : memref<128xi32, #tpu.memory_space<vmem>>) semaphore(%arg12 : memref<!tpu.dma_semaphore, #tpu.memory_space<semaphore_mem>>) {add = true}
      %gt3A = arith.constant 0 : i32
      %gt3A_114 = arith.cmpi sgt, %scan3A_81, %gt3A : i32
      %convert_element_type3A = arith.extui %gt3A_114 : i1 to i32
      %cond3A = arith.constant 0 : i32
      %cond3A_115 = arith.cmpi ne, %convert_element_type3A, %cond3A : i32
      scf.if %cond3A_115 {
        %sub3A = arith.constant 2 : i32
        %sub3A_170 = arith.subi %add3A_87, %sub3A : i32
        %dma_wait3A_171 = arith.constant 1 : i32
        %dma_wait3A_172 = arith.constant 0 : i32
        %dma_wait3A_173 = arith.constant 0 : i32
        %dma_wait3A_174 = tpu.memref_slice %arg10[%dma_wait3A_171, %dma_wait3A_172, %dma_wait3A_173] : memref<2x128x128xf32, #tpu.memory_space<vmem>> -> memref<1x128x128xf32, #tpu.memory_space<vmem>>
        %dma_wait3A_175 = tpu.memref_squeeze %dma_wait3A_174 : memref<1x128x128xf32, #tpu.memory_space<vmem>> -> memref<128x128xf32, #tpu.memory_space<vmem>>
        %dma_wait3A_176 = arith.constant 0 : i32
        %dma_wait3A_177 = arith.constant 0 : i32
        %dma_wait3A_178 = tpu.memref_slice %arg7[%dma_wait3A_176, %dma_wait3A_177] : memref<10112x128xf32, #tpu.memory_space<vmem_shared>> -> memref<128x128xf32, #tpu.memory_space<vmem_shared>>
        %dma_wait3A_179 = arith.constant 0 : i32
        %dma_wait3A_180 = arith.constant 0 : i32
        %dma_wait3A_181 = tpu.memref_slice %arg7[%dma_wait3A_179, %dma_wait3A_180] : memref<10112x128xf32, #tpu.memory_space<vmem_shared>> -> memref<128x128xf32, #tpu.memory_space<vmem_shared>>
        %dma_wait3A_182 = arith.constant 0 : i32
        %dma_wait3A_183 = arith.constant 0 : i32
        %dma_wait3A_184 = tpu.memref_slice %arg10[%dma_wait3A_171, %dma_wait3A_182, %dma_wait3A_183] : memref<2x128x128xf32, #tpu.memory_space<vmem>> -> memref<1x128x128xf32, #tpu.memory_space<vmem>>
        %dma_wait3A_185 = tpu.memref_squeeze %dma_wait3A_184 : memref<1x128x128xf32, #tpu.memory_space<vmem>> -> memref<128x128xf32, #tpu.memory_space<vmem>>
        tpu.wait_dma2 semaphore(%arg13 : memref<!tpu.dma_semaphore, #tpu.memory_space<semaphore_mem>>) src(%dma_wait3A_185 : memref<128x128xf32, #tpu.memory_space<vmem>>) dst(%dma_wait3A_181 : memref<128x128xf32, #tpu.memory_space<vmem_shared>>)
      } else {
      }
      %dma_start3A_116 = arith.constant 1 : i32
      %dma_start3A_117 = arith.constant 0 : i32
      %dma_start3A_118 = arith.constant 0 : i32
      %dma_start3A_119 = tpu.memref_slice %arg10[%dma_start3A_116, %dma_start3A_117, %dma_start3A_118] : memref<2x128x128xf32, #tpu.memory_space<vmem>> -> memref<1x128x128xf32, #tpu.memory_space<vmem>>
      %dma_start3A_120 = tpu.memref_squeeze %dma_start3A_119 : memref<1x128x128xf32, #tpu.memory_space<vmem>> -> memref<128x128xf32, #tpu.memory_space<vmem>>
      %dma_start3A_121 = arith.constant 0 : i32
      %dma_start3A_122 = tpu.memref_slice %arg8[%add3A_87, %dma_start3A_121] : memref<40x128xi32, #tpu.memory_space<vmem>> -> memref<1x128xi32, #tpu.memory_space<vmem>>
      %dma_start3A_123 = tpu.memref_squeeze %dma_start3A_122 : memref<1x128xi32, #tpu.memory_space<vmem>> -> memref<128xi32, #tpu.memory_space<vmem>>
      %dma_start3A_124 = arith.constant 0 : i32
      %dma_start3A_125 = arith.constant 0 : i32
      %dma_start3A_126 = tpu.memref_slice %arg2[%dma_start3A_124, %dma_start3A_125] : memref<10000x128xf32, #tpu.memory_space<hbm>> -> memref<10000x128xf32, #tpu.memory_space<hbm>>
      tpu.enqueue_indirect_dma source(%dma_start3A_126 : memref<10000x128xf32, #tpu.memory_space<hbm>>) target(%dma_start3A_120 : memref<128x128xf32, #tpu.memory_space<vmem>>) offsets(%dma_start3A_123 : memref<128xi32, #tpu.memory_space<vmem>>) semaphore(%arg11 : memref<!tpu.dma_semaphore, #tpu.memory_space<semaphore_mem>>)
      %dma_wait3A_127 = arith.constant 1 : i32
      %dma_wait3A_128 = arith.constant 0 : i32
      %dma_wait3A_129 = arith.constant 0 : i32
      %dma_wait3A_130 = tpu.memref_slice %arg10[%dma_wait3A_127, %dma_wait3A_128, %dma_wait3A_129] : memref<2x128x128xf32, #tpu.memory_space<vmem>> -> memref<1x128x128xf32, #tpu.memory_space<vmem>>
      %dma_wait3A_131 = tpu.memref_squeeze %dma_wait3A_130 : memref<1x128x128xf32, #tpu.memory_space<vmem>> -> memref<128x128xf32, #tpu.memory_space<vmem>>
      %dma_wait3A_132 = arith.constant 0 : i32
      %dma_wait3A_133 = arith.constant 0 : i32
      %dma_wait3A_134 = tpu.memref_slice %arg2[%dma_wait3A_132, %dma_wait3A_133] : memref<10000x128xf32, #tpu.memory_space<hbm>> -> memref<128x128xf32, #tpu.memory_space<hbm>>
      %dma_wait3A_135 = arith.constant 0 : i32
      %dma_wait3A_136 = arith.constant 0 : i32
      %dma_wait3A_137 = tpu.memref_slice %arg10[%dma_wait3A_127, %dma_wait3A_135, %dma_wait3A_136] : memref<2x128x128xf32, #tpu.memory_space<vmem>> -> memref<1x128x128xf32, #tpu.memory_space<vmem>>
      %dma_wait3A_138 = tpu.memref_squeeze %dma_wait3A_137 : memref<1x128x128xf32, #tpu.memory_space<vmem>> -> memref<128x128xf32, #tpu.memory_space<vmem>>
      %dma_wait3A_139 = arith.constant 0 : i32
      %dma_wait3A_140 = arith.constant 0 : i32
      %dma_wait3A_141 = tpu.memref_slice %arg2[%dma_wait3A_139, %dma_wait3A_140] : memref<10000x128xf32, #tpu.memory_space<hbm>> -> memref<128x128xf32, #tpu.memory_space<hbm>>
      tpu.wait_dma2 semaphore(%arg11 : memref<!tpu.dma_semaphore, #tpu.memory_space<semaphore_mem>>) src(%dma_wait3A_141 : memref<128x128xf32, #tpu.memory_space<hbm>>) dst(%dma_wait3A_138 : memref<128x128xf32, #tpu.memory_space<vmem>>)
      %dma_start3A_142 = arith.constant 1 : i32
      %dma_start3A_143 = arith.constant 0 : i32
      %dma_start3A_144 = arith.constant 0 : i32
      %dma_start3A_145 = tpu.memref_slice %arg10[%dma_start3A_142, %dma_start3A_143, %dma_start3A_144] : memref<2x128x128xf32, #tpu.memory_space<vmem>> -> memref<1x128x128xf32, #tpu.memory_space<vmem>>
      %dma_start3A_146 = tpu.memref_squeeze %dma_start3A_145 : memref<1x128x128xf32, #tpu.memory_space<vmem>> -> memref<128x128xf32, #tpu.memory_space<vmem>>
      %dma_start3A_147 = arith.constant 0 : i32
      %dma_start3A_148 = tpu.memref_slice %arg9[%add3A_87, %dma_start3A_147] : memref<40x128xi32, #tpu.memory_space<vmem>> -> memref<1x128xi32, #tpu.memory_space<vmem>>
      %dma_start3A_149 = tpu.memref_squeeze %dma_start3A_148 : memref<1x128xi32, #tpu.memory_space<vmem>> -> memref<128xi32, #tpu.memory_space<vmem>>
      %dma_start3A_150 = arith.constant 0 : i32
      %dma_start3A_151 = arith.constant 0 : i32
      %dma_start3A_152 = tpu.memref_slice %arg7[%dma_start3A_150, %dma_start3A_151] : memref<10112x128xf32, #tpu.memory_space<vmem_shared>> -> memref<10112x128xf32, #tpu.memory_space<vmem_shared>>
      tpu.enqueue_indirect_dma source(%dma_start3A_146 : memref<128x128xf32, #tpu.memory_space<vmem>>) target(%dma_start3A_152 : memref<10112x128xf32, #tpu.memory_space<vmem_shared>>) offsets(%dma_start3A_149 : memref<128xi32, #tpu.memory_space<vmem>>) semaphore(%arg13 : memref<!tpu.dma_semaphore, #tpu.memory_space<semaphore_mem>>) {add = true}
      %dma_wait3A_153 = arith.constant 0 : i32
      %dma_wait3A_154 = arith.constant 0 : i32
      %dma_wait3A_155 = arith.constant 0 : i32
      %dma_wait3A_156 = tpu.memref_slice %arg10[%dma_wait3A_153, %dma_wait3A_154, %dma_wait3A_155] : memref<2x128x128xf32, #tpu.memory_space<vmem>> -> memref<1x128x128xf32, #tpu.memory_space<vmem>>
      %dma_wait3A_157 = tpu.memref_squeeze %dma_wait3A_156 : memref<1x128x128xf32, #tpu.memory_space<vmem>> -> memref<128x128xf32, #tpu.memory_space<vmem>>
      %dma_wait3A_158 = arith.constant 0 : i32
      %dma_wait3A_159 = tpu.memref_slice %arg9[%mul3A_83, %dma_wait3A_158] : memref<40x128xi32, #tpu.memory_space<vmem>> -> memref<1x128xi32, #tpu.memory_space<vmem>>
      %dma_wait3A_160 = tpu.memref_squeeze %dma_wait3A_159 : memref<1x128xi32, #tpu.memory_space<vmem>> -> memref<128xi32, #tpu.memory_space<vmem>>
      %dma_wait3A_161 = arith.constant 0 : i32
      %dma_wait3A_162 = arith.constant 0 : i32
      %dma_wait3A_163 = tpu.memref_slice %arg7[%dma_wait3A_161, %dma_wait3A_162] : memref<10112x128xf32, #tpu.memory_space<vmem_shared>> -> memref<10112x128xf32, #tpu.memory_space<vmem_shared>>
      tpu.wait_indirect_dma semaphore(%arg12 : memref<!tpu.dma_semaphore, #tpu.memory_space<semaphore_mem>>) src(%dma_wait3A_157 : memref<128x128xf32, #tpu.memory_space<vmem>>) dst(%dma_wait3A_163 : memref<10112x128xf32, #tpu.memory_space<vmem_shared>>)
      %add3A_164 = arith.constant 1 : i32
      %add3A_165 = arith.addi %scan3A_81, %add3A_164 : i32
      %lt3A = arith.constant 20 : i32
      %lt3A_166 = arith.cmpi slt, %add3A_165, %lt3A : i32
      %convert_element_type3A_167 = arith.extui %lt3A_166 : i1 to i32
      %cond3A_168 = arith.constant 0 : i32
      %cond3A_169 = arith.cmpi ne, %convert_element_type3A_167, %cond3A_168 : i32
      scf.if %cond3A_169 {
        %add3A_170 = arith.constant 2 : i32
        %add3A_171 = arith.addi %mul3A_83, %add3A_170 : i32
        %dma_start3A_172 = arith.constant 0 : i32
        %dma_start3A_173 = arith.constant 0 : i32
        %dma_start3A_174 = arith.constant 0 : i32
        %dma_start3A_175 = tpu.memref_slice %arg10[%dma_start3A_172, %dma_start3A_173, %dma_start3A_174] : memref<2x128x128xf32, #tpu.memory_space<vmem>> -> memref<1x128x128xf32, #tpu.memory_space<vmem>>
        %dma_start3A_176 = tpu.memref_squeeze %dma_start3A_175 : memref<1x128x128xf32, #tpu.memory_space<vmem>> -> memref<128x128xf32, #tpu.memory_space<vmem>>
        %dma_start3A_177 = arith.constant 0 : i32
        %dma_start3A_178 = tpu.memref_slice %arg8[%add3A_171, %dma_start3A_177] : memref<40x128xi32, #tpu.memory_space<vmem>> -> memref<1x128xi32, #tpu.memory_space<vmem>>
        %dma_start3A_179 = tpu.memref_squeeze %dma_start3A_178 : memref<1x128xi32, #tpu.memory_space<vmem>> -> memref<128xi32, #tpu.memory_space<vmem>>
        %dma_start3A_180 = arith.constant 0 : i32
        %dma_start3A_181 = arith.constant 0 : i32
        %dma_start3A_182 = tpu.memref_slice %arg2[%dma_start3A_180, %dma_start3A_181] : memref<10000x128xf32, #tpu.memory_space<hbm>> -> memref<10000x128xf32, #tpu.memory_space<hbm>>
        tpu.enqueue_indirect_dma source(%dma_start3A_182 : memref<10000x128xf32, #tpu.memory_space<hbm>>) target(%dma_start3A_176 : memref<128x128xf32, #tpu.memory_space<vmem>>) offsets(%dma_start3A_179 : memref<128xi32, #tpu.memory_space<vmem>>) semaphore(%arg11 : memref<!tpu.dma_semaphore, #tpu.memory_space<semaphore_mem>>)
      } else {
      }
    }
    %scan3A_24 = arith.constant 20 : i32
    %dma_wait3A = arith.constant 1 : i32
    %dma_wait3A_25 = arith.constant 0 : i32
    %dma_wait3A_26 = arith.constant 0 : i32
    %dma_wait3A_27 = tpu.memref_slice %arg10[%dma_wait3A, %dma_wait3A_25, %dma_wait3A_26] : memref<2x128x128xf32, #tpu.memory_space<vmem>> -> memref<1x128x128xf32, #tpu.memory_space<vmem>>
    %dma_wait3A_28 = tpu.memref_squeeze %dma_wait3A_27 : memref<1x128x128xf32, #tpu.memory_space<vmem>> -> memref<128x128xf32, #tpu.memory_space<vmem>>
    %dma_wait3A_29 = arith.constant 0 : i32
    %dma_wait3A_30 = arith.constant 0 : i32
    %dma_wait3A_31 = tpu.memref_slice %arg7[%dma_wait3A_29, %dma_wait3A_30] : memref<10112x128xf32, #tpu.memory_space<vmem_shared>> -> memref<128x128xf32, #tpu.memory_space<vmem_shared>>
    %dma_wait3A_32 = arith.constant 0 : i32
    %dma_wait3A_33 = arith.constant 0 : i32
    %dma_wait3A_34 = tpu.memref_slice %arg7[%dma_wait3A_32, %dma_wait3A_33] : memref<10112x128xf32, #tpu.memory_space<vmem_shared>> -> memref<128x128xf32, #tpu.memory_space<vmem_shared>>
    %dma_wait3A_35 = arith.constant 0 : i32
    %dma_wait3A_36 = arith.constant 0 : i32
    %dma_wait3A_37 = tpu.memref_slice %arg10[%dma_wait3A, %dma_wait3A_35, %dma_wait3A_36] : memref<2x128x128xf32, #tpu.memory_space<vmem>> -> memref<1x128x128xf32, #tpu.memory_space<vmem>>
    %dma_wait3A_38 = tpu.memref_squeeze %dma_wait3A_37 : memref<1x128x128xf32, #tpu.memory_space<vmem>> -> memref<128x128xf32, #tpu.memory_space<vmem>>
    tpu.wait_dma2 semaphore(%arg13 : memref<!tpu.dma_semaphore, #tpu.memory_space<semaphore_mem>>) src(%dma_wait3A_38 : memref<128x128xf32, #tpu.memory_space<vmem>>) dst(%dma_wait3A_34 : memref<128x128xf32, #tpu.memory_space<vmem_shared>>)
    %mul3A_39 = arith.constant 80 : i32
    %mul3A_40 = arith.muli %add3A, %mul3A_39 : i32
    %add3A_41 = arith.constant 40 : i32
    %add3A_42 = arith.addi %mul3A_40, %add3A_41 : i32
    "tpu.region"() ({
      %run_scoped3A = tpu.sem_alloc : memref<!tpu.dma_semaphore, #tpu.memory_space<semaphore_mem>>
      %dma_start3A_81 = arith.constant 0 : i32
      %dma_start3A_82 = tpu.memref_slice %arg3[%add3A_42, %dma_start3A_81] : memref<2560x128xi32, #tpu.memory_space<hbm>> -> memref<40x128xi32, #tpu.memory_space<hbm>>
      %dma_start3A_83 = arith.constant 0 : i32
      %dma_start3A_84 = tpu.memref_slice %arg3[%add3A_42, %dma_start3A_83] : memref<2560x128xi32, #tpu.memory_space<hbm>> -> memref<40x128xi32, #tpu.memory_space<hbm>>
      tpu.enqueue_dma source(%dma_start3A_84 : memref<40x128xi32, #tpu.memory_space<hbm>>) target(%arg8 : memref<40x128xi32, #tpu.memory_space<vmem>>) target_semaphore(%run_scoped3A : memref<!tpu.dma_semaphore, #tpu.memory_space<semaphore_mem>>)
      %dma_wait3A_85 = arith.constant 0 : i32
      %dma_wait3A_86 = tpu.memref_slice %arg3[%add3A_42, %dma_wait3A_85] : memref<2560x128xi32, #tpu.memory_space<hbm>> -> memref<40x128xi32, #tpu.memory_space<hbm>>
      %dma_wait3A_87 = arith.constant 0 : i32
      %dma_wait3A_88 = tpu.memref_slice %arg3[%add3A_42, %dma_wait3A_87] : memref<2560x128xi32, #tpu.memory_space<hbm>> -> memref<40x128xi32, #tpu.memory_space<hbm>>
      tpu.wait_dma2 semaphore(%run_scoped3A : memref<!tpu.dma_semaphore, #tpu.memory_space<semaphore_mem>>) src(%dma_wait3A_88 : memref<40x128xi32, #tpu.memory_space<hbm>>) dst(%arg8 : memref<40x128xi32, #tpu.memory_space<vmem>>)
      tpu.yield
    }) : () -> ()
    "tpu.region"() ({
      %run_scoped3A = tpu.sem_alloc : memref<!tpu.dma_semaphore, #tpu.memory_space<semaphore_mem>>
      %dma_start3A_81 = arith.constant 0 : i32
      %dma_start3A_82 = tpu.memref_slice %arg4[%add3A_42, %dma_start3A_81] : memref<2560x128xi32, #tpu.memory_space<hbm>> -> memref<40x128xi32, #tpu.memory_space<hbm>>
      %dma_start3A_83 = arith.constant 0 : i32
      %dma_start3A_84 = tpu.memref_slice %arg4[%add3A_42, %dma_start3A_83] : memref<2560x128xi32, #tpu.memory_space<hbm>> -> memref<40x128xi32, #tpu.memory_space<hbm>>
      tpu.enqueue_dma source(%dma_start3A_84 : memref<40x128xi32, #tpu.memory_space<hbm>>) target(%arg9 : memref<40x128xi32, #tpu.memory_space<vmem>>) target_semaphore(%run_scoped3A : memref<!tpu.dma_semaphore, #tpu.memory_space<semaphore_mem>>)
      %dma_wait3A_85 = arith.constant 0 : i32
      %dma_wait3A_86 = tpu.memref_slice %arg4[%add3A_42, %dma_wait3A_85] : memref<2560x128xi32, #tpu.memory_space<hbm>> -> memref<40x128xi32, #tpu.memory_space<hbm>>
      %dma_wait3A_87 = arith.constant 0 : i32
      %dma_wait3A_88 = tpu.memref_slice %arg4[%add3A_42, %dma_wait3A_87] : memref<2560x128xi32, #tpu.memory_space<hbm>> -> memref<40x128xi32, #tpu.memory_space<hbm>>
      tpu.wait_dma2 semaphore(%run_scoped3A : memref<!tpu.dma_semaphore, #tpu.memory_space<semaphore_mem>>) src(%dma_wait3A_88 : memref<40x128xi32, #tpu.memory_space<hbm>>) dst(%arg9 : memref<40x128xi32, #tpu.memory_space<vmem>>)
      tpu.yield
    }) : () -> ()
    %dma_start3A_43 = arith.constant 0 : i32
    %dma_start3A_44 = arith.constant 0 : i32
    %dma_start3A_45 = arith.constant 0 : i32
    %dma_start3A_46 = arith.constant 0 : i32
    %dma_start3A_47 = tpu.memref_slice %arg10[%dma_start3A_44, %dma_start3A_45, %dma_start3A_46] : memref<2x128x128xf32, #tpu.memory_space<vmem>> -> memref<1x128x128xf32, #tpu.memory_space<vmem>>
    %dma_start3A_48 = tpu.memref_squeeze %dma_start3A_47 : memref<1x128x128xf32, #tpu.memory_space<vmem>> -> memref<128x128xf32, #tpu.memory_space<vmem>>
    %dma_start3A_49 = arith.constant 0 : i32
    %dma_start3A_50 = tpu.memref_slice %arg8[%dma_start3A_43, %dma_start3A_49] : memref<40x128xi32, #tpu.memory_space<vmem>> -> memref<1x128xi32, #tpu.memory_space<vmem>>
    %dma_start3A_51 = tpu.memref_squeeze %dma_start3A_50 : memref<1x128xi32, #tpu.memory_space<vmem>> -> memref<128xi32, #tpu.memory_space<vmem>>
    %dma_start3A_52 = arith.constant 0 : i32
    %dma_start3A_53 = arith.constant 0 : i32
    %dma_start3A_54 = tpu.memref_slice %arg2[%dma_start3A_52, %dma_start3A_53] : memref<10000x128xf32, #tpu.memory_space<hbm>> -> memref<10000x128xf32, #tpu.memory_space<hbm>>
    tpu.enqueue_indirect_dma source(%dma_start3A_54 : memref<10000x128xf32, #tpu.memory_space<hbm>>) target(%dma_start3A_48 : memref<128x128xf32, #tpu.memory_space<vmem>>) offsets(%dma_start3A_51 : memref<128xi32, #tpu.memory_space<vmem>>) semaphore(%arg11 : memref<!tpu.dma_semaphore, #tpu.memory_space<semaphore_mem>>)
    %scan3A_55 = arith.constant 0 : i32
    %scan3A_56 = arith.constant 0 : i32
    %scan3A_57 = arith.constant 20 : i32
    %scan3A_58 = arith.addi %scan3A_56, %scan3A_57 : i32
    %scan3A_59 = arith.constant 1 : i32
    scf.for %scan3A_81 = %scan3A_56 to %scan3A_58 step %scan3A_59  : i32 {
      %mul3A_82 = arith.constant 2 : i32
      %mul3A_83 = arith.muli %mul3A_82, %scan3A_81 : i32
      %mul3A_84 = arith.constant 2 : i32
      %mul3A_85 = arith.muli %mul3A_84, %scan3A_81 : i32
      %add3A_86 = arith.constant 1 : i32
      %add3A_87 = arith.addi %mul3A_85, %add3A_86 : i32
      %dma_wait3A_88 = arith.constant 0 : i32
      %dma_wait3A_89 = arith.constant 0 : i32
      %dma_wait3A_90 = arith.constant 0 : i32
      %dma_wait3A_91 = tpu.memref_slice %arg10[%dma_wait3A_88, %dma_wait3A_89, %dma_wait3A_90] : memref<2x128x128xf32, #tpu.memory_space<vmem>> -> memref<1x128x128xf32, #tpu.memory_space<vmem>>
      %dma_wait3A_92 = tpu.memref_squeeze %dma_wait3A_91 : memref<1x128x128xf32, #tpu.memory_space<vmem>> -> memref<128x128xf32, #tpu.memory_space<vmem>>
      %dma_wait3A_93 = arith.constant 0 : i32
      %dma_wait3A_94 = arith.constant 0 : i32
      %dma_wait3A_95 = tpu.memref_slice %arg2[%dma_wait3A_93, %dma_wait3A_94] : memref<10000x128xf32, #tpu.memory_space<hbm>> -> memref<128x128xf32, #tpu.memory_space<hbm>>
      %dma_wait3A_96 = arith.constant 0 : i32
      %dma_wait3A_97 = arith.constant 0 : i32
      %dma_wait3A_98 = tpu.memref_slice %arg10[%dma_wait3A_88, %dma_wait3A_96, %dma_wait3A_97] : memref<2x128x128xf32, #tpu.memory_space<vmem>> -> memref<1x128x128xf32, #tpu.memory_space<vmem>>
      %dma_wait3A_99 = tpu.memref_squeeze %dma_wait3A_98 : memref<1x128x128xf32, #tpu.memory_space<vmem>> -> memref<128x128xf32, #tpu.memory_space<vmem>>
      %dma_wait3A_100 = arith.constant 0 : i32
      %dma_wait3A_101 = arith.constant 0 : i32
      %dma_wait3A_102 = tpu.memref_slice %arg2[%dma_wait3A_100, %dma_wait3A_101] : memref<10000x128xf32, #tpu.memory_space<hbm>> -> memref<128x128xf32, #tpu.memory_space<hbm>>
      tpu.wait_dma2 semaphore(%arg11 : memref<!tpu.dma_semaphore, #tpu.memory_space<semaphore_mem>>) src(%dma_wait3A_102 : memref<128x128xf32, #tpu.memory_space<hbm>>) dst(%dma_wait3A_99 : memref<128x128xf32, #tpu.memory_space<vmem>>)
      %dma_start3A_103 = arith.constant 0 : i32
      %dma_start3A_104 = arith.constant 0 : i32
      %dma_start3A_105 = arith.constant 0 : i32
      %dma_start3A_106 = tpu.memref_slice %arg10[%dma_start3A_103, %dma_start3A_104, %dma_start3A_105] : memref<2x128x128xf32, #tpu.memory_space<vmem>> -> memref<1x128x128xf32, #tpu.memory_space<vmem>>
      %dma_start3A_107 = tpu.memref_squeeze %dma_start3A_106 : memref<1x128x128xf32, #tpu.memory_space<vmem>> -> memref<128x128xf32, #tpu.memory_space<vmem>>
      %dma_start3A_108 = arith.constant 0 : i32
      %dma_start3A_109 = tpu.memref_slice %arg9[%mul3A_83, %dma_start3A_108] : memref<40x128xi32, #tpu.memory_space<vmem>> -> memref<1x128xi32, #tpu.memory_space<vmem>>
      %dma_start3A_110 = tpu.memref_squeeze %dma_start3A_109 : memref<1x128xi32, #tpu.memory_space<vmem>> -> memref<128xi32, #tpu.memory_space<vmem>>
      %dma_start3A_111 = arith.constant 0 : i32
      %dma_start3A_112 = arith.constant 0 : i32
      %dma_start3A_113 = tpu.memref_slice %arg7[%dma_start3A_111, %dma_start3A_112] : memref<10112x128xf32, #tpu.memory_space<vmem_shared>> -> memref<10112x128xf32, #tpu.memory_space<vmem_shared>>
      tpu.enqueue_indirect_dma source(%dma_start3A_107 : memref<128x128xf32, #tpu.memory_space<vmem>>) target(%dma_start3A_113 : memref<10112x128xf32, #tpu.memory_space<vmem_shared>>) offsets(%dma_start3A_110 : memref<128xi32, #tpu.memory_space<vmem>>) semaphore(%arg12 : memref<!tpu.dma_semaphore, #tpu.memory_space<semaphore_mem>>) {add = true}
      %gt3A = arith.constant 0 : i32
      %gt3A_114 = arith.cmpi sgt, %scan3A_81, %gt3A : i32
      %convert_element_type3A = arith.extui %gt3A_114 : i1 to i32
      %cond3A = arith.constant 0 : i32
      %cond3A_115 = arith.cmpi ne, %convert_element_type3A, %cond3A : i32
      scf.if %cond3A_115 {
        %sub3A = arith.constant 2 : i32
        %sub3A_170 = arith.subi %add3A_87, %sub3A : i32
        %dma_wait3A_171 = arith.constant 1 : i32
        %dma_wait3A_172 = arith.constant 0 : i32
        %dma_wait3A_173 = arith.constant 0 : i32
        %dma_wait3A_174 = tpu.memref_slice %arg10[%dma_wait3A_171, %dma_wait3A_172, %dma_wait3A_173] : memref<2x128x128xf32, #tpu.memory_space<vmem>> -> memref<1x128x128xf32, #tpu.memory_space<vmem>>
        %dma_wait3A_175 = tpu.memref_squeeze %dma_wait3A_174 : memref<1x128x128xf32, #tpu.memory_space<vmem>> -> memref<128x128xf32, #tpu.memory_space<vmem>>
        %dma_wait3A_176 = arith.constant 0 : i32
        %dma_wait3A_177 = arith.constant 0 : i32
        %dma_wait3A_178 = tpu.memref_slice %arg7[%dma_wait3A_176, %dma_wait3A_177] : memref<10112x128xf32, #tpu.memory_space<vmem_shared>> -> memref<128x128xf32, #tpu.memory_space<vmem_shared>>
        %dma_wait3A_179 = arith.constant 0 : i32
        %dma_wait3A_180 = arith.constant 0 : i32
        %dma_wait3A_181 = tpu.memref_slice %arg7[%dma_wait3A_179, %dma_wait3A_180] : memref<10112x128xf32, #tpu.memory_space<vmem_shared>> -> memref<128x128xf32, #tpu.memory_space<vmem_shared>>
        %dma_wait3A_182 = arith.constant 0 : i32
        %dma_wait3A_183 = arith.constant 0 : i32
        %dma_wait3A_184 = tpu.memref_slice %arg10[%dma_wait3A_171, %dma_wait3A_182, %dma_wait3A_183] : memref<2x128x128xf32, #tpu.memory_space<vmem>> -> memref<1x128x128xf32, #tpu.memory_space<vmem>>
        %dma_wait3A_185 = tpu.memref_squeeze %dma_wait3A_184 : memref<1x128x128xf32, #tpu.memory_space<vmem>> -> memref<128x128xf32, #tpu.memory_space<vmem>>
        tpu.wait_dma2 semaphore(%arg13 : memref<!tpu.dma_semaphore, #tpu.memory_space<semaphore_mem>>) src(%dma_wait3A_185 : memref<128x128xf32, #tpu.memory_space<vmem>>) dst(%dma_wait3A_181 : memref<128x128xf32, #tpu.memory_space<vmem_shared>>)
      } else {
      }
      %dma_start3A_116 = arith.constant 1 : i32
      %dma_start3A_117 = arith.constant 0 : i32
      %dma_start3A_118 = arith.constant 0 : i32
      %dma_start3A_119 = tpu.memref_slice %arg10[%dma_start3A_116, %dma_start3A_117, %dma_start3A_118] : memref<2x128x128xf32, #tpu.memory_space<vmem>> -> memref<1x128x128xf32, #tpu.memory_space<vmem>>
      %dma_start3A_120 = tpu.memref_squeeze %dma_start3A_119 : memref<1x128x128xf32, #tpu.memory_space<vmem>> -> memref<128x128xf32, #tpu.memory_space<vmem>>
      %dma_start3A_121 = arith.constant 0 : i32
      %dma_start3A_122 = tpu.memref_slice %arg8[%add3A_87, %dma_start3A_121] : memref<40x128xi32, #tpu.memory_space<vmem>> -> memref<1x128xi32, #tpu.memory_space<vmem>>
      %dma_start3A_123 = tpu.memref_squeeze %dma_start3A_122 : memref<1x128xi32, #tpu.memory_space<vmem>> -> memref<128xi32, #tpu.memory_space<vmem>>
      %dma_start3A_124 = arith.constant 0 : i32
      %dma_start3A_125 = arith.constant 0 : i32
      %dma_start3A_126 = tpu.memref_slice %arg2[%dma_start3A_124, %dma_start3A_125] : memref<10000x128xf32, #tpu.memory_space<hbm>> -> memref<10000x128xf32, #tpu.memory_space<hbm>>
      tpu.enqueue_indirect_dma source(%dma_start3A_126 : memref<10000x128xf32, #tpu.memory_space<hbm>>) target(%dma_start3A_120 : memref<128x128xf32, #tpu.memory_space<vmem>>) offsets(%dma_start3A_123 : memref<128xi32, #tpu.memory_space<vmem>>) semaphore(%arg11 : memref<!tpu.dma_semaphore, #tpu.memory_space<semaphore_mem>>)
      %dma_wait3A_127 = arith.constant 1 : i32
      %dma_wait3A_128 = arith.constant 0 : i32
      %dma_wait3A_129 = arith.constant 0 : i32
      %dma_wait3A_130 = tpu.memref_slice %arg10[%dma_wait3A_127, %dma_wait3A_128, %dma_wait3A_129] : memref<2x128x128xf32, #tpu.memory_space<vmem>> -> memref<1x128x128xf32, #tpu.memory_space<vmem>>
      %dma_wait3A_131 = tpu.memref_squeeze %dma_wait3A_130 : memref<1x128x128xf32, #tpu.memory_space<vmem>> -> memref<128x128xf32, #tpu.memory_space<vmem>>
      %dma_wait3A_132 = arith.constant 0 : i32
      %dma_wait3A_133 = arith.constant 0 : i32
      %dma_wait3A_134 = tpu.memref_slice %arg2[%dma_wait3A_132, %dma_wait3A_133] : memref<10000x128xf32, #tpu.memory_space<hbm>> -> memref<128x128xf32, #tpu.memory_space<hbm>>
      %dma_wait3A_135 = arith.constant 0 : i32
      %dma_wait3A_136 = arith.constant 0 : i32
      %dma_wait3A_137 = tpu.memref_slice %arg10[%dma_wait3A_127, %dma_wait3A_135, %dma_wait3A_136] : memref<2x128x128xf32, #tpu.memory_space<vmem>> -> memref<1x128x128xf32, #tpu.memory_space<vmem>>
      %dma_wait3A_138 = tpu.memref_squeeze %dma_wait3A_137 : memref<1x128x128xf32, #tpu.memory_space<vmem>> -> memref<128x128xf32, #tpu.memory_space<vmem>>
      %dma_wait3A_139 = arith.constant 0 : i32
      %dma_wait3A_140 = arith.constant 0 : i32
      %dma_wait3A_141 = tpu.memref_slice %arg2[%dma_wait3A_139, %dma_wait3A_140] : memref<10000x128xf32, #tpu.memory_space<hbm>> -> memref<128x128xf32, #tpu.memory_space<hbm>>
      tpu.wait_dma2 semaphore(%arg11 : memref<!tpu.dma_semaphore, #tpu.memory_space<semaphore_mem>>) src(%dma_wait3A_141 : memref<128x128xf32, #tpu.memory_space<hbm>>) dst(%dma_wait3A_138 : memref<128x128xf32, #tpu.memory_space<vmem>>)
      %dma_start3A_142 = arith.constant 1 : i32
      %dma_start3A_143 = arith.constant 0 : i32
      %dma_start3A_144 = arith.constant 0 : i32
      %dma_start3A_145 = tpu.memref_slice %arg10[%dma_start3A_142, %dma_start3A_143, %dma_start3A_144] : memref<2x128x128xf32, #tpu.memory_space<vmem>> -> memref<1x128x128xf32, #tpu.memory_space<vmem>>
      %dma_start3A_146 = tpu.memref_squeeze %dma_start3A_145 : memref<1x128x128xf32, #tpu.memory_space<vmem>> -> memref<128x128xf32, #tpu.memory_space<vmem>>
      %dma_start3A_147 = arith.constant 0 : i32
      %dma_start3A_148 = tpu.memref_slice %arg9[%add3A_87, %dma_start3A_147] : memref<40x128xi32, #tpu.memory_space<vmem>> -> memref<1x128xi32, #tpu.memory_space<vmem>>
      %dma_start3A_149 = tpu.memref_squeeze %dma_start3A_148 : memref<1x128xi32, #tpu.memory_space<vmem>> -> memref<128xi32, #tpu.memory_space<vmem>>
      %dma_start3A_150 = arith.constant 0 : i32
      %dma_start3A_151 = arith.constant 0 : i32
      %dma_start3A_152 = tpu.memref_slice %arg7[%dma_start3A_150, %dma_start3A_151] : memref<10112x128xf32, #tpu.memory_space<vmem_shared>> -> memref<10112x128xf32, #tpu.memory_space<vmem_shared>>
      tpu.enqueue_indirect_dma source(%dma_start3A_146 : memref<128x128xf32, #tpu.memory_space<vmem>>) target(%dma_start3A_152 : memref<10112x128xf32, #tpu.memory_space<vmem_shared>>) offsets(%dma_start3A_149 : memref<128xi32, #tpu.memory_space<vmem>>) semaphore(%arg13 : memref<!tpu.dma_semaphore, #tpu.memory_space<semaphore_mem>>) {add = true}
      %dma_wait3A_153 = arith.constant 0 : i32
      %dma_wait3A_154 = arith.constant 0 : i32
      %dma_wait3A_155 = arith.constant 0 : i32
      %dma_wait3A_156 = tpu.memref_slice %arg10[%dma_wait3A_153, %dma_wait3A_154, %dma_wait3A_155] : memref<2x128x128xf32, #tpu.memory_space<vmem>> -> memref<1x128x128xf32, #tpu.memory_space<vmem>>
      %dma_wait3A_157 = tpu.memref_squeeze %dma_wait3A_156 : memref<1x128x128xf32, #tpu.memory_space<vmem>> -> memref<128x128xf32, #tpu.memory_space<vmem>>
      %dma_wait3A_158 = arith.constant 0 : i32
      %dma_wait3A_159 = tpu.memref_slice %arg9[%mul3A_83, %dma_wait3A_158] : memref<40x128xi32, #tpu.memory_space<vmem>> -> memref<1x128xi32, #tpu.memory_space<vmem>>
      %dma_wait3A_160 = tpu.memref_squeeze %dma_wait3A_159 : memref<1x128xi32, #tpu.memory_space<vmem>> -> memref<128xi32, #tpu.memory_space<vmem>>
      %dma_wait3A_161 = arith.constant 0 : i32
      %dma_wait3A_162 = arith.constant 0 : i32
      %dma_wait3A_163 = tpu.memref_slice %arg7[%dma_wait3A_161, %dma_wait3A_162] : memref<10112x128xf32, #tpu.memory_space<vmem_shared>> -> memref<10112x128xf32, #tpu.memory_space<vmem_shared>>
      tpu.wait_indirect_dma semaphore(%arg12 : memref<!tpu.dma_semaphore, #tpu.memory_space<semaphore_mem>>) src(%dma_wait3A_157 : memref<128x128xf32, #tpu.memory_space<vmem>>) dst(%dma_wait3A_163 : memref<10112x128xf32, #tpu.memory_space<vmem_shared>>)
      %add3A_164 = arith.constant 1 : i32
      %add3A_165 = arith.addi %scan3A_81, %add3A_164 : i32
      %lt3A = arith.constant 20 : i32
      %lt3A_166 = arith.cmpi slt, %add3A_165, %lt3A : i32
      %convert_element_type3A_167 = arith.extui %lt3A_166 : i1 to i32
      %cond3A_168 = arith.constant 0 : i32
      %cond3A_169 = arith.cmpi ne, %convert_element_type3A_167, %cond3A_168 : i32
      scf.if %cond3A_169 {
        %add3A_170 = arith.constant 2 : i32
        %add3A_171 = arith.addi %mul3A_83, %add3A_170 : i32
        %dma_start3A_172 = arith.constant 0 : i32
        %dma_start3A_173 = arith.constant 0 : i32
        %dma_start3A_174 = arith.constant 0 : i32
        %dma_start3A_175 = tpu.memref_slice %arg10[%dma_start3A_172, %dma_start3A_173, %dma_start3A_174] : memref<2x128x128xf32, #tpu.memory_space<vmem>> -> memref<1x128x128xf32, #tpu.memory_space<vmem>>
        %dma_start3A_176 = tpu.memref_squeeze %dma_start3A_175 : memref<1x128x128xf32, #tpu.memory_space<vmem>> -> memref<128x128xf32, #tpu.memory_space<vmem>>
        %dma_start3A_177 = arith.constant 0 : i32
        %dma_start3A_178 = tpu.memref_slice %arg8[%add3A_171, %dma_start3A_177] : memref<40x128xi32, #tpu.memory_space<vmem>> -> memref<1x128xi32, #tpu.memory_space<vmem>>
        %dma_start3A_179 = tpu.memref_squeeze %dma_start3A_178 : memref<1x128xi32, #tpu.memory_space<vmem>> -> memref<128xi32, #tpu.memory_space<vmem>>
        %dma_start3A_180 = arith.constant 0 : i32
        %dma_start3A_181 = arith.constant 0 : i32
        %dma_start3A_182 = tpu.memref_slice %arg2[%dma_start3A_180, %dma_start3A_181] : memref<10000x128xf32, #tpu.memory_space<hbm>> -> memref<10000x128xf32, #tpu.memory_space<hbm>>
        tpu.enqueue_indirect_dma source(%dma_start3A_182 : memref<10000x128xf32, #tpu.memory_space<hbm>>) target(%dma_start3A_176 : memref<128x128xf32, #tpu.memory_space<vmem>>) offsets(%dma_start3A_179 : memref<128xi32, #tpu.memory_space<vmem>>) semaphore(%arg11 : memref<!tpu.dma_semaphore, #tpu.memory_space<semaphore_mem>>)
      } else {
      }
    }
    %scan3A_60 = arith.constant 20 : i32
    %dma_wait3A_61 = arith.constant 1 : i32
    %dma_wait3A_62 = arith.constant 0 : i32
    %dma_wait3A_63 = arith.constant 0 : i32
    %dma_wait3A_64 = tpu.memref_slice %arg10[%dma_wait3A_61, %dma_wait3A_62, %dma_wait3A_63] : memref<2x128x128xf32, #tpu.memory_space<vmem>> -> memref<1x128x128xf32, #tpu.memory_space<vmem>>
    %dma_wait3A_65 = tpu.memref_squeeze %dma_wait3A_64 : memref<1x128x128xf32, #tpu.memory_space<vmem>> -> memref<128x128xf32, #tpu.memory_space<vmem>>
    %dma_wait3A_66 = arith.constant 0 : i32
    %dma_wait3A_67 = arith.constant 0 : i32
    %dma_wait3A_68 = tpu.memref_slice %arg7[%dma_wait3A_66, %dma_wait3A_67] : memref<10112x128xf32, #tpu.memory_space<vmem_shared>> -> memref<128x128xf32, #tpu.memory_space<vmem_shared>>
    %dma_wait3A_69 = arith.constant 0 : i32
    %dma_wait3A_70 = arith.constant 0 : i32
    %dma_wait3A_71 = tpu.memref_slice %arg7[%dma_wait3A_69, %dma_wait3A_70] : memref<10112x128xf32, #tpu.memory_space<vmem_shared>> -> memref<128x128xf32, #tpu.memory_space<vmem_shared>>
    %dma_wait3A_72 = arith.constant 0 : i32
    %dma_wait3A_73 = arith.constant 0 : i32
    %dma_wait3A_74 = tpu.memref_slice %arg10[%dma_wait3A_61, %dma_wait3A_72, %dma_wait3A_73] : memref<2x128x128xf32, #tpu.memory_space<vmem>> -> memref<1x128x128xf32, #tpu.memory_space<vmem>>
    %dma_wait3A_75 = tpu.memref_squeeze %dma_wait3A_74 : memref<1x128x128xf32, #tpu.memory_space<vmem>> -> memref<128x128xf32, #tpu.memory_space<vmem>>
    tpu.wait_dma2 semaphore(%arg13 : memref<!tpu.dma_semaphore, #tpu.memory_space<semaphore_mem>>) src(%dma_wait3A_75 : memref<128x128xf32, #tpu.memory_space<vmem>>) dst(%dma_wait3A_71 : memref<128x128xf32, #tpu.memory_space<vmem_shared>>)
    %barrier3A_76 = arith.constant 0 : index
    tpu.barrier barrier_id(%barrier3A_76)
    %mul3A_77 = arith.constant 632 : i32
    %mul3A_78 = arith.muli %arg1, %mul3A_77 : i32
    %mul3A_79 = arith.constant 632 : i32
    %mul3A_80 = arith.muli %arg1, %mul3A_79 : i32
    "tpu.region"() ({
      %run_scoped3A = tpu.sem_alloc : memref<!tpu.dma_semaphore, #tpu.memory_space<semaphore_mem>>
      %dma_start3A_81 = arith.constant 0 : i32
      %dma_start3A_82 = tpu.memref_slice %arg6[%arg0, %mul3A_80, %dma_start3A_81] : memref<2x10112x128xf32, #tpu.memory_space<hbm>> -> memref<1x632x128xf32, #tpu.memory_space<hbm>>
      %dma_start3A_83 = tpu.memref_squeeze %dma_start3A_82 : memref<1x632x128xf32, #tpu.memory_space<hbm>> -> memref<632x128xf32, #tpu.memory_space<hbm>>
      %dma_start3A_84 = arith.constant 0 : i32
      %dma_start3A_85 = tpu.memref_slice %arg7[%mul3A_78, %dma_start3A_84] : memref<10112x128xf32, #tpu.memory_space<vmem_shared>> -> memref<632x128xf32, #tpu.memory_space<vmem_shared>>
      tpu.enqueue_dma source(%dma_start3A_85 : memref<632x128xf32, #tpu.memory_space<vmem_shared>>) target(%dma_start3A_83 : memref<632x128xf32, #tpu.memory_space<hbm>>) target_semaphore(%run_scoped3A : memref<!tpu.dma_semaphore, #tpu.memory_space<semaphore_mem>>)
      %dma_wait3A_86 = arith.constant 0 : i32
      %dma_wait3A_87 = tpu.memref_slice %arg6[%arg0, %mul3A_80, %dma_wait3A_86] : memref<2x10112x128xf32, #tpu.memory_space<hbm>> -> memref<1x632x128xf32, #tpu.memory_space<hbm>>
      %dma_wait3A_88 = tpu.memref_squeeze %dma_wait3A_87 : memref<1x632x128xf32, #tpu.memory_space<hbm>> -> memref<632x128xf32, #tpu.memory_space<hbm>>
      %dma_wait3A_89 = arith.constant 0 : i32
      %dma_wait3A_90 = tpu.memref_slice %arg7[%mul3A_78, %dma_wait3A_89] : memref<10112x128xf32, #tpu.memory_space<vmem_shared>> -> memref<632x128xf32, #tpu.memory_space<vmem_shared>>
      tpu.wait_dma2 semaphore(%run_scoped3A : memref<!tpu.dma_semaphore, #tpu.memory_space<semaphore_mem>>) src(%dma_wait3A_90 : memref<632x128xf32, #tpu.memory_space<vmem_shared>>) dst(%dma_wait3A_88 : memref<632x128xf32, #tpu.memory_space<hbm>>)
      tpu.yield
    }) : () -> ()
    return
  }
}

module attributes {stable_mosaic.version = 14 : i64} {
  func.func @body(%arg0: i32, %arg1: memref<2x10000x128xf32, #tpu.memory_space<vmem>>, %arg2: memref<10000x128xf32, #tpu.memory_space<vmem>>, %arg3: memref<10000x1xf32, #tpu.memory_space<vmem>>, %arg4: memref<1x128xf32, #tpu.memory_space<vmem>>, %arg5: memref<1x128xf32, #tpu.memory_space<vmem>>, %arg6: memref<1x128xf32, #tpu.memory_space<vmem>>, %arg7: memref<128x128xf32, #tpu.memory_space<vmem>>, %arg8: memref<10000x128xf32, #tpu.memory_space<vmem>>) attributes {dimension_semantics = [#tpu.dimension_semantics<arbitrary>], iteration_bounds = array<i64: 1>, scalar_prefetch = 0 : i64, scratch_operands = 0 : i64, tpu.core_type = #tpu.core_type<tc>, window_params = [{transform_indices = @transform_0, window_bounds = array<i64: 2, 10000, 128>}, {pipeline_mode = #tpu.pipeline_mode<synchronous>, transform_indices = @transform_1, window_bounds = array<i64: 10000, 128>}, {pipeline_mode = #tpu.pipeline_mode<synchronous>, transform_indices = @transform_2, window_bounds = array<i64: 10000, 1>}, {pipeline_mode = #tpu.pipeline_mode<synchronous>, transform_indices = @transform_3, window_bounds = array<i64: 1, 128>}, {pipeline_mode = #tpu.pipeline_mode<synchronous>, transform_indices = @transform_4, window_bounds = array<i64: 1, 128>}, {pipeline_mode = #tpu.pipeline_mode<synchronous>, transform_indices = @transform_5, window_bounds = array<i64: 1, 128>}, {pipeline_mode = #tpu.pipeline_mode<synchronous>, transform_indices = @transform_6, window_bounds = array<i64: 128, 128>}, {pipeline_mode = #tpu.pipeline_mode<synchronous>, transform_indices = @transform_7, window_bounds = array<i64: 10000, 128>}]} {
    %get3A = arith.constant 0 : index
    %get3A_0 = arith.constant 0 : index
    %get3A_1 = vector.load %arg3[%get3A, %get3A_0] : memref<10000x1xf32, #tpu.memory_space<vmem>>, vector<10000x1xf32>
    %get3A_2 = arith.constant 0 : index
    %get3A_3 = arith.constant 0 : index
    %get3A_4 = arith.constant 0 : index
    %get3A_5 = vector.load %arg1[%get3A_2, %get3A_3, %get3A_4] : memref<2x10000x128xf32, #tpu.memory_space<vmem>>, vector<1x10000x128xf32>
    %get3A_6 = vector.shape_cast %get3A_5 : vector<1x10000x128xf32> to vector<10000x128xf32>
    %get3A_7 = arith.constant 1 : index
    %get3A_8 = arith.constant 0 : index
    %get3A_9 = arith.constant 0 : index
    %get3A_10 = vector.load %arg1[%get3A_7, %get3A_8, %get3A_9] : memref<2x10000x128xf32, #tpu.memory_space<vmem>>, vector<1x10000x128xf32>
    %get3A_11 = vector.shape_cast %get3A_10 : vector<1x10000x128xf32> to vector<10000x128xf32>
    %add3A = arith.addf %get3A_6, %get3A_11 : vector<10000x128xf32>
    %get3A_12 = arith.constant 0 : index
    %get3A_13 = arith.constant 0 : index
    %get3A_14 = vector.load %arg2[%get3A_12, %get3A_13] : memref<10000x128xf32, #tpu.memory_space<vmem>>, vector<10000x128xf32>
    %add3A_15 = arith.addf %add3A, %get3A_14 : vector<10000x128xf32>
    %mul3A = vector.broadcast %get3A_1 : vector<10000x1xf32> to vector<10000x128xf32>
    %mul3A_16 = arith.mulf %mul3A, %add3A_15 : vector<10000x128xf32>
    %get3A_17 = arith.constant 0 : index
    %get3A_18 = arith.constant 0 : index
    %get3A_19 = vector.load %arg4[%get3A_17, %get3A_18] : memref<1x128xf32, #tpu.memory_space<vmem>>, vector<1x128xf32>
    %add3A_20 = vector.broadcast %get3A_19 : vector<1x128xf32> to vector<10000x128xf32>
    %add3A_21 = arith.addf %mul3A_16, %add3A_20 : vector<10000x128xf32>
    %reduce_sum3A = arith.constant dense<0.000000e+00> : vector<128xf32>
    %reduce_sum3A_22 = vector.multi_reduction <add>, %add3A_21, %reduce_sum3A [0] : vector<10000x128xf32> to vector<128xf32>
    %broadcast_in_dim3A = vector.shape_cast %reduce_sum3A_22 : vector<128xf32> to vector<1x128xf32>
    %div3A = arith.constant 1.000000e+04 : f32
    %div3A_23 = vector.broadcast %div3A : f32 to vector<1x128xf32>
    %div3A_24 = arith.divf %broadcast_in_dim3A, %div3A_23 : vector<1x128xf32>
    %mul3A_25 = arith.mulf %add3A_21, %add3A_21 : vector<10000x128xf32>
    %reduce_sum3A_26 = arith.constant dense<0.000000e+00> : vector<128xf32>
    %reduce_sum3A_27 = vector.multi_reduction <add>, %mul3A_25, %reduce_sum3A_26 [0] : vector<10000x128xf32> to vector<128xf32>
    %broadcast_in_dim3A_28 = vector.shape_cast %reduce_sum3A_27 : vector<128xf32> to vector<1x128xf32>
    %div3A_29 = arith.constant 1.000000e+04 : f32
    %div3A_30 = vector.broadcast %div3A_29 : f32 to vector<1x128xf32>
    %div3A_31 = arith.divf %broadcast_in_dim3A_28, %div3A_30 : vector<1x128xf32>
    %mul3A_32 = arith.mulf %div3A_24, %div3A_24 : vector<1x128xf32>
    %sub3A = arith.subf %div3A_31, %mul3A_32 : vector<1x128xf32>
    %get3A_33 = arith.constant 0 : index
    %get3A_34 = arith.constant 0 : index
    %get3A_35 = vector.load %arg5[%get3A_33, %get3A_34] : memref<1x128xf32, #tpu.memory_space<vmem>>, vector<1x128xf32>
    %sub3A_36 = vector.broadcast %div3A_24 : vector<1x128xf32> to vector<10000x128xf32>
    %sub3A_37 = arith.subf %add3A_21, %sub3A_36 : vector<10000x128xf32>
    %mul3A_38 = vector.broadcast %get3A_35 : vector<1x128xf32> to vector<10000x128xf32>
    %mul3A_39 = arith.mulf %mul3A_38, %sub3A_37 : vector<10000x128xf32>
    %add3A_40 = arith.constant 9.99999974E-6 : f32
    %add3A_41 = vector.broadcast %add3A_40 : f32 to vector<1x128xf32>
    %add3A_42 = arith.addf %sub3A, %add3A_41 : vector<1x128xf32>
    %rsqrt3A = math.rsqrt %add3A_42 : vector<1x128xf32>
    %mul3A_43 = vector.broadcast %rsqrt3A : vector<1x128xf32> to vector<10000x128xf32>
    %mul3A_44 = arith.mulf %mul3A_39, %mul3A_43 : vector<10000x128xf32>
    %get3A_45 = arith.constant 0 : index
    %get3A_46 = arith.constant 0 : index
    %get3A_47 = vector.load %arg6[%get3A_45, %get3A_46] : memref<1x128xf32, #tpu.memory_space<vmem>>, vector<1x128xf32>
    %add3A_48 = vector.broadcast %get3A_47 : vector<1x128xf32> to vector<10000x128xf32>
    %add3A_49 = arith.addf %mul3A_44, %add3A_48 : vector<10000x128xf32>
    %max3A = arith.constant 0.000000e+00 : f32
    %max3A_50 = vector.broadcast %max3A : f32 to vector<10000x128xf32>
    %max3A_51 = arith.maximumf %add3A_49, %max3A_50 : vector<10000x128xf32>
    %get3A_52 = arith.constant 0 : index
    %get3A_53 = arith.constant 0 : index
    %get3A_54 = vector.load %arg7[%get3A_52, %get3A_53] : memref<128x128xf32, #tpu.memory_space<vmem>>, vector<128x128xf32>
    %dot_general3A = arith.constant dense<0.000000e+00> : vector<10000x128xf32>
    %dot_general3A_55 = tpu.matmul %max3A_51, %get3A_54, %dot_general3A {dimension_numbers = #tpu.dot_dimension_numbers<[1], [0], [0], [1], [0, 0, 1, 1], [], []>, transpose_lhs_hint = false} : vector<10000x128xf32>, vector<128x128xf32>, vector<10000x128xf32> -> vector<10000x128xf32>
    %mul3A_56 = vector.broadcast %get3A_1 : vector<10000x1xf32> to vector<10000x128xf32>
    %mul3A_57 = arith.mulf %mul3A_56, %dot_general3A_55 : vector<10000x128xf32>
    %swap3A = arith.constant 0 : index
    %swap3A_58 = arith.constant 0 : index
    %swap3A_59 = vector.load %arg8[%swap3A, %swap3A_58] : memref<10000x128xf32, #tpu.memory_space<vmem>>, vector<10000x128xf32>
    tpu.vector_store %arg8[%swap3A, %swap3A_58], %mul3A_57 {strides = array<i32>} : memref<10000x128xf32, #tpu.memory_space<vmem>>, vector<10000x128xf32>,
    return
  }
  func.func @transform_0(%arg0: i32) -> (i32, i32, i32) {
    %c0_i32 = arith.constant 0 : i32
    %c0_i32_0 = arith.constant 0 : i32
    %c0_i32_1 = arith.constant 0 : i32
    %c0_i32_2 = arith.constant 0 : i32
    return %c0_i32, %c0_i32_0, %c0_i32_1 : i32, i32, i32
  }
  func.func @transform_1(%arg0: i32) -> (i32, i32) {
    %c0_i32 = arith.constant 0 : i32
    %c0_i32_0 = arith.constant 0 : i32
    %c0_i32_1 = arith.constant 0 : i32
    return %c0_i32, %c0_i32_0 : i32, i32
  }
  func.func @transform_2(%arg0: i32) -> (i32, i32) {
    %c0_i32 = arith.constant 0 : i32
    %c0_i32_0 = arith.constant 0 : i32
    %c0_i32_1 = arith.constant 0 : i32
    return %c0_i32, %c0_i32_0 : i32, i32
  }
  func.func @transform_3(%arg0: i32) -> (i32, i32) {
    %c0_i32 = arith.constant 0 : i32
    %c0_i32_0 = arith.constant 0 : i32
    %c0_i32_1 = arith.constant 0 : i32
    return %c0_i32, %c0_i32_0 : i32, i32
  }
  func.func @transform_4(%arg0: i32) -> (i32, i32) {
    %c0_i32 = arith.constant 0 : i32
    %c0_i32_0 = arith.constant 0 : i32
    %c0_i32_1 = arith.constant 0 : i32
    return %c0_i32, %c0_i32_0 : i32, i32
  }
  func.func @transform_5(%arg0: i32) -> (i32, i32) {
    %c0_i32 = arith.constant 0 : i32
    %c0_i32_0 = arith.constant 0 : i32
    %c0_i32_1 = arith.constant 0 : i32
    return %c0_i32, %c0_i32_0 : i32, i32
  }
  func.func @transform_6(%arg0: i32) -> (i32, i32) {
    %c0_i32 = arith.constant 0 : i32
    %c0_i32_0 = arith.constant 0 : i32
    %c0_i32_1 = arith.constant 0 : i32
    return %c0_i32, %c0_i32_0 : i32, i32
  }
  func.func @transform_7(%arg0: i32) -> (i32, i32) {
    %c0_i32 = arith.constant 0 : i32
    %c0_i32_0 = arith.constant 0 : i32
    %c0_i32_1 = arith.constant 0 : i32
    return %c0_i32, %c0_i32_0 : i32, i32
  }
}

module attributes {stable_mosaic.version = 14 : i64} {
  func.func @body(%arg0: memref<10000x128xf32, #tpu.memory_space<vmem>>, %arg1: memref<128x128xf32, #tpu.memory_space<vmem>>, %arg2: memref<10000x1xf32, #tpu.memory_space<vmem>>, %arg3: memref<10000x128xf32, #tpu.memory_space<vmem>>) attributes {dimension_semantics = [], scalar_prefetch = 0 : i64, scratch_operands = 0 : i64, tpu.core_type = #tpu.core_type<tc>} {
    %get3A = arith.constant 0 : index
    %get3A_0 = arith.constant 0 : index
    %get3A_1 = vector.load %arg2[%get3A, %get3A_0] : memref<10000x1xf32, #tpu.memory_space<vmem>>, vector<10000x1xf32>
    %get3A_2 = arith.constant 0 : index
    %get3A_3 = arith.constant 0 : index
    %get3A_4 = vector.load %arg0[%get3A_2, %get3A_3] : memref<10000x128xf32, #tpu.memory_space<vmem>>, vector<10000x128xf32>
    %get3A_5 = arith.constant 0 : index
    %get3A_6 = arith.constant 0 : index
    %get3A_7 = vector.load %arg1[%get3A_5, %get3A_6] : memref<128x128xf32, #tpu.memory_space<vmem>>, vector<128x128xf32>
    %dot_general3A = arith.constant dense<0.000000e+00> : vector<10000x128xf32>
    %dot_general3A_8 = tpu.matmul %get3A_4, %get3A_7, %dot_general3A {dimension_numbers = #tpu.dot_dimension_numbers<[1], [0], [0], [1], [0, 0, 1, 1], [], []>, transpose_lhs_hint = false} : vector<10000x128xf32>, vector<128x128xf32>, vector<10000x128xf32> -> vector<10000x128xf32>
    %mul3A = vector.broadcast %get3A_1 : vector<10000x1xf32> to vector<10000x128xf32>
    %mul3A_9 = arith.mulf %mul3A, %dot_general3A_8 : vector<10000x128xf32>
    %swap3A = arith.constant 0 : index
    %swap3A_10 = arith.constant 0 : index
    %swap3A_11 = vector.load %arg3[%swap3A, %swap3A_10] : memref<10000x128xf32, #tpu.memory_space<vmem>>, vector<10000x128xf32>
    tpu.vector_store %arg3[%swap3A, %swap3A_10], %mul3A_9 {strides = array<i32>} : memref<10000x128xf32, #tpu.memory_space<vmem>>, vector<10000x128xf32>,
    return
  }
}

module attributes {stable_mosaic.version = 14 : i64} {
  func.func @body(%arg0: i32, %arg1: memref<2x10000x128xf32, #tpu.memory_space<vmem>>, %arg2: memref<10000x128xf32, #tpu.memory_space<vmem>>, %arg3: memref<10000x1xf32, #tpu.memory_space<vmem>>, %arg4: memref<1x128xf32, #tpu.memory_space<vmem>>, %arg5: memref<10000x64xf32, #tpu.memory_space<vmem>>) attributes {dimension_semantics = [#tpu.dimension_semantics<arbitrary>], iteration_bounds = array<i64: 1>, scalar_prefetch = 0 : i64, scratch_operands = 0 : i64, tpu.core_type = #tpu.core_type<tc>, window_params = [{transform_indices = @transform_0, window_bounds = array<i64: 2, 10000, 128>}, {pipeline_mode = #tpu.pipeline_mode<synchronous>, transform_indices = @transform_1, window_bounds = array<i64: 10000, 128>}, {pipeline_mode = #tpu.pipeline_mode<synchronous>, transform_indices = @transform_2, window_bounds = array<i64: 10000, 1>}, {pipeline_mode = #tpu.pipeline_mode<synchronous>, transform_indices = @transform_3, window_bounds = array<i64: 1, 128>}, {pipeline_mode = #tpu.pipeline_mode<synchronous>, transform_indices = @transform_4, window_bounds = array<i64: 10000, 64>}]} {
    %get3A = arith.constant 0 : index
    %get3A_0 = arith.constant 0 : index
    %get3A_1 = vector.load %arg3[%get3A, %get3A_0] : memref<10000x1xf32, #tpu.memory_space<vmem>>, vector<10000x1xf32>
    %get3A_2 = arith.constant 0 : index
    %get3A_3 = arith.constant 0 : index
    %get3A_4 = arith.constant 0 : index
    %get3A_5 = vector.load %arg1[%get3A_2, %get3A_3, %get3A_4] : memref<2x10000x128xf32, #tpu.memory_space<vmem>>, vector<1x10000x128xf32>
    %get3A_6 = vector.shape_cast %get3A_5 : vector<1x10000x128xf32> to vector<10000x128xf32>
    %get3A_7 = arith.constant 1 : index
    %get3A_8 = arith.constant 0 : index
    %get3A_9 = arith.constant 0 : index
    %get3A_10 = vector.load %arg1[%get3A_7, %get3A_8, %get3A_9] : memref<2x10000x128xf32, #tpu.memory_space<vmem>>, vector<1x10000x128xf32>
    %get3A_11 = vector.shape_cast %get3A_10 : vector<1x10000x128xf32> to vector<10000x128xf32>
    %add3A = arith.addf %get3A_6, %get3A_11 : vector<10000x128xf32>
    %get3A_12 = arith.constant 0 : index
    %get3A_13 = arith.constant 0 : index
    %get3A_14 = vector.load %arg2[%get3A_12, %get3A_13] : memref<10000x128xf32, #tpu.memory_space<vmem>>, vector<10000x128xf32>
    %add3A_15 = arith.addf %add3A, %get3A_14 : vector<10000x128xf32>
    %mul3A = vector.broadcast %get3A_1 : vector<10000x1xf32> to vector<10000x128xf32>
    %mul3A_16 = arith.mulf %mul3A, %add3A_15 : vector<10000x128xf32>
    %get3A_17 = arith.constant 0 : index
    %get3A_18 = arith.constant 0 : index
    %get3A_19 = vector.load %arg4[%get3A_17, %get3A_18] : memref<1x128xf32, #tpu.memory_space<vmem>>, vector<1x128xf32>
    %add3A_20 = vector.broadcast %get3A_19 : vector<1x128xf32> to vector<10000x128xf32>
    %add3A_21 = arith.addf %mul3A_16, %add3A_20 : vector<10000x128xf32>
    %slice3A = vector.extract_strided_slice %add3A_21 {offsets = [0, 0], sizes = [10000, 64], strides = [1, 1]} : vector<10000x128xf32> to vector<10000x64xf32>
    %reduce_max3A = arith.constant dense<0xFF800000> : vector<10000xf32>
    %reduce_max3A_22 = vector.multi_reduction <maximumf>, %slice3A, %reduce_max3A [1] : vector<10000x64xf32> to vector<10000xf32>
    %broadcast_in_dim3A = vector.shape_cast %reduce_max3A_22 : vector<10000xf32> to vector<10000x1xf32>
    %sub3A = vector.broadcast %broadcast_in_dim3A : vector<10000x1xf32> to vector<10000x64xf32>
    %sub3A_23 = arith.subf %slice3A, %sub3A : vector<10000x64xf32>
    %exp3A = math.exp %sub3A_23 : vector<10000x64xf32>
    %reduce_sum3A = arith.constant dense<0.000000e+00> : vector<10000xf32>
    %reduce_sum3A_24 = vector.multi_reduction <add>, %exp3A, %reduce_sum3A [1] : vector<10000x64xf32> to vector<10000xf32>
    %broadcast_in_dim3A_25 = vector.shape_cast %reduce_sum3A_24 : vector<10000xf32> to vector<10000x1xf32>
    %div3A = vector.broadcast %broadcast_in_dim3A_25 : vector<10000x1xf32> to vector<10000x64xf32>
    %div3A_26 = arith.divf %exp3A, %div3A : vector<10000x64xf32>
    %swap3A = arith.constant 0 : index
    %swap3A_27 = arith.constant 0 : index
    %swap3A_28 = vector.load %arg5[%swap3A, %swap3A_27] : memref<10000x64xf32, #tpu.memory_space<vmem>>, vector<10000x64xf32>
    tpu.vector_store %arg5[%swap3A, %swap3A_27], %div3A_26 {strides = array<i32>} : memref<10000x64xf32, #tpu.memory_space<vmem>>, vector<10000x64xf32>,
    return
  }
  func.func @transform_0(%arg0: i32) -> (i32, i32, i32) {
    %c0_i32 = arith.constant 0 : i32
    %c0_i32_0 = arith.constant 0 : i32
    %c0_i32_1 = arith.constant 0 : i32
    %c0_i32_2 = arith.constant 0 : i32
    return %c0_i32, %c0_i32_0, %c0_i32_1 : i32, i32, i32
  }
  func.func @transform_1(%arg0: i32) -> (i32, i32) {
    %c0_i32 = arith.constant 0 : i32
    %c0_i32_0 = arith.constant 0 : i32
    %c0_i32_1 = arith.constant 0 : i32
    return %c0_i32, %c0_i32_0 : i32, i32
  }
  func.func @transform_2(%arg0: i32) -> (i32, i32) {
    %c0_i32 = arith.constant 0 : i32
    %c0_i32_0 = arith.constant 0 : i32
    %c0_i32_1 = arith.constant 0 : i32
    return %c0_i32, %c0_i32_0 : i32, i32
  }
  func.func @transform_3(%arg0: i32) -> (i32, i32) {
    %c0_i32 = arith.constant 0 : i32
    %c0_i32_0 = arith.constant 0 : i32
    %c0_i32_1 = arith.constant 0 : i32
    return %c0_i32, %c0_i32_0 : i32, i32
  }
  func.func @transform_4(%arg0: i32) -> (i32, i32) {
    %c0_i32 = arith.constant 0 : i32
    %c0_i32_0 = arith.constant 0 : i32
    %c0_i32_1 = arith.constant 0 : i32
    return %c0_i32, %c0_i32_0 : i32, i32
  }
}

</mosaic_0001>

<sc_bundles>
// kernel: kernel.10.cloned.1.call-start
scs
__scs_entry_jumppad:
0x0: {  	(pc) =	sbr.rel $0x88, $3  }
0x1: {  	(tag) =	ssettag $0x0;
	lr =	simm.s32 $0x1  }
0x2: {  	[smem:$0x3F95] =	sst lr;
	_ =	strace $0xD0000000  }
0x3: {  	_ = 	snop  }
0x4: {  	_ = 	snop  }
0x5: {  	_ = 	snop  }
0x6: {  	_ = 	snop  }
0x7: {  	_ = 	snop  }
__scs_overlays_trampoline_lowered:
0x8: {  	[smem:$0x3FA4] =	sst s0  }
0x9: {  	[smem:$0x3FA5] =	sst s1  }
0xa: {  	[smem:$0x3FA6] =	sst s2  }
0xb: {  	[smem:$0x3FA7] =	sst s3  }
0xc: {  	[smem:$0x3FA8] =	sst s4  }
0xd: {  	[smem:$0x3FA9] =	sst s5  }
0xe: {  	[smem:$0x3FAA] =	sst s6  }
0xf: {  	[smem:$0x3FAB] =	sst s7  }
0x10: {  	[smem:$0x3FAC] =	sst s8  }
0x11: {  	[smem:$0x3FAD] =	sst s9;
	s0 =	simm.s32 @!p0 $0x0  }
0x12: {  	s1 =	sld [smem:$0x3F93];
	s0 =	simm.s32 @p0 $0x1  }
0x13: {  	[smem:$0x3FAE] =	sst s0;
	s0 =	simm.s32 @!p1 $0x0  }
0x14: {  	s2 =	sld [smem:$0x3F92];
	s0 =	simm.s32 @p1 $0x1  }
0x15: {  	[smem:$0x3FAF] =	sst s0;
	s0 =	simm.s32 @!p2 $0x0  }
0x16: {  	s3 =	sld [smem:$0x3FDB];
	s0 =	simm.s32 @p2 $0x1  }
0x17: {  	s4 =	simm.s32 $0x1BF5;
	[smem:$0x3FB1] =	sst s0  }
0x18: {  	s0 =	sld [smem:$0x3F94];
	_ =	swait.ge [sflag:s4], $0x0  }
0x19: {  	s7 =	sld [smem:$0x3F95]  }
0x1a: {  	s8 =	sadd.s32 $0xFFFFE003, lr  }
0x1b: {  	s9 =	sadd.s32 $0xFFFFFEF7, lr;
	s5 =	simm.s32 $0xFFFFFFFF;
	p2 =	slt.u32 s8, $0xFFFFF086  }
0x1c: {  	p1 =	slt.u32 s9, $0xF7A;
	s5 =	simm.s32 @!p2 $0x0  }
0x1d: {  	s5 =	simm.s32 @p1 $0x1;
	p0 =	seq.s32 s7, s2  }
0x1e: {  	s7 =	smul.u32 @!p0 $0xF7A, s2;
	p2 =	seq.s32 @!p0 s5, $0x0  }
0x1f: {  	s9 =	smul.u32 $0xF7A, s1;
	s8 =	simm.s32 @!p0 $0x1BF5;
	p2 =	por !p2, p0  }
0x20: {  	[sflag:s8] =	ssyncset.s32 @!p0 $0xFFFFF086;
	s6 =	sadd.s32 @!p0 s3, s7;
	s7 =	simm.s32 @!p0 $0x108  }
0x21: {  	s3 =	sadd.s32 s3, s9;
	s6 =	sadd.s32 @!p0 $0x88, s6;
	s7 =	simm.s32 @p2 $0x1082  }
0x22: {  	[simem:s7], [sflag:s8] =	dma.local @!p0 [hbm:s6], $0xF7A  }
0x23: {  	s9 =	sor.u32 $0xD0000000, s2;
	s6 =	simm.s32 $0x108;
	_ =	swait.ge @!p0 [sflag:s8], $0x0  }
0x24: {  	s3 =	sadd.s32 $0x88, s3;
	s6 =	simm.s32 @!p1 $0x1082;
	[sflag:s4] =	ssyncset.s32 $0xFFFFF086  }
0x25: {  	[simem:s6], [sflag:s4] =	dma.local [hbm:s3], $0xF7A  }
0x26: {  	[smem:$0x3F95] =	sst s1;
	(tag) =	ssettag s2;
	_ =	strace s9  }
0x27: {  	s1 =	sld [smem:$0x3FA5]  }
0x28: {  	s2 =	sld [smem:$0x3FA6]  }
0x29: {  	s4 =	sld [smem:$0x3FA8]  }
0x2a: {  	p0 =	seq.s32 s5, $0x0;
	s5 =	sld [smem:$0x3FA9]  }
0x2b: {  	s6 =	sld [smem:$0x3FAA]  }
0x2c: {  	s7 =	sld [smem:$0x3FAB]  }
0x2d: {  	s3 =	simm.s32 $0x108;
	s8 =	sld [smem:$0x3FAC]  }
0x2e: {  	s3 =	simm.s32 @!p0 $0x1082;
	s9 =	sld [smem:$0x3FAD]  }
0x2f: {  	lr =	sadd.s32 s0, s3;
	s0 =	sld [smem:$0x3FA4]  }
0x30: {  	s3 =	sld [smem:$0x3FA7]  }
0x31: {  	[smem:$0x3FB0] =	sst s10  }
0x32: {  	s10 =	sld [smem:$0x3FAE];
	_ =	sdelay $0x3  }
0x33: {  	p0 =	seq.s32 s10, $0x1;
	s10 =	sld [smem:$0x3FB0];
	_ =	sdelay $0x3  }
0x34: {  	[smem:$0x3FB0] =	sst s10  }
0x35: {  	s10 =	sld [smem:$0x3FAF];
	_ =	sdelay $0x3  }
0x36: {  	p1 =	seq.s32 s10, $0x1;
	s10 =	sld [smem:$0x3FB0];
	_ =	sdelay $0x3  }
0x37: {  	[smem:$0x3FB0] =	sst s10  }
0x38: {  	s10 =	sld [smem:$0x3FB1]  }
0x39: {  	_ = 	snop;
	(pc) =	sbr.ind lr, $3  }
0x3a: {  	_ = 	snop  }
0x3b: {  	_ = 	snop  }
0x3c: {  	p2 =	seq.s32 s10, $0x1;
	s10 =	sld [smem:$0x3FB0]  }
0x3d: {  	_ =	shalt  }
0x3e: {  	_ =	shalt  }
0x3f: {  	_ =	shalt  }
0x40: {  	_ =	shalt  }
0x41: {  	_ =	shalt  }
0x42: {  	_ =	shalt  }
0x43: {  	_ =	shalt  }
0x44: {  	_ =	shalt  }
0x45: {  	_ =	shalt  }
0x46: {  	_ =	shalt  }
0x47: {  	_ =	shalt  }
0x48: {  	_ =	shalt  }
0x49: {  	_ =	shalt  }
0x4a: {  	_ =	shalt  }
0x4b: {  	_ =	shalt  }
0x4c: {  	_ =	shalt  }
0x4d: {  	_ =	shalt  }
0x4e: {  	_ =	shalt  }
0x4f: {  	_ =	shalt  }
0x50: {  	_ =	shalt  }
0x51: {  	_ =	shalt  }
0x52: {  	_ =	shalt  }
0x53: {  	_ =	shalt  }
0x54: {  	_ =	shalt  }
0x55: {  	_ =	shalt  }
0x56: {  	_ =	shalt  }
0x57: {  	_ =	shalt  }
0x58: {  	_ =	shalt  }
0x59: {  	_ =	shalt  }
0x5a: {  	_ =	shalt  }
0x5b: {  	_ =	shalt  }
0x5c: {  	_ =	shalt  }
0x5d: {  	_ =	shalt  }
0x5e: {  	_ =	shalt  }
0x5f: {  	_ =	shalt  }
0x60: {  	_ =	shalt  }
0x61: {  	_ =	shalt  }
0x62: {  	_ =	shalt  }
0x63: {  	_ =	shalt  }
0x64: {  	_ =	shalt  }
0x65: {  	_ =	shalt  }
0x66: {  	_ =	shalt  }
0x67: {  	_ =	shalt  }
0x68: {  	_ =	shalt  }
0x69: {  	_ =	shalt  }
0x6a: {  	_ =	shalt  }
0x6b: {  	_ =	shalt  }
0x6c: {  	_ =	shalt  }
0x6d: {  	_ =	shalt  }
0x6e: {  	_ =	shalt  }
0x6f: {  	_ =	shalt  }
0x70: {  	_ =	shalt  }
0x71: {  	_ =	shalt  }
0x72: {  	_ =	shalt  }
0x73: {  	_ =	shalt  }
0x74: {  	_ =	shalt  }
0x75: {  	_ =	shalt  }
0x76: {  	_ =	shalt  }
0x77: {  	_ =	shalt  }
0x78: {  	_ =	shalt  }
0x79: {  	_ =	shalt  }
0x7a: {  	_ =	shalt  }
0x7b: {  	_ =	shalt  }
0x7c: {  	_ =	shalt  }
0x7d: {  	_ =	shalt  }
0x7e: {  	_ =	shalt  }
0x7f: {  	_ =	shalt  }
0x80: {  	_ =	shalt  }
0x81: {  	_ =	shalt  }
0x82: {  	_ =	shalt  }
0x83: {  	_ =	shalt  }
0x84: {  	_ =	shalt  }
0x85: {  	_ =	shalt  }
0x86: {  	_ =	shalt  }
0x87: {  	_ =	shalt  }
.Lfunc_end0:
.L_simem_size_0:
called_computation_lowered:
.L_overlay_start_0:
0x88: {  	s2 =	sld [smem:$0x3FD9]  }
0x89: {  	s3 =	sld [smem:$0x3FFE];
	_ =	sdelay $0x1  }
0x8a: {  	s1 =	srdreg.scid  }
0x8b: {  	s0 =	sand.u32 $0x1, s1  }
0x8c: {  	s17 =	sshll.u32 s0, $0xA;
	s2 =	sadd.s32 s3, s2  }
0x8d: {  	s2 =	sadd.s32 s2, s17  }
0x8e: {  	[smem:$0x3FBC] =	sst s2  }
0x8f: {  	_ = 	snop  }
0x90: {  	s2 =	sld [smem:$0x3FD0];
	(tm) =	ssettm $0x1  }
0x91: {  	s18 =	sld [smem:$0x3FFB];
	_ =	sdelay $0x3  }
0x92: {  	_ =	strace s18  }
0x93: {  	s3 =	sld [smem:$0x3FFC];
	_ =	sdelay $0x3  }
0x94: {  	_ =	strace s3  }
0x95: {  	s3 =	sld [smem:$0x3FFD];
	_ =	sdelay $0x3  }
0x96: {  	_ =	strace s3  }
0x97: {  	_ =	strace $0x8FFFFFFF  }
0x98: {  	s19 =	sld [smem:$0x3FDB];
	_ =	sdelay $0x1  }
0x99: {  	s4 =	simm.s32 $_scs_section_size  }
0x9a: {  	s5 =	simm.s32 $_size__tile_overlayer_lowered;
	s6 =	simm.s32 $_tile_overlayer_lowered  }
0x9b: {  	s22 =	simm.s32 $0x1BFF;
	s21 =	sshll.u32 s6, $0x1;
	s3 =	sadd.s32 s4, s19  }
0x9c: {  	s7 =	simm.s32 $0x0;
	s20 =	sshll.u32 s5, $0x1;
	s5 =	sadd.s32 s21, s3  }
0x9d: {  	[timem:s7], [sflag:s22] =	dma.local [hbm:s5], s20  }
0x9e: {  	_ =	swait.ge [sflag:s22], s20  }
0x9f: {  	s4 =	ssub.s32 $0x0, s20;
	[sflag:s22] =	ssyncset.done $0x0  }
0xa0: {  	[sflag:s22] =	ssyncadd.s32 s4;
	_ =	sdelay $0x1  }
0xa1: {  	s23 =	simm.s32 $0x1B8B  }
0xa2: {  	_ =	swait.ge [sflag:s23], $0x1  }
0xa3: {  	[sflag:s23] =	ssyncset.done $0x0  }
0xa4: {  	s25 =	simm.s32 $0x1B8E;
	s24 =	sld [smem:$0x3FFE];
	[sflag:s23] =	ssyncadd.s32 $0xFFFFFFFF  }
0xa5: {  	s26 =	simm.s32 $execute0_lowered;
	[smem:$0x3FD2] =	sst s25  }
0xa6: {  	s5 =	sshll.u32 s26, $0x1;
	_ =	strace $0x80000046;
	[dreg:$0x1] =	wrdreg $0xFFFFFFFF  }
0xa7: {  	s28 =	simm.s32 $_size_execute0_lowered;
	s3 =	sadd.s32 s3, s5;
	[dreg:$0x0] =	wrdreg $0x0  }
0xa8: {  	s5 =	sshll.u32 s28, $0x1;
	[dreg:$0x2] =	wrdreg s3  }
0xa9: {  	[dreg:$0x3] =	wrdreg s5  }
0xaa: {  	[dreg:$0x4] =	wrdreg $0xC0  }
0xab: {  	_ =	task [dreg:s7], $0x5FFFF  }
0xac: {  	[dreg:$0x1] =	wrdreg $0xFFFFFFFF  }
0xad: {  	[dreg:$0x0] =	wrdreg $0x60  }
0xae: {  	[dreg:$0x2] =	wrdreg s2  }
0xaf: {  	[dreg:$0x3] =	wrdreg s24  }
0xb0: {  	[dreg:$0x4] =	wrdreg $0x0  }
0xb1: {  	[dreg:$0x5] =	wrdreg $0x9  }
0xb2: {  	_ =	task.clear_ibuf [dreg:s7], $0x6FFFF;
	_ =	strace $0x90000046  }
0xb3: {  	s29 =	simm.s32 $0x9;
	_ =	strace $0x80000048  }
0xb4: {  	_ =	swait.ge [sflag:s29], $0x1  }
0xb5: {  	[sflag:s29] =	ssyncadd.s32 $0xFFFFFFFF  }
0xb6: {  	_ =	strace $0x90000048  }
0xb7: {  	_ =	sfence  }
0xb8: {  	s30 =	sld [smem:$0x0];
	_ =	sdelay $0x2  }
0xb9: {  	s31 =	sshll.u32 s1, $0xD;
	s1 =	sshrl.u32 s1, $0x2  }
0xba: {  	s3 =	sand.u32 $0x4000, s31;
	s1 =	sadd.s32 s1, s30  }
0xbb: {  	s0 =	sor.u32 s3, s0;
	s1 =	sshll.u32 s1, $0x11  }
0xbc: {  	s0 =	sor.u32 s1, s0  }
0xbd: {  	s0 =	sadd.s32 $0x8F2B, s0  }
0xbe: {  	[sflag:s0] =	ssyncadd.remote.s32 $0x1  }
0xbf: {  	_ =	sfence.sel $0xFFFF  }
0xc0: {  	[dreg:$0x0] =	wrdreg $0xFFFFFFFF;
	(pc) =	sbr.abs _section_cstart, $3  }
0xc1: {  	[dreg:$0x1] =	wrdreg $0xFFFFFFFF  }
0xc2: {  	_ =	task.clear_ibuf [dreg:s7], $0x2FFFF;
	_ =	strace $0x9FFFFFFF  }
0xc3: {  	(tm) =	ssettm $0x7FFFFFFF  }
tec
execute0_lowered:
.L_overlay_start_1:
0x0: {  	(tag) =	ssettag $0x1  }
0x1: {  	s7 =	rddreg [dreg:$0x0]  }
0x2: {  	s5 =	rddreg [dreg:$0x1];
	s0 =	stileid.u32  }
0x3: {  	s1 =	srdreg.scid;
	s2 =	rddreg [dreg:$0x2]  }
0x4: {  	s3 =	simm.s32 $0x0;
	s13 =	simm.s32 $0x13C00;
	s14 =	simm.s32 $0x80  }
0x5: {  	s15 =	simm.s32 $0x13C80;
	s16 =	simm.s32 $0x13D00;
	s17 =	simm.s32 $0x13D80  }
0x6: {  	s18 =	simm.s32 $0x13E00;
	s19 =	simm.s32 $0x13E80;
	s20 =	simm.s32 $0x13F00  }
0x7: {  	s21 =	simm.s32 $0x13F80;
	s22 =	simm.s32 $0x1;
	s23 =	simm.s32 $0x0  }
0x8: {  	s4 =	smul.u32 $0x13C00, s0;
	s6 =	sand.u32 $0x1, s1;
	s1 =	rddreg [dreg:$0x3]  }
0x9: {  	[smem:$0x7FF] =	sst s3;
	s11 =	smul.u32 $0x4F000, s0;
	s12 =	sshll.u32 s0, $0x1  }
0xa: {  	s31 =	sshll.u32 s0, $0x6;
	s8 =	smul.u32 $0x13C000, s6;
	_ =	strace $0x80000047  }
0xb: {  	s10 =	ssub.s32 $0x2, s6;
	s6 =	sor.u32 s6, s12;
	s12 =	simm.s32 $0x16400  }
0xc: {  	s9 =	sshrl.u32 s4, $0x3;
	s26 =	sshrl.u32 s10, $0x1;
	s28 =	sshrl.u32 s11, $0x2  }
0xd: {  	s29 =	smul.u32 $0x500, s6;
	s6 =	sor.u32 $0x1C02, s31;
	s11 =	simm.s32 $0x2  }
0xe: {  	s8 =	sadd.s32 s4, s8;
	s9 =	sadd.s32 s9, s5;
	s4 =	sadd.s32 $0x35000, s5  }
0xf: {  	s10 =	ssub.s32 s10, s26;
	s30 =	sadd.s32 s28, s2;
	s8 =	sshrl.u32 s8, $0x3  }
0x10: {  	s7 =	sadd.s32 s7, s29;
	s8 =	sadd.s32 s8, s5;
	s5 =	sadd.s32 $0xD800, s9  }
0x11: {  	s9 =	smax.u32 s10, $0x1;
	s10 =	sshrl.u32 s30, $0x3;
	s8 =	sadd.s32 $0x35800, s8  }
.LBB2_1:
0x12: {  	[spmem:s10], [sflag:s6] =	dma.local [hbm:s5], $0x2780  }
0x13: {  	_ =	swait.ge [sflag:s11], $0x2780  }
0x14: {  	[sflag:s11] =	ssyncset.done $0x0  }
0x15: {  	[sflag:s11] =	ssyncadd.s32 $0xFFFFD880  }
0x16: {  	[tilespmem:s12], [sflag:$0x2] =	stream.linear.gather [hbm4b:s4+s3], $0x4000, $0x38;
	[tilespmem:$0x1A400] =	vst v63  }
0x17: {  	_ =	swait.ge [sflag:s11], $0x4000  }
0x18: {  	[sflag:s11] =	ssyncset.done $0x0  }
0x19: {  	[sflag:s11] =	ssyncadd.s32 $0xFFFFC000  }
0x1a: {  	[tilespmem:s13], [sflag:$0x2] =	stream.linear.gather [hbm4b:s7+s3], $0x2800, $0x38;
	[tilespmem:$0x1A400] =	vst v63  }
0x1b: {  	_ =	swait.ge [sflag:s11], $0x2800  }
0x1c: {  	[sflag:s11] =	ssyncset.done $0x0  }
0x1d: {  	[sflag:s11] =	ssyncadd.s32 $0xFFFFD800  }
0x1e: {  	[bflag:$0x0] =	sbarrier.arrive $0xFFFF  }
0x1f: {  	[spmem:s2] =	stream.indirect.scatter.add.f32 [tilespmem:s12], [sflag:$0x1], $0x80, s13, s14, $0xb8;
	[tilespmem:$0x1A400] =	vst v63  }
0x20: {  	_ = 	snop  }
0x21: {  	[spmem:s2] =	stream.indirect.scatter.add.f32 [tilespmem:s12], [sflag:$0x1], $0x80, s15, s14, $0xb8;
	[tilespmem:$0x1A400] =	vst v63  }
0x22: {  	_ = 	snop  }
0x23: {  	[spmem:s2] =	stream.indirect.scatter.add.f32 [tilespmem:s12], [sflag:$0x1], $0x80, s16, s14, $0xb8;
	[tilespmem:$0x1A400] =	vst v63  }
0x24: {  	_ = 	snop  }
0x25: {  	[spmem:s2] =	stream.indirect.scatter.add.f32 [tilespmem:s12], [sflag:$0x1], $0x80, s17, s14, $0xb8;
	[tilespmem:$0x1A400] =	vst v63  }
0x26: {  	_ = 	snop  }
0x27: {  	[spmem:s2] =	stream.indirect.scatter.add.f32 [tilespmem:s12], [sflag:$0x1], $0x80, s18, s14, $0xb8;
	[tilespmem:$0x1A400] =	vst v63  }
0x28: {  	_ = 	snop  }
0x29: {  	[spmem:s2] =	stream.indirect.scatter.add.f32 [tilespmem:s12], [sflag:$0x1], $0x80, s19, s14, $0xb8;
	[tilespmem:$0x1A400] =	vst v63  }
0x2a: {  	_ = 	snop  }
0x2b: {  	[spmem:s2] =	stream.indirect.scatter.add.f32 [tilespmem:s12], [sflag:$0x1], $0x80, s20, s14, $0xb8;
	[tilespmem:$0x1A400] =	vst v63  }
0x2c: {  	_ = 	snop  }
0x2d: {  	[spmem:s2] =	stream.indirect.scatter.add.f32 [tilespmem:s12], [sflag:$0x1], $0x80, s21, s14, $0xb8;
	[tilespmem:$0x1A400] =	vst v63  }
0x2e: {  	_ =	swait.ge [sflag:s22], $0x4000  }
0x2f: {  	[sflag:s22] =	ssyncset.done $0x0  }
0x30: {  	[sflag:s22] =	ssyncadd.s32 $0xFFFFC000  }
0x31: {  	_ =	swait.ge [sflag:s22], $0x4000  }
0x32: {  	[sflag:s22] =	ssyncset.done $0x0  }
0x33: {  	[sflag:s22] =	ssyncadd.s32 $0xFFFFC000  }
0x34: {  	_ =	swait.ge [sflag:s22], $0x4000  }
0x35: {  	[sflag:s22] =	ssyncset.done $0x0  }
0x36: {  	[sflag:s22] =	ssyncadd.s32 $0xFFFFC000  }
0x37: {  	_ =	swait.ge [sflag:s22], $0x4000  }
0x38: {  	[sflag:s22] =	ssyncset.done $0x0  }
0x39: {  	[sflag:s22] =	ssyncadd.s32 $0xFFFFC000  }
0x3a: {  	_ =	swait.ge [sflag:s22], $0x4000  }
0x3b: {  	[sflag:s22] =	ssyncset.done $0x0  }
0x3c: {  	[sflag:s22] =	ssyncadd.s32 $0xFFFFC000  }
0x3d: {  	_ =	swait.ge [sflag:s22], $0x4000  }
0x3e: {  	[sflag:s22] =	ssyncset.done $0x0  }
0x3f: {  	[sflag:s22] =	ssyncadd.s32 $0xFFFFC000  }
0x40: {  	_ =	swait.ge [sflag:s22], $0x4000  }
0x41: {  	[sflag:s22] =	ssyncset.done $0x0  }
0x42: {  	[sflag:s22] =	ssyncadd.s32 $0xFFFFC000  }
0x43: {  	_ =	swait.ge [sflag:s22], $0x4000  }
0x44: {  	[sflag:s22] =	ssyncset.done $0x0  }
0x45: {  	s24 =	simm.s32 $0x14000;
	[sflag:s22] =	ssyncadd.s32 $0xFFFFC000  }
0x46: {  	[spmem:s2] =	stream.indirect.scatter.add.f32 [tilespmem:s12], [sflag:$0x1], $0x80, s24, s14, $0xb8;
	[tilespmem:$0x1A400] =	vst v63  }
0x47: {  	s25 =	simm.s32 $0x14080  }
0x48: {  	[spmem:s2] =	stream.indirect.scatter.add.f32 [tilespmem:s12], [sflag:$0x1], $0x80, s25, s14, $0xb8;
	[tilespmem:$0x1A400] =	vst v63  }
0x49: {  	s26 =	simm.s32 $0x14100  }
0x4a: {  	[spmem:s2] =	stream.indirect.scatter.add.f32 [tilespmem:s12], [sflag:$0x1], $0x80, s26, s14, $0xb8;
	[tilespmem:$0x1A400] =	vst v63  }
0x4b: {  	s28 =	simm.s32 $0x14180  }
0x4c: {  	[spmem:s2] =	stream.indirect.scatter.add.f32 [tilespmem:s12], [sflag:$0x1], $0x80, s28, s14, $0xb8;
	[tilespmem:$0x1A400] =	vst v63  }
0x4d: {  	s29 =	simm.s32 $0x14200  }
0x4e: {  	[spmem:s2] =	stream.indirect.scatter.add.f32 [tilespmem:s12], [sflag:$0x1], $0x80, s29, s14, $0xb8;
	[tilespmem:$0x1A400] =	vst v63  }
0x4f: {  	s30 =	simm.s32 $0x14280  }
0x50: {  	[spmem:s2] =	stream.indirect.scatter.add.f32 [tilespmem:s12], [sflag:$0x1], $0x80, s30, s14, $0xb8;
	[tilespmem:$0x1A400] =	vst v63  }
0x51: {  	s31 =	simm.s32 $0x14300;
	s24 =	simm.s32 $0x1000;
	s25 =	simm.s32 $0x14380  }
0x52: {  	[spmem:s2] =	stream.indirect.scatter.add.f32 [tilespmem:s12], [sflag:$0x1], $0x80, s31, s14, $0xb8;
	[tilespmem:$0x1A400] =	vst v63  }
.LBB2_2:
0x53: {  	[spmem:s2] =	stream.indirect.scatter.add.f32 [tilespmem:s12], [sflag:$0x1], $0x80, s25, s14, $0xb8;
	[tilespmem:$0x1A400] =	vst v63  }
0x54: {  	s25 =	smov.u32 s24  }
0x55: {  	p0 =	sne.s32 s24, $0x8000;
	s24 =	sadd.s32 $0x1000, s24;
	_ =	swait.ge [sflag:s22], $0x4000  }
0x56: {  	[sflag:s22] =	ssyncset.done $0x0  }
0x57: {  	[sflag:s22] =	ssyncadd.s32 $0xFFFFC000  }
0x58: {  	_ =	swait.ge [sflag:s22], $0x4000  }
0x59: {  	[sflag:s22] =	ssyncset.done $0x0  }
0x5a: {  	[sflag:s22] =	ssyncadd.s32 $0xFFFFC000  }
0x5b: {  	_ =	swait.ge [sflag:s22], $0x4000  }
0x5c: {  	[sflag:s22] =	ssyncset.done $0x0  }
0x5d: {  	[sflag:s22] =	ssyncadd.s32 $0xFFFFC000  }
0x5e: {  	_ =	swait.ge [sflag:s22], $0x4000  }
0x5f: {  	[sflag:s22] =	ssyncset.done $0x0  }
0x60: {  	[sflag:s22] =	ssyncadd.s32 $0xFFFFC000  }
0x61: {  	_ =	swait.ge [sflag:s22], $0x4000  }
0x62: {  	[sflag:s22] =	ssyncset.done $0x0  }
0x63: {  	[sflag:s22] =	ssyncadd.s32 $0xFFFFC000  }
0x64: {  	_ =	swait.ge [sflag:s22], $0x4000  }
0x65: {  	[sflag:s22] =	ssyncset.done $0x0  }
0x66: {  	[sflag:s22] =	ssyncadd.s32 $0xFFFFC000  }
0x67: {  	_ =	swait.ge [sflag:s22], $0x4000  }
0x68: {  	[sflag:s22] =	ssyncset.done $0x0  }
0x69: {  	[sflag:s22] =	ssyncadd.s32 $0xFFFFC000  }
0x6a: {  	_ =	swait.ge [sflag:s22], $0x4000  }
0x6b: {  	s25 =	sshra.s32 s25, $0x2;
	[sflag:s22] =	ssyncset.done $0x0  }
0x6c: {  	s26 =	sadd.s32 $0x14000, s25;
	[sflag:s22] =	ssyncadd.s32 $0xFFFFC000  }
0x6d: {  	[spmem:s2] =	stream.indirect.scatter.add.f32 [tilespmem:s12], [sflag:$0x1], $0x80, s26, s14, $0xb8;
	[tilespmem:$0x1A400] =	vst v63  }
0x6e: {  	s26 =	sadd.s32 $0x14080, s25  }
0x6f: {  	[spmem:s2] =	stream.indirect.scatter.add.f32 [tilespmem:s12], [sflag:$0x1], $0x80, s26, s14, $0xb8;
	[tilespmem:$0x1A400] =	vst v63  }
0x70: {  	s26 =	sadd.s32 $0x14100, s25  }
0x71: {  	[spmem:s2] =	stream.indirect.scatter.add.f32 [tilespmem:s12], [sflag:$0x1], $0x80, s26, s14, $0xb8;
	[tilespmem:$0x1A400] =	vst v63  }
0x72: {  	s26 =	sadd.s32 $0x14180, s25  }
0x73: {  	[spmem:s2] =	stream.indirect.scatter.add.f32 [tilespmem:s12], [sflag:$0x1], $0x80, s26, s14, $0xb8;
	[tilespmem:$0x1A400] =	vst v63  }
0x74: {  	s26 =	sadd.s32 $0x14200, s25  }
0x75: {  	[spmem:s2] =	stream.indirect.scatter.add.f32 [tilespmem:s12], [sflag:$0x1], $0x80, s26, s14, $0xb8;
	[tilespmem:$0x1A400] =	vst v63  }
.Ltmp0:
0x76: {  	s26 =	sadd.s32 $0x14280, s25;
	(pc) =	sbr.rel @p0 .LBB2_2-.Ltmp0, $4  }
0x77: {  	[spmem:s2] =	stream.indirect.scatter.add.f32 [tilespmem:s12], [sflag:$0x1], $0x80, s26, s14, $0xb8;
	[tilespmem:$0x1A400] =	vst v63  }
0x78: {  	s26 =	sadd.s32 $0x14300, s25  }
0x79: {  	[spmem:s2] =	stream.indirect.scatter.add.f32 [tilespmem:s12], [sflag:$0x1], $0x80, s26, s14, $0xb8;
	[tilespmem:$0x1A400] =	vst v63  }
0x7a: {  	s25 =	sadd.s32 $0x14380, s25  }
0x7b: {  	[spmem:s2] =	stream.indirect.scatter.add.f32 [tilespmem:s12], [sflag:$0x1], $0x80, s25, s14, $0xb8;
	[tilespmem:$0x1A400] =	vst v63  }
0x7c: {  	_ =	swait.ge [sflag:s22], $0x4000  }
0x7d: {  	[sflag:s22] =	ssyncset.done $0x0  }
0x7e: {  	[sflag:s22] =	ssyncadd.s32 $0xFFFFC000  }
0x7f: {  	_ =	swait.ge [sflag:s22], $0x4000  }
0x80: {  	[sflag:s22] =	ssyncset.done $0x0  }
0x81: {  	[sflag:s22] =	ssyncadd.s32 $0xFFFFC000  }
0x82: {  	_ =	swait.ge [sflag:s22], $0x4000  }
0x83: {  	[sflag:s22] =	ssyncset.done $0x0  }
0x84: {  	[sflag:s22] =	ssyncadd.s32 $0xFFFFC000  }
0x85: {  	_ =	swait.ge [sflag:s22], $0x4000  }
0x86: {  	[sflag:s22] =	ssyncset.done $0x0  }
0x87: {  	[sflag:s22] =	ssyncadd.s32 $0xFFFFC000  }
0x88: {  	_ =	swait.ge [sflag:s22], $0x4000  }
0x89: {  	[sflag:s22] =	ssyncset.done $0x0  }
0x8a: {  	[sflag:s22] =	ssyncadd.s32 $0xFFFFC000  }
0x8b: {  	_ =	swait.ge [sflag:s22], $0x4000  }
0x8c: {  	[sflag:s22] =	ssyncset.done $0x0  }
0x8d: {  	[sflag:s22] =	ssyncadd.s32 $0xFFFFC000  }
0x8e: {  	_ =	swait.ge [sflag:s22], $0x4000  }
0x8f: {  	[sflag:s22] =	ssyncset.done $0x0  }
0x90: {  	[sflag:s22] =	ssyncadd.s32 $0xFFFFC000  }
0x91: {  	_ =	swait.ge [sflag:s22], $0x4000  }
0x92: {  	s23 =	sadd.s32 $0x1, s23;
	[sflag:s22] =	ssyncset.done $0x0  }
0x93: {  	p0 =	sne.s32 s23, s9;
	[sflag:s22] =	ssyncadd.s32 $0xFFFFC000  }
.Ltmp1:
0x94: {  	[bflag:$0x0] =	sbarrier.arrive $0xFFFF;
	(pc) =	sbr.rel @p0 .LBB2_1-.Ltmp1, $4  }
0x95: {  	[hbm:s8], [sflag:s6] =	dma.local [spmem:s10], $0x2780  }
0x96: {  	_ =	swait.ge [sflag:s11], $0x2780  }
0x97: {  	[sflag:s11] =	ssyncset.done $0x0  }
0x98: {  	[sflag:s11] =	ssyncadd.s32 $0xFFFFD880  }
0x99: {  	_ =	sfence.sel $0x180000  }
0x9a: {  	[bflag:$0x0] =	sbarrier.arrive $0xFFFF  }
0x9b: {  	p0 =	sne.s32 s0, $0x0;
	_ =	strace $0x90000047  }
0x9c: {  	s0 =	sadd.s32 @!p0 $0x100000, s1;
	[bflag:$0x2] =	sbarrier.arrive $0xFFFF  }
0x9d: {  	[sflag:s0] =	ssyncadd.tile.s32 @!p0 $0x1;
	_ =	shalt  }
.Lfunc_end2:
_tile_overlayer_lowered:
.L_overlay_start_2:
0x9e: {  	(tag) =	ssettag $0x2  }
0x9f: {  	s0 =	rddreg [dreg:$0x0];
	s2 =	stileid.u32  }
0xa0: {  	s1 =	rddreg [dreg:$0x1];
	p0 =	sne.s32 s2, $0x0  }
0xa1: {  	s3 =	rddreg [dreg:$0x2];
	[bflag:$0x3] =	sbarrier.arrive $0xFFFF;
	s2 =	simm.s32 @!p0 $0x1C02  }
0xa2: {  	[timem:s3], [sflag:s2] =	dma.local @!p0 [hbm:s0], s1  }
0xa3: {  	s0 =	simm.s32 @!p0 $0x2  }
0xa4: {  	_ =	swait.ge @!p0 [sflag:s0], s1  }
0xa5: {  	s1 =	ssub.s32 @!p0 $0x0, s1;
	[sflag:s0] =	ssyncset.done @!p0 $0x0  }
0xa6: {  	[sflag:s0] =	ssyncadd.s32 @!p0 s1  }
0xa7: {  	[bflag:$0x3] =	sbarrier.arrive $0xFFFF  }
0xa8: {  	_ =	shalt  }

// kernel: kernel.13.cloned.1.call-start
scs
__scs_entry_jumppad:
0x0: {  	(pc) =	sbr.rel $0x88, $3  }
0x1: {  	(tag) =	ssettag $0x0;
	lr =	simm.s32 $0x1  }
0x2: {  	[smem:$0x3F95] =	sst lr;
	_ =	strace $0xD0000000  }
0x3: {  	_ = 	snop  }
0x4: {  	_ = 	snop  }
0x5: {  	_ = 	snop  }
0x6: {  	_ = 	snop  }
0x7: {  	_ = 	snop  }
__scs_overlays_trampoline_lowered:
0x8: {  	[smem:$0x3FA4] =	sst s0  }
0x9: {  	[smem:$0x3FA5] =	sst s1  }
0xa: {  	[smem:$0x3FA6] =	sst s2  }
0xb: {  	[smem:$0x3FA7] =	sst s3  }
0xc: {  	[smem:$0x3FA8] =	sst s4  }
0xd: {  	[smem:$0x3FA9] =	sst s5  }
0xe: {  	[smem:$0x3FAA] =	sst s6  }
0xf: {  	[smem:$0x3FAB] =	sst s7  }
0x10: {  	[smem:$0x3FAC] =	sst s8  }
0x11: {  	[smem:$0x3FAD] =	sst s9;
	s0 =	simm.s32 @!p0 $0x0  }
0x12: {  	s1 =	sld [smem:$0x3F93];
	s0 =	simm.s32 @p0 $0x1  }
0x13: {  	[smem:$0x3FAE] =	sst s0;
	s0 =	simm.s32 @!p1 $0x0  }
0x14: {  	s2 =	sld [smem:$0x3F92];
	s0 =	simm.s32 @p1 $0x1  }
0x15: {  	[smem:$0x3FAF] =	sst s0;
	s0 =	simm.s32 @!p2 $0x0  }
0x16: {  	s3 =	sld [smem:$0x3FDB];
	s0 =	simm.s32 @p2 $0x1  }
0x17: {  	s4 =	simm.s32 $0x1BF5;
	[smem:$0x3FB1] =	sst s0  }
0x18: {  	s0 =	sld [smem:$0x3F94];
	_ =	swait.ge [sflag:s4], $0x0  }
0x19: {  	s7 =	sld [smem:$0x3F95]  }
0x1a: {  	s8 =	sadd.s32 $0xFFFFE003, lr  }
0x1b: {  	s9 =	sadd.s32 $0xFFFFFEF7, lr;
	s5 =	simm.s32 $0xFFFFFFFF;
	p2 =	slt.u32 s8, $0xFFFFF086  }
0x1c: {  	p1 =	slt.u32 s9, $0xF7A;
	s5 =	simm.s32 @!p2 $0x0  }
0x1d: {  	s5 =	simm.s32 @p1 $0x1;
	p0 =	seq.s32 s7, s2  }
0x1e: {  	s7 =	smul.u32 @!p0 $0xF7A, s2;
	p2 =	seq.s32 @!p0 s5, $0x0  }
0x1f: {  	s9 =	smul.u32 $0xF7A, s1;
	s8 =	simm.s32 @!p0 $0x1BF5;
	p2 =	por !p2, p0  }
0x20: {  	[sflag:s8] =	ssyncset.s32 @!p0 $0xFFFFF086;
	s6 =	sadd.s32 @!p0 s3, s7;
	s7 =	simm.s32 @!p0 $0x108  }
0x21: {  	s3 =	sadd.s32 s3, s9;
	s6 =	sadd.s32 @!p0 $0x88, s6;
	s7 =	simm.s32 @p2 $0x1082  }
0x22: {  	[simem:s7], [sflag:s8] =	dma.local @!p0 [hbm:s6], $0xF7A  }
0x23: {  	s9 =	sor.u32 $0xD0000000, s2;
	s6 =	simm.s32 $0x108;
	_ =	swait.ge @!p0 [sflag:s8], $0x0  }
0x24: {  	s3 =	sadd.s32 $0x88, s3;
	s6 =	simm.s32 @!p1 $0x1082;
	[sflag:s4] =	ssyncset.s32 $0xFFFFF086  }
0x25: {  	[simem:s6], [sflag:s4] =	dma.local [hbm:s3], $0xF7A  }
0x26: {  	[smem:$0x3F95] =	sst s1;
	(tag) =	ssettag s2;
	_ =	strace s9  }
0x27: {  	s1 =	sld [smem:$0x3FA5]  }
0x28: {  	s2 =	sld [smem:$0x3FA6]  }
0x29: {  	s4 =	sld [smem:$0x3FA8]  }
0x2a: {  	p0 =	seq.s32 s5, $0x0;
	s5 =	sld [smem:$0x3FA9]  }
0x2b: {  	s6 =	sld [smem:$0x3FAA]  }
0x2c: {  	s7 =	sld [smem:$0x3FAB]  }
0x2d: {  	s3 =	simm.s32 $0x108;
	s8 =	sld [smem:$0x3FAC]  }
0x2e: {  	s3 =	simm.s32 @!p0 $0x1082;
	s9 =	sld [smem:$0x3FAD]  }
0x2f: {  	lr =	sadd.s32 s0, s3;
	s0 =	sld [smem:$0x3FA4]  }
0x30: {  	s3 =	sld [smem:$0x3FA7]  }
0x31: {  	[smem:$0x3FB0] =	sst s10  }
0x32: {  	s10 =	sld [smem:$0x3FAE];
	_ =	sdelay $0x3  }
0x33: {  	p0 =	seq.s32 s10, $0x1;
	s10 =	sld [smem:$0x3FB0];
	_ =	sdelay $0x3  }
0x34: {  	[smem:$0x3FB0] =	sst s10  }
0x35: {  	s10 =	sld [smem:$0x3FAF];
	_ =	sdelay $0x3  }
0x36: {  	p1 =	seq.s32 s10, $0x1;
	s10 =	sld [smem:$0x3FB0];
	_ =	sdelay $0x3  }
0x37: {  	[smem:$0x3FB0] =	sst s10  }
0x38: {  	s10 =	sld [smem:$0x3FB1]  }
0x39: {  	_ = 	snop;
	(pc) =	sbr.ind lr, $3  }
0x3a: {  	_ = 	snop  }
0x3b: {  	_ = 	snop  }
0x3c: {  	p2 =	seq.s32 s10, $0x1;
	s10 =	sld [smem:$0x3FB0]  }
0x3d: {  	_ =	shalt  }
0x3e: {  	_ =	shalt  }
0x3f: {  	_ =	shalt  }
0x40: {  	_ =	shalt  }
0x41: {  	_ =	shalt  }
0x42: {  	_ =	shalt  }
0x43: {  	_ =	shalt  }
0x44: {  	_ =	shalt  }
0x45: {  	_ =	shalt  }
0x46: {  	_ =	shalt  }
0x47: {  	_ =	shalt  }
0x48: {  	_ =	shalt  }
0x49: {  	_ =	shalt  }
0x4a: {  	_ =	shalt  }
0x4b: {  	_ =	shalt  }
0x4c: {  	_ =	shalt  }
0x4d: {  	_ =	shalt  }
0x4e: {  	_ =	shalt  }
0x4f: {  	_ =	shalt  }
0x50: {  	_ =	shalt  }
0x51: {  	_ =	shalt  }
0x52: {  	_ =	shalt  }
0x53: {  	_ =	shalt  }
0x54: {  	_ =	shalt  }
0x55: {  	_ =	shalt  }
0x56: {  	_ =	shalt  }
0x57: {  	_ =	shalt  }
0x58: {  	_ =	shalt  }
0x59: {  	_ =	shalt  }
0x5a: {  	_ =	shalt  }
0x5b: {  	_ =	shalt  }
0x5c: {  	_ =	shalt  }
0x5d: {  	_ =	shalt  }
0x5e: {  	_ =	shalt  }
0x5f: {  	_ =	shalt  }
0x60: {  	_ =	shalt  }
0x61: {  	_ =	shalt  }
0x62: {  	_ =	shalt  }
0x63: {  	_ =	shalt  }
0x64: {  	_ =	shalt  }
0x65: {  	_ =	shalt  }
0x66: {  	_ =	shalt  }
0x67: {  	_ =	shalt  }
0x68: {  	_ =	shalt  }
0x69: {  	_ =	shalt  }
0x6a: {  	_ =	shalt  }
0x6b: {  	_ =	shalt  }
0x6c: {  	_ =	shalt  }
0x6d: {  	_ =	shalt  }
0x6e: {  	_ =	shalt  }
0x6f: {  	_ =	shalt  }
0x70: {  	_ =	shalt  }
0x71: {  	_ =	shalt  }
0x72: {  	_ =	shalt  }
0x73: {  	_ =	shalt  }
0x74: {  	_ =	shalt  }
0x75: {  	_ =	shalt  }
0x76: {  	_ =	shalt  }
0x77: {  	_ =	shalt  }
0x78: {  	_ =	shalt  }
0x79: {  	_ =	shalt  }
0x7a: {  	_ =	shalt  }
0x7b: {  	_ =	shalt  }
0x7c: {  	_ =	shalt  }
0x7d: {  	_ =	shalt  }
0x7e: {  	_ =	shalt  }
0x7f: {  	_ =	shalt  }
0x80: {  	_ =	shalt  }
0x81: {  	_ =	shalt  }
0x82: {  	_ =	shalt  }
0x83: {  	_ =	shalt  }
0x84: {  	_ =	shalt  }
0x85: {  	_ =	shalt  }
0x86: {  	_ =	shalt  }
0x87: {  	_ =	shalt  }
.Lfunc_end0:
.L_simem_size_0:
called_computation.1_lowered:
.L_overlay_start_0:
0x88: {  	s2 =	sld [smem:$0x3FD9]  }
0x89: {  	s3 =	sld [smem:$0x3FFE];
	_ =	sdelay $0x1  }
0x8a: {  	s1 =	srdreg.scid  }
0x8b: {  	s0 =	sand.u32 $0x1, s1  }
0x8c: {  	s17 =	sshll.u32 s0, $0xA;
	s2 =	sadd.s32 s3, s2  }
0x8d: {  	s2 =	sadd.s32 s2, s17  }
0x8e: {  	[smem:$0x3FBC] =	sst s2  }
0x8f: {  	_ = 	snop  }
0x90: {  	s2 =	sld [smem:$0x3FD0];
	(tm) =	ssettm $0x1  }
0x91: {  	s18 =	sld [smem:$0x3FFB];
	_ =	sdelay $0x3  }
0x92: {  	_ =	strace s18  }
0x93: {  	s3 =	sld [smem:$0x3FFC];
	_ =	sdelay $0x3  }
0x94: {  	_ =	strace s3  }
0x95: {  	s3 =	sld [smem:$0x3FFD];
	_ =	sdelay $0x3  }
0x96: {  	_ =	strace s3  }
0x97: {  	_ =	strace $0x8FFFFFFF  }
0x98: {  	s19 =	sld [smem:$0x3FDB];
	_ =	sdelay $0x1  }
0x99: {  	s4 =	simm.s32 $_scs_section_size  }
0x9a: {  	s5 =	simm.s32 $_size__tile_overlayer_lowered;
	s6 =	simm.s32 $_tile_overlayer_lowered  }
0x9b: {  	s22 =	simm.s32 $0x1BFF;
	s21 =	sshll.u32 s6, $0x1;
	s3 =	sadd.s32 s4, s19  }
0x9c: {  	s7 =	simm.s32 $0x0;
	s20 =	sshll.u32 s5, $0x1;
	s5 =	sadd.s32 s21, s3  }
0x9d: {  	[timem:s7], [sflag:s22] =	dma.local [hbm:s5], s20  }
0x9e: {  	_ =	swait.ge [sflag:s22], s20  }
0x9f: {  	s4 =	ssub.s32 $0x0, s20;
	[sflag:s22] =	ssyncset.done $0x0  }
0xa0: {  	[sflag:s22] =	ssyncadd.s32 s4;
	_ =	sdelay $0x1  }
0xa1: {  	s23 =	simm.s32 $0x1B8B  }
0xa2: {  	_ =	swait.ge [sflag:s23], $0x1  }
0xa3: {  	[sflag:s23] =	ssyncset.done $0x0  }
0xa4: {  	s25 =	simm.s32 $0x1B8E;
	s24 =	sld [smem:$0x3FFE];
	[sflag:s23] =	ssyncadd.s32 $0xFFFFFFFF  }
0xa5: {  	s26 =	simm.s32 $execute0_lowered;
	[smem:$0x3FD2] =	sst s25  }
0xa6: {  	s5 =	sshll.u32 s26, $0x1;
	_ =	strace $0x80000049;
	[dreg:$0x1] =	wrdreg $0xFFFFFFFF  }
0xa7: {  	s28 =	simm.s32 $_size_execute0_lowered;
	s3 =	sadd.s32 s3, s5;
	[dreg:$0x0] =	wrdreg $0x0  }
0xa8: {  	s5 =	sshll.u32 s28, $0x1;
	[dreg:$0x2] =	wrdreg s3  }
0xa9: {  	[dreg:$0x3] =	wrdreg s5  }
0xaa: {  	[dreg:$0x4] =	wrdreg $0xC0  }
0xab: {  	_ =	task [dreg:s7], $0x5FFFF  }
0xac: {  	[dreg:$0x1] =	wrdreg $0xFFFFFFFF  }
0xad: {  	[dreg:$0x0] =	wrdreg $0x60  }
0xae: {  	[dreg:$0x2] =	wrdreg s24  }
0xaf: {  	[dreg:$0x3] =	wrdreg s2  }
0xb0: {  	[dreg:$0x4] =	wrdreg $0x0  }
0xb1: {  	[dreg:$0x5] =	wrdreg $0x9  }
0xb2: {  	_ =	task.clear_ibuf [dreg:s7], $0x6FFFF;
	_ =	strace $0x90000049  }
0xb3: {  	s29 =	simm.s32 $0x9;
	_ =	strace $0x8000004B  }
0xb4: {  	_ =	swait.ge [sflag:s29], $0x1  }
0xb5: {  	[sflag:s29] =	ssyncadd.s32 $0xFFFFFFFF  }
0xb6: {  	_ =	strace $0x9000004B  }
0xb7: {  	_ =	sfence  }
0xb8: {  	s30 =	sld [smem:$0x0];
	_ =	sdelay $0x2  }
0xb9: {  	s31 =	sshll.u32 s1, $0xD;
	s1 =	sshrl.u32 s1, $0x2  }
0xba: {  	s3 =	sand.u32 $0x4000, s31;
	s1 =	sadd.s32 s1, s30  }
0xbb: {  	s0 =	sor.u32 s3, s0;
	s1 =	sshll.u32 s1, $0x11  }
0xbc: {  	s0 =	sor.u32 s1, s0  }
0xbd: {  	s0 =	sadd.s32 $0x8F2B, s0  }
0xbe: {  	[sflag:s0] =	ssyncadd.remote.s32 $0x1  }
0xbf: {  	_ =	sfence.sel $0xFFFF  }
0xc0: {  	[dreg:$0x0] =	wrdreg $0xFFFFFFFF;
	(pc) =	sbr.abs _section_cstart, $3  }
0xc1: {  	[dreg:$0x1] =	wrdreg $0xFFFFFFFF  }
0xc2: {  	_ =	task.clear_ibuf [dreg:s7], $0x2FFFF;
	_ =	strace $0x9FFFFFFF  }
0xc3: {  	(tm) =	ssettm $0x7FFFFFFF  }
tec
execute0_lowered:
.L_overlay_start_1:
0x0: {  	(tag) =	ssettag $0x1  }
0x1: {  	s5 =	rddreg [dreg:$0x0]  }
0x2: {  	s10 =	rddreg [dreg:$0x1]  }
0x3: {  	s2 =	rddreg [dreg:$0x2]  }
0x4: {  	s0 =	rddreg [dreg:$0x3]  }
0x5: {  	s1 =	stileid.u32;
	s4 =	srdreg.scid  }
0x6: {  	s3 =	simm.s32 $0x0;
	s16 =	simm.s32 $0x15000;
	s17 =	simm.s32 $0x80  }
0x7: {  	s18 =	simm.s32 $0x16400;
	s19 =	simm.s32 $0x1;
	s20 =	simm.s32 $0x13C80  }
0x8: {  	s21 =	simm.s32 $0x1A400;
	s6 =	smul.u32 $0x13C00, s1;
	s7 =	sand.u32 $0x1, s4  }
0x9: {  	[smem:$0x7FF] =	sst s3;
	s4 =	sadd.s32 $0x35000, s5;
	s11 =	sadd.s32 $0x3800, s5  }
0xa: {  	s12 =	sshll.u32 s1, $0x1;
	s13 =	smul.u32 $0x4F000, s1;
	s29 =	sshll.u32 s1, $0x6  }
0xb: {  	s8 =	smul.u32 $0x13C000, s7;
	_ =	strace $0x8000004A;
	s25 =	sor.u32 s7, s12  }
0xc: {  	s23 =	ssub.s32 $0x2, s7;
	s9 =	sshrl.u32 s6, $0x3;
	s7 =	smul.u32 $0x2800, s25  }
0xd: {  	s24 =	sshrl.u32 s23, $0x1;
	s28 =	sshrl.u32 s13, $0x2;
	s15 =	smul.u32 $0x500, s25  }
0xe: {  	s25 =	simm.s32 $0x3;
	s6 =	sadd.s32 s6, s8;
	s22 =	sadd.s32 s9, s5  }
0xf: {  	s26 =	ssub.s32 s23, s24;
	s13 =	sadd.s32 s28, s2;
	s23 =	simm.s32 $0x2  }
0x10: {  	s24 =	simm.s32 $0x13D00;
	s6 =	sshrl.u32 s6, $0x3;
	s30 =	sshrl.u32 s7, $0x3  }
0x11: {  	s7 =	sadd.s32 s11, s15;
	s8 =	sadd.s32 s10, s15;
	s12 =	smax.u32 s26, $0x1  }
0x12: {  	s13 =	sshrl.u32 s13, $0x3;
	s15 =	simm.s32 $0x13C00;
	s26 =	simm.s32 $0x0  }
0x13: {  	s14 =	sadd.s32 s6, s5;
	s5 =	sadd.s32 $0xD800, s22;
	s31 =	sadd.s32 $0x280, s30  }
0x14: {  	s6 =	sor.u32 $0x1C04, s29;
	s22 =	simm.s32 $0x15080;
	s9 =	sadd.s32 s11, s31  }
0x15: {  	s10 =	sadd.s32 s10, s31;
	s11 =	sadd.s32 $0x5C200, s14;
	s14 =	simm.s32 $0x4  }
.LBB2_1:
0x16: {  	[spmem:s13], [sflag:s6] =	dma.local [hbm:s5], $0x2780  }
0x17: {  	_ =	swait.ge [sflag:s14], $0x2780  }
0x18: {  	[sflag:s14] =	ssyncset.done $0x0  }
0x19: {  	[sflag:s14] =	ssyncadd.s32 $0xFFFFD880  }
0x1a: {  	[tilespmem:s15], [sflag:$0x4] =	stream.linear.gather [hbm4b:s7+s3], $0x1400, $0x38;
	[tilespmem:$0x1E400] =	vst v63  }
0x1b: {  	_ =	swait.ge [sflag:s14], $0x1400  }
0x1c: {  	[sflag:s14] =	ssyncset.done $0x0  }
0x1d: {  	[sflag:s14] =	ssyncadd.s32 $0xFFFFEC00  }
0x1e: {  	[tilespmem:s16], [sflag:$0x4] =	stream.linear.gather [hbm4b:s8+s3], $0x1400, $0x38;
	[tilespmem:$0x1E400] =	vst v63  }
0x1f: {  	_ =	swait.ge [sflag:s14], $0x1400  }
0x20: {  	[sflag:s14] =	ssyncset.done $0x0  }
0x21: {  	[sflag:s14] =	ssyncadd.s32 $0xFFFFEC00  }
0x22: {  	[tilespmem:s18], [sflag:$0x1] =	stream.indirect.gather [hbm4b:s4+s17], $0x80, s15, s17, $0xb8;
	[tilespmem:$0x1E400] =	vst v63  }
0x23: {  	[bflag:$0x0] =	sbarrier.arrive $0xFFFF  }
0x24: {  	_ =	swait.ge [sflag:s19], $0x4000  }
0x25: {  	[sflag:s19] =	ssyncset.done $0x0  }
0x26: {  	[sflag:s19] =	ssyncadd.s32 $0xFFFFC000  }
0x27: {  	[spmem:s2] =	stream.indirect.scatter.add.f32 [tilespmem:s18], [sflag:$0x2], $0x80, s16, s17, $0xb8;
	[tilespmem:$0x1E400] =	vst v63  }
0x28: {  	_ = 	snop  }
0x29: {  	[tilespmem:s21], [sflag:$0x1] =	stream.indirect.gather [hbm4b:s4+s17], $0x80, s20, s17, $0xb8;
	[tilespmem:$0x1E400] =	vst v63  }
0x2a: {  	_ =	swait.ge [sflag:s19], $0x4000  }
0x2b: {  	[sflag:s19] =	ssyncset.done $0x0  }
0x2c: {  	[sflag:s19] =	ssyncadd.s32 $0xFFFFC000  }
0x2d: {  	[spmem:s2] =	stream.indirect.scatter.add.f32 [tilespmem:s21], [sflag:$0x3], $0x80, s22, s17, $0xb8;
	[tilespmem:$0x1E400] =	vst v63  }
0x2e: {  	_ =	swait.ge [sflag:s23], $0x4000  }
0x2f: {  	[sflag:s23] =	ssyncset.done $0x0  }
0x30: {  	s28 =	simm.s32 $0x0;
	[sflag:s23] =	ssyncadd.s32 $0xFFFFC000  }
0x31: {  	[tilespmem:s18], [sflag:$0x1] =	stream.indirect.gather [hbm4b:s4+s17], $0x80, s24, s17, $0xb8;
	[tilespmem:$0x1E400] =	vst v63  }
.LBB2_2:
0x32: {  	_ =	swait.ge [sflag:s19], $0x4000  }
0x33: {  	s29 =	sshra.s32 s28, $0x2;
	[sflag:s19] =	ssyncset.done $0x0  }
0x34: {  	s30 =	sadd.s32 $0x15100, s29;
	[sflag:s19] =	ssyncadd.s32 $0xFFFFC000  }
0x35: {  	[spmem:s2] =	stream.indirect.scatter.add.f32 [tilespmem:s18], [sflag:$0x2], $0x80, s30, s17, $0xb8;
	[tilespmem:$0x1E400] =	vst v63  }
0x36: {  	_ =	swait.ge [sflag:s25], $0x4000  }
0x37: {  	[sflag:s25] =	ssyncset.done $0x0  }
0x38: {  	s31 =	sadd.s32 $0x13D80, s29;
	[sflag:s25] =	ssyncadd.s32 $0xFFFFC000  }
0x39: {  	[tilespmem:s21], [sflag:$0x1] =	stream.indirect.gather [hbm4b:s4+s17], $0x80, s31, s17, $0xb8;
	[tilespmem:$0x1E400] =	vst v63  }
0x3a: {  	_ =	swait.ge [sflag:s19], $0x4000  }
0x3b: {  	[sflag:s19] =	ssyncset.done $0x0  }
0x3c: {  	p0 =	seq.s32 s28, $0x4800;
	s29 =	sadd.s32 $0x15180, s29;
	[sflag:s19] =	ssyncadd.s32 $0xFFFFC000  }
0x3d: {  	[spmem:s2] =	stream.indirect.scatter.add.f32 [tilespmem:s21], [sflag:$0x3], $0x80, s29, s17, $0xb8;
	[tilespmem:$0x1E400] =	vst v63  }
0x3e: {  	s30 =	simm.s32 @!p0 $0x80;
	s31 =	simm.s32 @!p0 $0x16400;
	_ =	swait.ge [sflag:s23], $0x4000  }
0x3f: {  	s29 =	sshra.s32 @!p0 s28, $0x2;
	s28 =	sadd.s32 @!p0 $0x400, s28;
	[sflag:s23] =	ssyncset.done $0x0  }
0x40: {  	s29 =	sadd.s32 @!p0 $0x13E00, s29;
	p1 =	sne.s32 @!p0 s28, $0x4C00;
	[sflag:s23] =	ssyncadd.s32 $0xFFFFC000  }
0x41: {  	[tilespmem:s31], [sflag:$0x1] =	stream.indirect.gather @!p0 [hbm4b:s4+s30], $0x80, s29, s30, $0xb8;
	[tilespmem:$0x1E400] =	vst v63  }
0x42: {  	p0 =	por p0, !p1  }
.Ltmp0:
0x43: {  	_ = 	snop;
	(pc) =	sbr.rel @!p0 .LBB2_2-.Ltmp0, $1  }
0x44: {  	_ =	sdelay $0x3  }
0x45: {  	_ =	swait.ge [sflag:s25], $0x4000  }
0x46: {  	[sflag:s25] =	ssyncset.done $0x0  }
0x47: {  	s28 =	simm.s32 $0x0;
	[sflag:s25] =	ssyncadd.s32 $0xFFFFC000  }
0x48: {  	[tilespmem:s15], [sflag:$0x4] =	stream.linear.gather [hbm4b:s9+s28], $0x1400, $0x38;
	[tilespmem:$0x1E400] =	vst v63  }
0x49: {  	_ =	swait.ge [sflag:s14], $0x1400  }
0x4a: {  	[sflag:s14] =	ssyncset.done $0x0  }
0x4b: {  	[sflag:s14] =	ssyncadd.s32 $0xFFFFEC00  }
0x4c: {  	[tilespmem:s16], [sflag:$0x4] =	stream.linear.gather [hbm4b:s10+s28], $0x1400, $0x38;
	[tilespmem:$0x1E400] =	vst v63  }
0x4d: {  	_ =	swait.ge [sflag:s14], $0x1400  }
0x4e: {  	[sflag:s14] =	ssyncset.done $0x0  }
0x4f: {  	[sflag:s14] =	ssyncadd.s32 $0xFFFFEC00  }
0x50: {  	[tilespmem:s18], [sflag:$0x1] =	stream.indirect.gather [hbm4b:s4+s17], $0x80, s15, s17, $0xb8;
	[tilespmem:$0x1E400] =	vst v63  }
0x51: {  	_ =	swait.ge [sflag:s19], $0x4000  }
0x52: {  	[sflag:s19] =	ssyncset.done $0x0  }
0x53: {  	[sflag:s19] =	ssyncadd.s32 $0xFFFFC000  }
0x54: {  	[spmem:s2] =	stream.indirect.scatter.add.f32 [tilespmem:s18], [sflag:$0x2], $0x80, s16, s17, $0xb8;
	[tilespmem:$0x1E400] =	vst v63  }
0x55: {  	_ = 	snop  }
0x56: {  	[tilespmem:s21], [sflag:$0x1] =	stream.indirect.gather [hbm4b:s4+s17], $0x80, s20, s17, $0xb8;
	[tilespmem:$0x1E400] =	vst v63  }
0x57: {  	_ =	swait.ge [sflag:s19], $0x4000  }
0x58: {  	[sflag:s19] =	ssyncset.done $0x0  }
0x59: {  	[sflag:s19] =	ssyncadd.s32 $0xFFFFC000  }
0x5a: {  	[spmem:s2] =	stream.indirect.scatter.add.f32 [tilespmem:s21], [sflag:$0x3], $0x80, s22, s17, $0xb8;
	[tilespmem:$0x1E400] =	vst v63  }
0x5b: {  	_ =	swait.ge [sflag:s23], $0x4000  }
0x5c: {  	[sflag:s23] =	ssyncset.done $0x0  }
0x5d: {  	[sflag:s23] =	ssyncadd.s32 $0xFFFFC000  }
0x5e: {  	[tilespmem:s18], [sflag:$0x1] =	stream.indirect.gather [hbm4b:s4+s17], $0x80, s24, s17, $0xb8;
	[tilespmem:$0x1E400] =	vst v63  }
.LBB2_4:
0x5f: {  	_ =	swait.ge [sflag:s19], $0x4000  }
0x60: {  	s29 =	sshra.s32 s28, $0x2;
	[sflag:s19] =	ssyncset.done $0x0  }
0x61: {  	s30 =	sadd.s32 $0x15100, s29;
	[sflag:s19] =	ssyncadd.s32 $0xFFFFC000  }
0x62: {  	[spmem:s2] =	stream.indirect.scatter.add.f32 [tilespmem:s18], [sflag:$0x2], $0x80, s30, s17, $0xb8;
	[tilespmem:$0x1E400] =	vst v63  }
0x63: {  	_ =	swait.ge [sflag:s25], $0x4000  }
0x64: {  	[sflag:s25] =	ssyncset.done $0x0  }
0x65: {  	s31 =	sadd.s32 $0x13D80, s29;
	[sflag:s25] =	ssyncadd.s32 $0xFFFFC000  }
0x66: {  	[tilespmem:s21], [sflag:$0x1] =	stream.indirect.gather [hbm4b:s4+s17], $0x80, s31, s17, $0xb8;
	[tilespmem:$0x1E400] =	vst v63  }
0x67: {  	_ =	swait.ge [sflag:s19], $0x4000  }
0x68: {  	[sflag:s19] =	ssyncset.done $0x0  }
0x69: {  	p0 =	seq.s32 s28, $0x4800;
	s29 =	sadd.s32 $0x15180, s29;
	[sflag:s19] =	ssyncadd.s32 $0xFFFFC000  }
0x6a: {  	[spmem:s2] =	stream.indirect.scatter.add.f32 [tilespmem:s21], [sflag:$0x3], $0x80, s29, s17, $0xb8;
	[tilespmem:$0x1E400] =	vst v63  }
0x6b: {  	s30 =	simm.s32 @!p0 $0x80;
	s31 =	simm.s32 @!p0 $0x16400;
	_ =	swait.ge [sflag:s23], $0x4000  }
0x6c: {  	s29 =	sshra.s32 @!p0 s28, $0x2;
	s28 =	sadd.s32 @!p0 $0x400, s28;
	[sflag:s23] =	ssyncset.done $0x0  }
0x6d: {  	s29 =	sadd.s32 @!p0 $0x13E00, s29;
	p1 =	sne.s32 @!p0 s28, $0x4C00;
	[sflag:s23] =	ssyncadd.s32 $0xFFFFC000  }
0x6e: {  	[tilespmem:s31], [sflag:$0x1] =	stream.indirect.gather @!p0 [hbm4b:s4+s30], $0x80, s29, s30, $0xb8;
	[tilespmem:$0x1E400] =	vst v63  }
0x6f: {  	p0 =	por p0, !p1  }
.Ltmp1:
0x70: {  	_ = 	snop;
	(pc) =	sbr.rel @!p0 .LBB2_4-.Ltmp1, $1  }
0x71: {  	_ =	sdelay $0x3  }
0x72: {  	_ =	swait.ge [sflag:s25], $0x4000  }
0x73: {  	s26 =	sadd.s32 $0x1, s26;
	[sflag:s25] =	ssyncset.done $0x0  }
0x74: {  	p0 =	sne.s32 s26, s12;
	[sflag:s25] =	ssyncadd.s32 $0xFFFFC000  }
.Ltmp2:
0x75: {  	[bflag:$0x0] =	sbarrier.arrive $0xFFFF;
	(pc) =	sbr.rel @p0 .LBB2_1-.Ltmp2, $4  }
0x76: {  	[hbm:s11], [sflag:s6] =	dma.local [spmem:s13], $0x2780  }
0x77: {  	_ =	swait.ge [sflag:s14], $0x2780  }
0x78: {  	[sflag:s14] =	ssyncset.done $0x0  }
0x79: {  	[sflag:s14] =	ssyncadd.s32 $0xFFFFD880  }
0x7a: {  	_ =	sfence.sel $0x180000  }
0x7b: {  	[bflag:$0x0] =	sbarrier.arrive $0xFFFF  }
0x7c: {  	p0 =	sne.s32 s1, $0x0;
	_ =	strace $0x9000004A  }
0x7d: {  	s0 =	sadd.s32 @!p0 $0x100000, s0;
	[bflag:$0x2] =	sbarrier.arrive $0xFFFF  }
0x7e: {  	[sflag:s0] =	ssyncadd.tile.s32 @!p0 $0x1;
	_ =	shalt  }
.Lfunc_end2:
_tile_overlayer_lowered:
.L_overlay_start_2:
0x7f: {  	(tag) =	ssettag $0x2  }
0x80: {  	s0 =	rddreg [dreg:$0x0];
	s2 =	stileid.u32  }
0x81: {  	s1 =	rddreg [dreg:$0x1];
	p0 =	sne.s32 s2, $0x0  }
0x82: {  	s3 =	rddreg [dreg:$0x2];
	[bflag:$0x3] =	sbarrier.arrive $0xFFFF;
	s2 =	simm.s32 @!p0 $0x1C04  }
0x83: {  	[timem:s3], [sflag:s2] =	dma.local @!p0 [hbm:s0], s1  }
0x84: {  	s0 =	simm.s32 @!p0 $0x4  }
0x85: {  	_ =	swait.ge @!p0 [sflag:s0], s1  }
0x86: {  	s1 =	ssub.s32 @!p0 $0x0, s1;
	[sflag:s0] =	ssyncset.done @!p0 $0x0  }
0x87: {  	[sflag:s0] =	ssyncadd.s32 @!p0 s1  }
0x88: {  	[bflag:$0x3] =	sbarrier.arrive $0xFFFF  }
0x89: {  	_ =	shalt  }

// kernel: kernel.16.cloned.1.call-start
scs
__scs_entry_jumppad:
0x0: {  	(pc) =	sbr.rel $0x88, $3  }
0x1: {  	(tag) =	ssettag $0x0;
	lr =	simm.s32 $0x1  }
0x2: {  	[smem:$0x3F95] =	sst lr;
	_ =	strace $0xD0000000  }
0x3: {  	_ = 	snop  }
0x4: {  	_ = 	snop  }
0x5: {  	_ = 	snop  }
0x6: {  	_ = 	snop  }
0x7: {  	_ = 	snop  }
__scs_overlays_trampoline_lowered:
0x8: {  	[smem:$0x3FA4] =	sst s0  }
0x9: {  	[smem:$0x3FA5] =	sst s1  }
0xa: {  	[smem:$0x3FA6] =	sst s2  }
0xb: {  	[smem:$0x3FA7] =	sst s3  }
0xc: {  	[smem:$0x3FA8] =	sst s4  }
0xd: {  	[smem:$0x3FA9] =	sst s5  }
0xe: {  	[smem:$0x3FAA] =	sst s6  }
0xf: {  	[smem:$0x3FAB] =	sst s7  }
0x10: {  	[smem:$0x3FAC] =	sst s8  }
0x11: {  	[smem:$0x3FAD] =	sst s9;
	s0 =	simm.s32 @!p0 $0x0  }
0x12: {  	s1 =	sld [smem:$0x3F93];
	s0 =	simm.s32 @p0 $0x1  }
0x13: {  	[smem:$0x3FAE] =	sst s0;
	s0 =	simm.s32 @!p1 $0x0  }
0x14: {  	s2 =	sld [smem:$0x3F92];
	s0 =	simm.s32 @p1 $0x1  }
0x15: {  	[smem:$0x3FAF] =	sst s0;
	s0 =	simm.s32 @!p2 $0x0  }
0x16: {  	s3 =	sld [smem:$0x3FDB];
	s0 =	simm.s32 @p2 $0x1  }
0x17: {  	s4 =	simm.s32 $0x1BF5;
	[smem:$0x3FB1] =	sst s0  }
0x18: {  	s0 =	sld [smem:$0x3F94];
	_ =	swait.ge [sflag:s4], $0x0  }
0x19: {  	s7 =	sld [smem:$0x3F95]  }
0x1a: {  	s8 =	sadd.s32 $0xFFFFE003, lr  }
0x1b: {  	s9 =	sadd.s32 $0xFFFFFEF7, lr;
	s5 =	simm.s32 $0xFFFFFFFF;
	p2 =	slt.u32 s8, $0xFFFFF086  }
0x1c: {  	p1 =	slt.u32 s9, $0xF7A;
	s5 =	simm.s32 @!p2 $0x0  }
0x1d: {  	s5 =	simm.s32 @p1 $0x1;
	p0 =	seq.s32 s7, s2  }
0x1e: {  	s7 =	smul.u32 @!p0 $0xF7A, s2;
	p2 =	seq.s32 @!p0 s5, $0x0  }
0x1f: {  	s9 =	smul.u32 $0xF7A, s1;
	s8 =	simm.s32 @!p0 $0x1BF5;
	p2 =	por !p2, p0  }
0x20: {  	[sflag:s8] =	ssyncset.s32 @!p0 $0xFFFFF086;
	s6 =	sadd.s32 @!p0 s3, s7;
	s7 =	simm.s32 @!p0 $0x108  }
0x21: {  	s3 =	sadd.s32 s3, s9;
	s6 =	sadd.s32 @!p0 $0x88, s6;
	s7 =	simm.s32 @p2 $0x1082  }
0x22: {  	[simem:s7], [sflag:s8] =	dma.local @!p0 [hbm:s6], $0xF7A  }
0x23: {  	s9 =	sor.u32 $0xD0000000, s2;
	s6 =	simm.s32 $0x108;
	_ =	swait.ge @!p0 [sflag:s8], $0x0  }
0x24: {  	s3 =	sadd.s32 $0x88, s3;
	s6 =	simm.s32 @!p1 $0x1082;
	[sflag:s4] =	ssyncset.s32 $0xFFFFF086  }
0x25: {  	[simem:s6], [sflag:s4] =	dma.local [hbm:s3], $0xF7A  }
0x26: {  	[smem:$0x3F95] =	sst s1;
	(tag) =	ssettag s2;
	_ =	strace s9  }
0x27: {  	s1 =	sld [smem:$0x3FA5]  }
0x28: {  	s2 =	sld [smem:$0x3FA6]  }
0x29: {  	s4 =	sld [smem:$0x3FA8]  }
0x2a: {  	p0 =	seq.s32 s5, $0x0;
	s5 =	sld [smem:$0x3FA9]  }
0x2b: {  	s6 =	sld [smem:$0x3FAA]  }
0x2c: {  	s7 =	sld [smem:$0x3FAB]  }
0x2d: {  	s3 =	simm.s32 $0x108;
	s8 =	sld [smem:$0x3FAC]  }
0x2e: {  	s3 =	simm.s32 @!p0 $0x1082;
	s9 =	sld [smem:$0x3FAD]  }
0x2f: {  	lr =	sadd.s32 s0, s3;
	s0 =	sld [smem:$0x3FA4]  }
0x30: {  	s3 =	sld [smem:$0x3FA7]  }
0x31: {  	[smem:$0x3FB0] =	sst s10  }
0x32: {  	s10 =	sld [smem:$0x3FAE];
	_ =	sdelay $0x3  }
0x33: {  	p0 =	seq.s32 s10, $0x1;
	s10 =	sld [smem:$0x3FB0];
	_ =	sdelay $0x3  }
0x34: {  	[smem:$0x3FB0] =	sst s10  }
0x35: {  	s10 =	sld [smem:$0x3FAF];
	_ =	sdelay $0x3  }
0x36: {  	p1 =	seq.s32 s10, $0x1;
	s10 =	sld [smem:$0x3FB0];
	_ =	sdelay $0x3  }
0x37: {  	[smem:$0x3FB0] =	sst s10  }
0x38: {  	s10 =	sld [smem:$0x3FB1]  }
0x39: {  	_ = 	snop;
	(pc) =	sbr.ind lr, $3  }
0x3a: {  	_ = 	snop  }
0x3b: {  	_ = 	snop  }
0x3c: {  	p2 =	seq.s32 s10, $0x1;
	s10 =	sld [smem:$0x3FB0]  }
0x3d: {  	_ =	shalt  }
0x3e: {  	_ =	shalt  }
0x3f: {  	_ =	shalt  }
0x40: {  	_ =	shalt  }
0x41: {  	_ =	shalt  }
0x42: {  	_ =	shalt  }
0x43: {  	_ =	shalt  }
0x44: {  	_ =	shalt  }
0x45: {  	_ =	shalt  }
0x46: {  	_ =	shalt  }
0x47: {  	_ =	shalt  }
0x48: {  	_ =	shalt  }
0x49: {  	_ =	shalt  }
0x4a: {  	_ =	shalt  }
0x4b: {  	_ =	shalt  }
0x4c: {  	_ =	shalt  }
0x4d: {  	_ =	shalt  }
0x4e: {  	_ =	shalt  }
0x4f: {  	_ =	shalt  }
0x50: {  	_ =	shalt  }
0x51: {  	_ =	shalt  }
0x52: {  	_ =	shalt  }
0x53: {  	_ =	shalt  }
0x54: {  	_ =	shalt  }
0x55: {  	_ =	shalt  }
0x56: {  	_ =	shalt  }
0x57: {  	_ =	shalt  }
0x58: {  	_ =	shalt  }
0x59: {  	_ =	shalt  }
0x5a: {  	_ =	shalt  }
0x5b: {  	_ =	shalt  }
0x5c: {  	_ =	shalt  }
0x5d: {  	_ =	shalt  }
0x5e: {  	_ =	shalt  }
0x5f: {  	_ =	shalt  }
0x60: {  	_ =	shalt  }
0x61: {  	_ =	shalt  }
0x62: {  	_ =	shalt  }
0x63: {  	_ =	shalt  }
0x64: {  	_ =	shalt  }
0x65: {  	_ =	shalt  }
0x66: {  	_ =	shalt  }
0x67: {  	_ =	shalt  }
0x68: {  	_ =	shalt  }
0x69: {  	_ =	shalt  }
0x6a: {  	_ =	shalt  }
0x6b: {  	_ =	shalt  }
0x6c: {  	_ =	shalt  }
0x6d: {  	_ =	shalt  }
0x6e: {  	_ =	shalt  }
0x6f: {  	_ =	shalt  }
0x70: {  	_ =	shalt  }
0x71: {  	_ =	shalt  }
0x72: {  	_ =	shalt  }
0x73: {  	_ =	shalt  }
0x74: {  	_ =	shalt  }
0x75: {  	_ =	shalt  }
0x76: {  	_ =	shalt  }
0x77: {  	_ =	shalt  }
0x78: {  	_ =	shalt  }
0x79: {  	_ =	shalt  }
0x7a: {  	_ =	shalt  }
0x7b: {  	_ =	shalt  }
0x7c: {  	_ =	shalt  }
0x7d: {  	_ =	shalt  }
0x7e: {  	_ =	shalt  }
0x7f: {  	_ =	shalt  }
0x80: {  	_ =	shalt  }
0x81: {  	_ =	shalt  }
0x82: {  	_ =	shalt  }
0x83: {  	_ =	shalt  }
0x84: {  	_ =	shalt  }
0x85: {  	_ =	shalt  }
0x86: {  	_ =	shalt  }
0x87: {  	_ =	shalt  }
.Lfunc_end0:
.L_simem_size_0:
called_computation.2_lowered:
.L_overlay_start_0:
0x88: {  	s2 =	sld [smem:$0x3FD9]  }
0x89: {  	s3 =	sld [smem:$0x3FFE];
	_ =	sdelay $0x1  }
0x8a: {  	s1 =	srdreg.scid  }
0x8b: {  	s0 =	sand.u32 $0x1, s1  }
0x8c: {  	s17 =	sshll.u32 s0, $0xA;
	s2 =	sadd.s32 s3, s2  }
0x8d: {  	s2 =	sadd.s32 s2, s17  }
0x8e: {  	[smem:$0x3FBC] =	sst s2  }
0x8f: {  	_ = 	snop  }
0x90: {  	s2 =	sld [smem:$0x3FD0];
	(tm) =	ssettm $0x1  }
0x91: {  	s18 =	sld [smem:$0x3FFB];
	_ =	sdelay $0x3  }
0x92: {  	_ =	strace s18  }
0x93: {  	s3 =	sld [smem:$0x3FFC];
	_ =	sdelay $0x3  }
0x94: {  	_ =	strace s3  }
0x95: {  	s3 =	sld [smem:$0x3FFD];
	_ =	sdelay $0x3  }
0x96: {  	_ =	strace s3  }
0x97: {  	_ =	strace $0x8FFFFFFF  }
0x98: {  	s19 =	sld [smem:$0x3FDB];
	_ =	sdelay $0x1  }
0x99: {  	s4 =	simm.s32 $_scs_section_size  }
0x9a: {  	s5 =	simm.s32 $_size__tile_overlayer_lowered;
	s6 =	simm.s32 $_tile_overlayer_lowered  }
0x9b: {  	s22 =	simm.s32 $0x1BFF;
	s21 =	sshll.u32 s6, $0x1;
	s3 =	sadd.s32 s4, s19  }
0x9c: {  	s7 =	simm.s32 $0x0;
	s20 =	sshll.u32 s5, $0x1;
	s5 =	sadd.s32 s21, s3  }
0x9d: {  	[timem:s7], [sflag:s22] =	dma.local [hbm:s5], s20  }
0x9e: {  	_ =	swait.ge [sflag:s22], s20  }
0x9f: {  	s4 =	ssub.s32 $0x0, s20;
	[sflag:s22] =	ssyncset.done $0x0  }
0xa0: {  	[sflag:s22] =	ssyncadd.s32 s4;
	_ =	sdelay $0x1  }
0xa1: {  	s23 =	simm.s32 $0x1B8B  }
0xa2: {  	_ =	swait.ge [sflag:s23], $0x1  }
0xa3: {  	[sflag:s23] =	ssyncset.done $0x0  }
0xa4: {  	s25 =	simm.s32 $0x1B8E;
	s24 =	sld [smem:$0x3FFE];
	[sflag:s23] =	ssyncadd.s32 $0xFFFFFFFF  }
0xa5: {  	s26 =	simm.s32 $execute0_lowered;
	[smem:$0x3FD2] =	sst s25  }
0xa6: {  	s5 =	sshll.u32 s26, $0x1;
	_ =	strace $0x8000004C;
	[dreg:$0x1] =	wrdreg $0xFFFFFFFF  }
0xa7: {  	s28 =	simm.s32 $_size_execute0_lowered;
	s3 =	sadd.s32 s3, s5;
	[dreg:$0x0] =	wrdreg $0x0  }
0xa8: {  	s5 =	sshll.u32 s28, $0x1;
	[dreg:$0x2] =	wrdreg s3  }
0xa9: {  	[dreg:$0x3] =	wrdreg s5  }
0xaa: {  	[dreg:$0x4] =	wrdreg $0xC0  }
0xab: {  	_ =	task [dreg:s7], $0x5FFFF  }
0xac: {  	[dreg:$0x1] =	wrdreg $0xFFFFFFFF  }
0xad: {  	[dreg:$0x0] =	wrdreg $0x60  }
0xae: {  	[dreg:$0x2] =	wrdreg s24  }
0xaf: {  	[dreg:$0x3] =	wrdreg s2  }
0xb0: {  	[dreg:$0x4] =	wrdreg $0x0  }
0xb1: {  	[dreg:$0x5] =	wrdreg $0x9  }
0xb2: {  	_ =	task.clear_ibuf [dreg:s7], $0x6FFFF;
	_ =	strace $0x9000004C  }
0xb3: {  	s29 =	simm.s32 $0x9;
	_ =	strace $0x8000004E  }
0xb4: {  	_ =	swait.ge [sflag:s29], $0x1  }
0xb5: {  	[sflag:s29] =	ssyncadd.s32 $0xFFFFFFFF  }
0xb6: {  	_ =	strace $0x9000004E  }
0xb7: {  	_ =	sfence  }
0xb8: {  	s30 =	sld [smem:$0x0];
	_ =	sdelay $0x2  }
0xb9: {  	s31 =	sshll.u32 s1, $0xD;
	s1 =	sshrl.u32 s1, $0x2  }
0xba: {  	s3 =	sand.u32 $0x4000, s31;
	s1 =	sadd.s32 s1, s30  }
0xbb: {  	s0 =	sor.u32 s3, s0;
	s1 =	sshll.u32 s1, $0x11  }
0xbc: {  	s0 =	sor.u32 s1, s0  }
0xbd: {  	s0 =	sadd.s32 $0x8F2B, s0  }
0xbe: {  	[sflag:s0] =	ssyncadd.remote.s32 $0x1  }
0xbf: {  	_ =	sfence.sel $0xFFFF  }
0xc0: {  	[dreg:$0x0] =	wrdreg $0xFFFFFFFF;
	(pc) =	sbr.abs _section_cstart, $3  }
0xc1: {  	[dreg:$0x1] =	wrdreg $0xFFFFFFFF  }
0xc2: {  	_ =	task.clear_ibuf [dreg:s7], $0x2FFFF;
	_ =	strace $0x9FFFFFFF  }
0xc3: {  	(tm) =	ssettm $0x7FFFFFFF  }
tec
execute0_lowered:
.L_overlay_start_1:
0x0: {  	(tag) =	ssettag $0x1  }
0x1: {  	s5 =	rddreg [dreg:$0x0]  }
0x2: {  	s10 =	rddreg [dreg:$0x1]  }
0x3: {  	s2 =	rddreg [dreg:$0x2]  }
0x4: {  	s0 =	rddreg [dreg:$0x3]  }
0x5: {  	s1 =	stileid.u32;
	s4 =	srdreg.scid  }
0x6: {  	s3 =	simm.s32 $0x0;
	s16 =	simm.s32 $0x15000;
	s17 =	simm.s32 $0x80  }
0x7: {  	s18 =	simm.s32 $0x16400;
	s19 =	simm.s32 $0x1;
	s20 =	simm.s32 $0x13C80  }
0x8: {  	s21 =	simm.s32 $0x1A400;
	s6 =	smul.u32 $0x13C00, s1;
	s7 =	sand.u32 $0x1, s4  }
0x9: {  	[smem:$0x7FF] =	sst s3;
	s4 =	sadd.s32 $0x35000, s5;
	s11 =	sadd.s32 $0x3800, s5  }
0xa: {  	s12 =	sshll.u32 s1, $0x1;
	s13 =	smul.u32 $0x4F000, s1;
	s29 =	sshll.u32 s1, $0x6  }
0xb: {  	s8 =	smul.u32 $0x13C000, s7;
	_ =	strace $0x8000004D;
	s25 =	sor.u32 s7, s12  }
0xc: {  	s23 =	ssub.s32 $0x2, s7;
	s9 =	sshrl.u32 s6, $0x3;
	s7 =	smul.u32 $0x2800, s25  }
0xd: {  	s24 =	sshrl.u32 s23, $0x1;
	s28 =	sshrl.u32 s13, $0x2;
	s15 =	smul.u32 $0x500, s25  }
0xe: {  	s25 =	simm.s32 $0x3;
	s6 =	sadd.s32 s6, s8;
	s22 =	sadd.s32 s9, s5  }
0xf: {  	s26 =	ssub.s32 s23, s24;
	s13 =	sadd.s32 s28, s2;
	s23 =	simm.s32 $0x2  }
0x10: {  	s24 =	simm.s32 $0x13D00;
	s6 =	sshrl.u32 s6, $0x3;
	s30 =	sshrl.u32 s7, $0x3  }
0x11: {  	s7 =	sadd.s32 s11, s15;
	s8 =	sadd.s32 s10, s15;
	s12 =	smax.u32 s26, $0x1  }
0x12: {  	s13 =	sshrl.u32 s13, $0x3;
	s15 =	simm.s32 $0x13C00;
	s26 =	simm.s32 $0x0  }
0x13: {  	s14 =	sadd.s32 s6, s5;
	s5 =	sadd.s32 $0xD800, s22;
	s31 =	sadd.s32 $0x280, s30  }
0x14: {  	s6 =	sor.u32 $0x1C04, s29;
	s22 =	simm.s32 $0x15080;
	s9 =	sadd.s32 s11, s31  }
0x15: {  	s10 =	sadd.s32 s10, s31;
	s11 =	sadd.s32 $0x5C200, s14;
	s14 =	simm.s32 $0x4  }
.LBB2_1:
0x16: {  	[spmem:s13], [sflag:s6] =	dma.local [hbm:s5], $0x2780  }
0x17: {  	_ =	swait.ge [sflag:s14], $0x2780  }
0x18: {  	[sflag:s14] =	ssyncset.done $0x0  }
0x19: {  	[sflag:s14] =	ssyncadd.s32 $0xFFFFD880  }
0x1a: {  	[tilespmem:s15], [sflag:$0x4] =	stream.linear.gather [hbm4b:s7+s3], $0x1400, $0x38;
	[tilespmem:$0x1E400] =	vst v63  }
0x1b: {  	_ =	swait.ge [sflag:s14], $0x1400  }
0x1c: {  	[sflag:s14] =	ssyncset.done $0x0  }
0x1d: {  	[sflag:s14] =	ssyncadd.s32 $0xFFFFEC00  }
0x1e: {  	[tilespmem:s16], [sflag:$0x4] =	stream.linear.gather [hbm4b:s8+s3], $0x1400, $0x38;
	[tilespmem:$0x1E400] =	vst v63  }
0x1f: {  	_ =	swait.ge [sflag:s14], $0x1400  }
0x20: {  	[sflag:s14] =	ssyncset.done $0x0  }
0x21: {  	[sflag:s14] =	ssyncadd.s32 $0xFFFFEC00  }
0x22: {  	[tilespmem:s18], [sflag:$0x1] =	stream.indirect.gather [hbm4b:s4+s17], $0x80, s15, s17, $0xb8;
	[tilespmem:$0x1E400] =	vst v63  }
0x23: {  	[bflag:$0x0] =	sbarrier.arrive $0xFFFF  }
0x24: {  	_ =	swait.ge [sflag:s19], $0x4000  }
0x25: {  	[sflag:s19] =	ssyncset.done $0x0  }
0x26: {  	[sflag:s19] =	ssyncadd.s32 $0xFFFFC000  }
0x27: {  	[spmem:s2] =	stream.indirect.scatter.add.f32 [tilespmem:s18], [sflag:$0x2], $0x80, s16, s17, $0xb8;
	[tilespmem:$0x1E400] =	vst v63  }
0x28: {  	_ = 	snop  }
0x29: {  	[tilespmem:s21], [sflag:$0x1] =	stream.indirect.gather [hbm4b:s4+s17], $0x80, s20, s17, $0xb8;
	[tilespmem:$0x1E400] =	vst v63  }
0x2a: {  	_ =	swait.ge [sflag:s19], $0x4000  }
0x2b: {  	[sflag:s19] =	ssyncset.done $0x0  }
0x2c: {  	[sflag:s19] =	ssyncadd.s32 $0xFFFFC000  }
0x2d: {  	[spmem:s2] =	stream.indirect.scatter.add.f32 [tilespmem:s21], [sflag:$0x3], $0x80, s22, s17, $0xb8;
	[tilespmem:$0x1E400] =	vst v63  }
0x2e: {  	_ =	swait.ge [sflag:s23], $0x4000  }
0x2f: {  	[sflag:s23] =	ssyncset.done $0x0  }
0x30: {  	s28 =	simm.s32 $0x0;
	[sflag:s23] =	ssyncadd.s32 $0xFFFFC000  }
0x31: {  	[tilespmem:s18], [sflag:$0x1] =	stream.indirect.gather [hbm4b:s4+s17], $0x80, s24, s17, $0xb8;
	[tilespmem:$0x1E400] =	vst v63  }
.LBB2_2:
0x32: {  	_ =	swait.ge [sflag:s19], $0x4000  }
0x33: {  	s29 =	sshra.s32 s28, $0x2;
	[sflag:s19] =	ssyncset.done $0x0  }
0x34: {  	s30 =	sadd.s32 $0x15100, s29;
	[sflag:s19] =	ssyncadd.s32 $0xFFFFC000  }
0x35: {  	[spmem:s2] =	stream.indirect.scatter.add.f32 [tilespmem:s18], [sflag:$0x2], $0x80, s30, s17, $0xb8;
	[tilespmem:$0x1E400] =	vst v63  }
0x36: {  	_ =	swait.ge [sflag:s25], $0x4000  }
0x37: {  	[sflag:s25] =	ssyncset.done $0x0  }
0x38: {  	s31 =	sadd.s32 $0x13D80, s29;
	[sflag:s25] =	ssyncadd.s32 $0xFFFFC000  }
0x39: {  	[tilespmem:s21], [sflag:$0x1] =	stream.indirect.gather [hbm4b:s4+s17], $0x80, s31, s17, $0xb8;
	[tilespmem:$0x1E400] =	vst v63  }
0x3a: {  	_ =	swait.ge [sflag:s19], $0x4000  }
0x3b: {  	[sflag:s19] =	ssyncset.done $0x0  }
0x3c: {  	p0 =	seq.s32 s28, $0x4800;
	s29 =	sadd.s32 $0x15180, s29;
	[sflag:s19] =	ssyncadd.s32 $0xFFFFC000  }
0x3d: {  	[spmem:s2] =	stream.indirect.scatter.add.f32 [tilespmem:s21], [sflag:$0x3], $0x80, s29, s17, $0xb8;
	[tilespmem:$0x1E400] =	vst v63  }
0x3e: {  	s30 =	simm.s32 @!p0 $0x80;
	s31 =	simm.s32 @!p0 $0x16400;
	_ =	swait.ge [sflag:s23], $0x4000  }
0x3f: {  	s29 =	sshra.s32 @!p0 s28, $0x2;
	s28 =	sadd.s32 @!p0 $0x400, s28;
	[sflag:s23] =	ssyncset.done $0x0  }
0x40: {  	s29 =	sadd.s32 @!p0 $0x13E00, s29;
	p1 =	sne.s32 @!p0 s28, $0x4C00;
	[sflag:s23] =	ssyncadd.s32 $0xFFFFC000  }
0x41: {  	[tilespmem:s31], [sflag:$0x1] =	stream.indirect.gather @!p0 [hbm4b:s4+s30], $0x80, s29, s30, $0xb8;
	[tilespmem:$0x1E400] =	vst v63  }
0x42: {  	p0 =	por p0, !p1  }
.Ltmp0:
0x43: {  	_ = 	snop;
	(pc) =	sbr.rel @!p0 .LBB2_2-.Ltmp0, $1  }
0x44: {  	_ =	sdelay $0x3  }
0x45: {  	_ =	swait.ge [sflag:s25], $0x4000  }
0x46: {  	[sflag:s25] =	ssyncset.done $0x0  }
0x47: {  	s28 =	simm.s32 $0x0;
	[sflag:s25] =	ssyncadd.s32 $0xFFFFC000  }
0x48: {  	[tilespmem:s15], [sflag:$0x4] =	stream.linear.gather [hbm4b:s9+s28], $0x1400, $0x38;
	[tilespmem:$0x1E400] =	vst v63  }
0x49: {  	_ =	swait.ge [sflag:s14], $0x1400  }
0x4a: {  	[sflag:s14] =	ssyncset.done $0x0  }
0x4b: {  	[sflag:s14] =	ssyncadd.s32 $0xFFFFEC00  }
0x4c: {  	[tilespmem:s16], [sflag:$0x4] =	stream.linear.gather [hbm4b:s10+s28], $0x1400, $0x38;
	[tilespmem:$0x1E400] =	vst v63  }
0x4d: {  	_ =	swait.ge [sflag:s14], $0x1400  }
0x4e: {  	[sflag:s14] =	ssyncset.done $0x0  }
0x4f: {  	[sflag:s14] =	ssyncadd.s32 $0xFFFFEC00  }
0x50: {  	[tilespmem:s18], [sflag:$0x1] =	stream.indirect.gather [hbm4b:s4+s17], $0x80, s15, s17, $0xb8;
	[tilespmem:$0x1E400] =	vst v63  }
0x51: {  	_ =	swait.ge [sflag:s19], $0x4000  }
0x52: {  	[sflag:s19] =	ssyncset.done $0x0  }
0x53: {  	[sflag:s19] =	ssyncadd.s32 $0xFFFFC000  }
0x54: {  	[spmem:s2] =	stream.indirect.scatter.add.f32 [tilespmem:s18], [sflag:$0x2], $0x80, s16, s17, $0xb8;
	[tilespmem:$0x1E400] =	vst v63  }
0x55: {  	_ = 	snop  }
0x56: {  	[tilespmem:s21], [sflag:$0x1] =	stream.indirect.gather [hbm4b:s4+s17], $0x80, s20, s17, $0xb8;
	[tilespmem:$0x1E400] =	vst v63  }
0x57: {  	_ =	swait.ge [sflag:s19], $0x4000  }
0x58: {  	[sflag:s19] =	ssyncset.done $0x0  }
0x59: {  	[sflag:s19] =	ssyncadd.s32 $0xFFFFC000  }
0x5a: {  	[spmem:s2] =	stream.indirect.scatter.add.f32 [tilespmem:s21], [sflag:$0x3], $0x80, s22, s17, $0xb8;
	[tilespmem:$0x1E400] =	vst v63  }
0x5b: {  	_ =	swait.ge [sflag:s23], $0x4000  }
0x5c: {  	[sflag:s23] =	ssyncset.done $0x0  }
0x5d: {  	[sflag:s23] =	ssyncadd.s32 $0xFFFFC000  }
0x5e: {  	[tilespmem:s18], [sflag:$0x1] =	stream.indirect.gather [hbm4b:s4+s17], $0x80, s24, s17, $0xb8;
	[tilespmem:$0x1E400] =	vst v63  }
.LBB2_4:
0x5f: {  	_ =	swait.ge [sflag:s19], $0x4000  }
0x60: {  	s29 =	sshra.s32 s28, $0x2;
	[sflag:s19] =	ssyncset.done $0x0  }
0x61: {  	s30 =	sadd.s32 $0x15100, s29;
	[sflag:s19] =	ssyncadd.s32 $0xFFFFC000  }
0x62: {  	[spmem:s2] =	stream.indirect.scatter.add.f32 [tilespmem:s18], [sflag:$0x2], $0x80, s30, s17, $0xb8;
	[tilespmem:$0x1E400] =	vst v63  }
0x63: {  	_ =	swait.ge [sflag:s25], $0x4000  }
0x64: {  	[sflag:s25] =	ssyncset.done $0x0  }
0x65: {  	s31 =	sadd.s32 $0x13D80, s29;
	[sflag:s25] =	ssyncadd.s32 $0xFFFFC000  }
0x66: {  	[tilespmem:s21], [sflag:$0x1] =	stream.indirect.gather [hbm4b:s4+s17], $0x80, s31, s17, $0xb8;
	[tilespmem:$0x1E400] =	vst v63  }
0x67: {  	_ =	swait.ge [sflag:s19], $0x4000  }
0x68: {  	[sflag:s19] =	ssyncset.done $0x0  }
0x69: {  	p0 =	seq.s32 s28, $0x4800;
	s29 =	sadd.s32 $0x15180, s29;
	[sflag:s19] =	ssyncadd.s32 $0xFFFFC000  }
0x6a: {  	[spmem:s2] =	stream.indirect.scatter.add.f32 [tilespmem:s21], [sflag:$0x3], $0x80, s29, s17, $0xb8;
	[tilespmem:$0x1E400] =	vst v63  }
0x6b: {  	s30 =	simm.s32 @!p0 $0x80;
	s31 =	simm.s32 @!p0 $0x16400;
	_ =	swait.ge [sflag:s23], $0x4000  }
0x6c: {  	s29 =	sshra.s32 @!p0 s28, $0x2;
	s28 =	sadd.s32 @!p0 $0x400, s28;
	[sflag:s23] =	ssyncset.done $0x0  }
0x6d: {  	s29 =	sadd.s32 @!p0 $0x13E00, s29;
	p1 =	sne.s32 @!p0 s28, $0x4C00;
	[sflag:s23] =	ssyncadd.s32 $0xFFFFC000  }
0x6e: {  	[tilespmem:s31], [sflag:$0x1] =	stream.indirect.gather @!p0 [hbm4b:s4+s30], $0x80, s29, s30, $0xb8;
	[tilespmem:$0x1E400] =	vst v63  }
0x6f: {  	p0 =	por p0, !p1  }
.Ltmp1:
0x70: {  	_ = 	snop;
	(pc) =	sbr.rel @!p0 .LBB2_4-.Ltmp1, $1  }
0x71: {  	_ =	sdelay $0x3  }
0x72: {  	_ =	swait.ge [sflag:s25], $0x4000  }
0x73: {  	s26 =	sadd.s32 $0x1, s26;
	[sflag:s25] =	ssyncset.done $0x0  }
0x74: {  	p0 =	sne.s32 s26, s12;
	[sflag:s25] =	ssyncadd.s32 $0xFFFFC000  }
.Ltmp2:
0x75: {  	[bflag:$0x0] =	sbarrier.arrive $0xFFFF;
	(pc) =	sbr.rel @p0 .LBB2_1-.Ltmp2, $4  }
0x76: {  	[hbm:s11], [sflag:s6] =	dma.local [spmem:s13], $0x2780  }
0x77: {  	_ =	swait.ge [sflag:s14], $0x2780  }
0x78: {  	[sflag:s14] =	ssyncset.done $0x0  }
0x79: {  	[sflag:s14] =	ssyncadd.s32 $0xFFFFD880  }
0x7a: {  	_ =	sfence.sel $0x180000  }
0x7b: {  	[bflag:$0x0] =	sbarrier.arrive $0xFFFF  }
0x7c: {  	p0 =	sne.s32 s1, $0x0;
	_ =	strace $0x9000004D  }
0x7d: {  	s0 =	sadd.s32 @!p0 $0x100000, s0;
	[bflag:$0x2] =	sbarrier.arrive $0xFFFF  }
0x7e: {  	[sflag:s0] =	ssyncadd.tile.s32 @!p0 $0x1;
	_ =	shalt  }
.Lfunc_end2:
_tile_overlayer_lowered:
.L_overlay_start_2:
0x7f: {  	(tag) =	ssettag $0x2  }
0x80: {  	s0 =	rddreg [dreg:$0x0];
	s2 =	stileid.u32  }
0x81: {  	s1 =	rddreg [dreg:$0x1];
	p0 =	sne.s32 s2, $0x0  }
0x82: {  	s3 =	rddreg [dreg:$0x2];
	[bflag:$0x3] =	sbarrier.arrive $0xFFFF;
	s2 =	simm.s32 @!p0 $0x1C04  }
0x83: {  	[timem:s3], [sflag:s2] =	dma.local @!p0 [hbm:s0], s1  }
0x84: {  	s0 =	simm.s32 @!p0 $0x4  }
0x85: {  	_ =	swait.ge @!p0 [sflag:s0], s1  }
0x86: {  	s1 =	ssub.s32 @!p0 $0x0, s1;
	[sflag:s0] =	ssyncset.done @!p0 $0x0  }
0x87: {  	[sflag:s0] =	ssyncadd.s32 @!p0 s1  }
0x88: {  	[bflag:$0x3] =	sbarrier.arrive $0xFFFF  }
0x89: {  	_ =	shalt  }

// kernel: kernel.19.cloned.1.call-start
scs
__scs_entry_jumppad:
0x0: {  	(pc) =	sbr.rel $0x88, $3  }
0x1: {  	(tag) =	ssettag $0x0;
	lr =	simm.s32 $0x1  }
0x2: {  	[smem:$0x3F95] =	sst lr;
	_ =	strace $0xD0000000  }
0x3: {  	_ = 	snop  }
0x4: {  	_ = 	snop  }
0x5: {  	_ = 	snop  }
0x6: {  	_ = 	snop  }
0x7: {  	_ = 	snop  }
__scs_overlays_trampoline_lowered:
0x8: {  	[smem:$0x3FA4] =	sst s0  }
0x9: {  	[smem:$0x3FA5] =	sst s1  }
0xa: {  	[smem:$0x3FA6] =	sst s2  }
0xb: {  	[smem:$0x3FA7] =	sst s3  }
0xc: {  	[smem:$0x3FA8] =	sst s4  }
0xd: {  	[smem:$0x3FA9] =	sst s5  }
0xe: {  	[smem:$0x3FAA] =	sst s6  }
0xf: {  	[smem:$0x3FAB] =	sst s7  }
0x10: {  	[smem:$0x3FAC] =	sst s8  }
0x11: {  	[smem:$0x3FAD] =	sst s9;
	s0 =	simm.s32 @!p0 $0x0  }
0x12: {  	s1 =	sld [smem:$0x3F93];
	s0 =	simm.s32 @p0 $0x1  }
0x13: {  	[smem:$0x3FAE] =	sst s0;
	s0 =	simm.s32 @!p1 $0x0  }
0x14: {  	s2 =	sld [smem:$0x3F92];
	s0 =	simm.s32 @p1 $0x1  }
0x15: {  	[smem:$0x3FAF] =	sst s0;
	s0 =	simm.s32 @!p2 $0x0  }
0x16: {  	s3 =	sld [smem:$0x3FDB];
	s0 =	simm.s32 @p2 $0x1  }
0x17: {  	s4 =	simm.s32 $0x1BF5;
	[smem:$0x3FB1] =	sst s0  }
0x18: {  	s0 =	sld [smem:$0x3F94];
	_ =	swait.ge [sflag:s4], $0x0  }
0x19: {  	s7 =	sld [smem:$0x3F95]  }
0x1a: {  	s8 =	sadd.s32 $0xFFFFE003, lr  }
0x1b: {  	s9 =	sadd.s32 $0xFFFFFEF7, lr;
	s5 =	simm.s32 $0xFFFFFFFF;
	p2 =	slt.u32 s8, $0xFFFFF086  }
0x1c: {  	p1 =	slt.u32 s9, $0xF7A;
	s5 =	simm.s32 @!p2 $0x0  }
0x1d: {  	s5 =	simm.s32 @p1 $0x1;
	p0 =	seq.s32 s7, s2  }
0x1e: {  	s7 =	smul.u32 @!p0 $0xF7A, s2;
	p2 =	seq.s32 @!p0 s5, $0x0  }
0x1f: {  	s9 =	smul.u32 $0xF7A, s1;
	s8 =	simm.s32 @!p0 $0x1BF5;
	p2 =	por !p2, p0  }
0x20: {  	[sflag:s8] =	ssyncset.s32 @!p0 $0xFFFFF086;
	s6 =	sadd.s32 @!p0 s3, s7;
	s7 =	simm.s32 @!p0 $0x108  }
0x21: {  	s3 =	sadd.s32 s3, s9;
	s6 =	sadd.s32 @!p0 $0x88, s6;
	s7 =	simm.s32 @p2 $0x1082  }
0x22: {  	[simem:s7], [sflag:s8] =	dma.local @!p0 [hbm:s6], $0xF7A  }
0x23: {  	s9 =	sor.u32 $0xD0000000, s2;
	s6 =	simm.s32 $0x108;
	_ =	swait.ge @!p0 [sflag:s8], $0x0  }
0x24: {  	s3 =	sadd.s32 $0x88, s3;
	s6 =	simm.s32 @!p1 $0x1082;
	[sflag:s4] =	ssyncset.s32 $0xFFFFF086  }
0x25: {  	[simem:s6], [sflag:s4] =	dma.local [hbm:s3], $0xF7A  }
0x26: {  	[smem:$0x3F95] =	sst s1;
	(tag) =	ssettag s2;
	_ =	strace s9  }
0x27: {  	s1 =	sld [smem:$0x3FA5]  }
0x28: {  	s2 =	sld [smem:$0x3FA6]  }
0x29: {  	s4 =	sld [smem:$0x3FA8]  }
0x2a: {  	p0 =	seq.s32 s5, $0x0;
	s5 =	sld [smem:$0x3FA9]  }
0x2b: {  	s6 =	sld [smem:$0x3FAA]  }
0x2c: {  	s7 =	sld [smem:$0x3FAB]  }
0x2d: {  	s3 =	simm.s32 $0x108;
	s8 =	sld [smem:$0x3FAC]  }
0x2e: {  	s3 =	simm.s32 @!p0 $0x1082;
	s9 =	sld [smem:$0x3FAD]  }
0x2f: {  	lr =	sadd.s32 s0, s3;
	s0 =	sld [smem:$0x3FA4]  }
0x30: {  	s3 =	sld [smem:$0x3FA7]  }
0x31: {  	[smem:$0x3FB0] =	sst s10  }
0x32: {  	s10 =	sld [smem:$0x3FAE];
	_ =	sdelay $0x3  }
0x33: {  	p0 =	seq.s32 s10, $0x1;
	s10 =	sld [smem:$0x3FB0];
	_ =	sdelay $0x3  }
0x34: {  	[smem:$0x3FB0] =	sst s10  }
0x35: {  	s10 =	sld [smem:$0x3FAF];
	_ =	sdelay $0x3  }
0x36: {  	p1 =	seq.s32 s10, $0x1;
	s10 =	sld [smem:$0x3FB0];
	_ =	sdelay $0x3  }
0x37: {  	[smem:$0x3FB0] =	sst s10  }
0x38: {  	s10 =	sld [smem:$0x3FB1]  }
0x39: {  	_ = 	snop;
	(pc) =	sbr.ind lr, $3  }
0x3a: {  	_ = 	snop  }
0x3b: {  	_ = 	snop  }
0x3c: {  	p2 =	seq.s32 s10, $0x1;
	s10 =	sld [smem:$0x3FB0]  }
0x3d: {  	_ =	shalt  }
0x3e: {  	_ =	shalt  }
0x3f: {  	_ =	shalt  }
0x40: {  	_ =	shalt  }
0x41: {  	_ =	shalt  }
0x42: {  	_ =	shalt  }
0x43: {  	_ =	shalt  }
0x44: {  	_ =	shalt  }
0x45: {  	_ =	shalt  }
0x46: {  	_ =	shalt  }
0x47: {  	_ =	shalt  }
0x48: {  	_ =	shalt  }
0x49: {  	_ =	shalt  }
0x4a: {  	_ =	shalt  }
0x4b: {  	_ =	shalt  }
0x4c: {  	_ =	shalt  }
0x4d: {  	_ =	shalt  }
0x4e: {  	_ =	shalt  }
0x4f: {  	_ =	shalt  }
0x50: {  	_ =	shalt  }
0x51: {  	_ =	shalt  }
0x52: {  	_ =	shalt  }
0x53: {  	_ =	shalt  }
0x54: {  	_ =	shalt  }
0x55: {  	_ =	shalt  }
0x56: {  	_ =	shalt  }
0x57: {  	_ =	shalt  }
0x58: {  	_ =	shalt  }
0x59: {  	_ =	shalt  }
0x5a: {  	_ =	shalt  }
0x5b: {  	_ =	shalt  }
0x5c: {  	_ =	shalt  }
0x5d: {  	_ =	shalt  }
0x5e: {  	_ =	shalt  }
0x5f: {  	_ =	shalt  }
0x60: {  	_ =	shalt  }
0x61: {  	_ =	shalt  }
0x62: {  	_ =	shalt  }
0x63: {  	_ =	shalt  }
0x64: {  	_ =	shalt  }
0x65: {  	_ =	shalt  }
0x66: {  	_ =	shalt  }
0x67: {  	_ =	shalt  }
0x68: {  	_ =	shalt  }
0x69: {  	_ =	shalt  }
0x6a: {  	_ =	shalt  }
0x6b: {  	_ =	shalt  }
0x6c: {  	_ =	shalt  }
0x6d: {  	_ =	shalt  }
0x6e: {  	_ =	shalt  }
0x6f: {  	_ =	shalt  }
0x70: {  	_ =	shalt  }
0x71: {  	_ =	shalt  }
0x72: {  	_ =	shalt  }
0x73: {  	_ =	shalt  }
0x74: {  	_ =	shalt  }
0x75: {  	_ =	shalt  }
0x76: {  	_ =	shalt  }
0x77: {  	_ =	shalt  }
0x78: {  	_ =	shalt  }
0x79: {  	_ =	shalt  }
0x7a: {  	_ =	shalt  }
0x7b: {  	_ =	shalt  }
0x7c: {  	_ =	shalt  }
0x7d: {  	_ =	shalt  }
0x7e: {  	_ =	shalt  }
0x7f: {  	_ =	shalt  }
0x80: {  	_ =	shalt  }
0x81: {  	_ =	shalt  }
0x82: {  	_ =	shalt  }
0x83: {  	_ =	shalt  }
0x84: {  	_ =	shalt  }
0x85: {  	_ =	shalt  }
0x86: {  	_ =	shalt  }
0x87: {  	_ =	shalt  }
.Lfunc_end0:
.L_simem_size_0:
called_computation.3_lowered:
.L_overlay_start_0:
0x88: {  	s2 =	sld [smem:$0x3FD9]  }
0x89: {  	s3 =	sld [smem:$0x3FFE];
	_ =	sdelay $0x1  }
0x8a: {  	s1 =	srdreg.scid  }
0x8b: {  	s0 =	sand.u32 $0x1, s1  }
0x8c: {  	s17 =	sshll.u32 s0, $0xA;
	s2 =	sadd.s32 s3, s2  }
0x8d: {  	s2 =	sadd.s32 s2, s17  }
0x8e: {  	[smem:$0x3FBC] =	sst s2  }
0x8f: {  	_ = 	snop  }
0x90: {  	s2 =	sld [smem:$0x3FD0];
	(tm) =	ssettm $0x1  }
0x91: {  	s18 =	sld [smem:$0x3FFB];
	_ =	sdelay $0x3  }
0x92: {  	_ =	strace s18  }
0x93: {  	s3 =	sld [smem:$0x3FFC];
	_ =	sdelay $0x3  }
0x94: {  	_ =	strace s3  }
0x95: {  	s3 =	sld [smem:$0x3FFD];
	_ =	sdelay $0x3  }
0x96: {  	_ =	strace s3  }
0x97: {  	_ =	strace $0x8FFFFFFF  }
0x98: {  	s19 =	sld [smem:$0x3FDB];
	_ =	sdelay $0x1  }
0x99: {  	s4 =	simm.s32 $_scs_section_size  }
0x9a: {  	s5 =	simm.s32 $_size__tile_overlayer_lowered;
	s6 =	simm.s32 $_tile_overlayer_lowered  }
0x9b: {  	s22 =	simm.s32 $0x1BFF;
	s21 =	sshll.u32 s6, $0x1;
	s3 =	sadd.s32 s4, s19  }
0x9c: {  	s7 =	simm.s32 $0x0;
	s20 =	sshll.u32 s5, $0x1;
	s5 =	sadd.s32 s21, s3  }
0x9d: {  	[timem:s7], [sflag:s22] =	dma.local [hbm:s5], s20  }
0x9e: {  	_ =	swait.ge [sflag:s22], s20  }
0x9f: {  	s4 =	ssub.s32 $0x0, s20;
	[sflag:s22] =	ssyncset.done $0x0  }
0xa0: {  	[sflag:s22] =	ssyncadd.s32 s4;
	_ =	sdelay $0x1  }
0xa1: {  	s23 =	simm.s32 $0x1B8B  }
0xa2: {  	_ =	swait.ge [sflag:s23], $0x1  }
0xa3: {  	[sflag:s23] =	ssyncset.done $0x0  }
0xa4: {  	s25 =	simm.s32 $0x1B8E;
	s24 =	sld [smem:$0x3FFE];
	[sflag:s23] =	ssyncadd.s32 $0xFFFFFFFF  }
0xa5: {  	s26 =	simm.s32 $execute0_lowered;
	[smem:$0x3FD2] =	sst s25  }
0xa6: {  	s5 =	sshll.u32 s26, $0x1;
	_ =	strace $0x8000004F;
	[dreg:$0x1] =	wrdreg $0xFFFFFFFF  }
0xa7: {  	s28 =	simm.s32 $_size_execute0_lowered;
	s3 =	sadd.s32 s3, s5;
	[dreg:$0x0] =	wrdreg $0x0  }
0xa8: {  	s5 =	sshll.u32 s28, $0x1;
	[dreg:$0x2] =	wrdreg s3  }
0xa9: {  	[dreg:$0x3] =	wrdreg s5  }
0xaa: {  	[dreg:$0x4] =	wrdreg $0xC0  }
0xab: {  	_ =	task [dreg:s7], $0x5FFFF  }
0xac: {  	[dreg:$0x1] =	wrdreg $0xFFFFFFFF  }
0xad: {  	[dreg:$0x0] =	wrdreg $0x60  }
0xae: {  	[dreg:$0x2] =	wrdreg s24  }
0xaf: {  	[dreg:$0x3] =	wrdreg s2  }
0xb0: {  	[dreg:$0x4] =	wrdreg $0x0  }
0xb1: {  	[dreg:$0x5] =	wrdreg $0x9  }
0xb2: {  	_ =	task.clear_ibuf [dreg:s7], $0x6FFFF;
	_ =	strace $0x9000004F  }
0xb3: {  	s29 =	simm.s32 $0x9;
	_ =	strace $0x80000051  }
0xb4: {  	_ =	swait.ge [sflag:s29], $0x1  }
0xb5: {  	[sflag:s29] =	ssyncadd.s32 $0xFFFFFFFF  }
0xb6: {  	_ =	strace $0x90000051  }
0xb7: {  	_ =	sfence  }
0xb8: {  	s30 =	sld [smem:$0x0];
	_ =	sdelay $0x2  }
0xb9: {  	s31 =	sshll.u32 s1, $0xD;
	s1 =	sshrl.u32 s1, $0x2  }
0xba: {  	s3 =	sand.u32 $0x4000, s31;
	s1 =	sadd.s32 s1, s30  }
0xbb: {  	s0 =	sor.u32 s3, s0;
	s1 =	sshll.u32 s1, $0x11  }
0xbc: {  	s0 =	sor.u32 s1, s0  }
0xbd: {  	s0 =	sadd.s32 $0x8F2B, s0  }
0xbe: {  	[sflag:s0] =	ssyncadd.remote.s32 $0x1  }
0xbf: {  	_ =	sfence.sel $0xFFFF  }
0xc0: {  	[dreg:$0x0] =	wrdreg $0xFFFFFFFF;
	(pc) =	sbr.abs _section_cstart, $3  }
0xc1: {  	[dreg:$0x1] =	wrdreg $0xFFFFFFFF  }
0xc2: {  	_ =	task.clear_ibuf [dreg:s7], $0x2FFFF;
	_ =	strace $0x9FFFFFFF  }
0xc3: {  	(tm) =	ssettm $0x7FFFFFFF  }
tec
execute0_lowered:
.L_overlay_start_1:
0x0: {  	(tag) =	ssettag $0x1  }
0x1: {  	s5 =	rddreg [dreg:$0x0]  }
0x2: {  	s10 =	rddreg [dreg:$0x1]  }
0x3: {  	s2 =	rddreg [dreg:$0x2]  }
0x4: {  	s0 =	rddreg [dreg:$0x3]  }
0x5: {  	s1 =	stileid.u32;
	s4 =	srdreg.scid  }
0x6: {  	s3 =	simm.s32 $0x0;
	s16 =	simm.s32 $0x15000;
	s17 =	simm.s32 $0x80  }
0x7: {  	s18 =	simm.s32 $0x16400;
	s19 =	simm.s32 $0x1;
	s20 =	simm.s32 $0x13C80  }
0x8: {  	s21 =	simm.s32 $0x1A400;
	s6 =	smul.u32 $0x13C00, s1;
	s7 =	sand.u32 $0x1, s4  }
0x9: {  	[smem:$0x7FF] =	sst s3;
	s4 =	sadd.s32 $0x35000, s5;
	s11 =	sadd.s32 $0x3800, s5  }
0xa: {  	s12 =	sshll.u32 s1, $0x1;
	s13 =	smul.u32 $0x4F000, s1;
	s29 =	sshll.u32 s1, $0x6  }
0xb: {  	s8 =	smul.u32 $0x13C000, s7;
	_ =	strace $0x80000050;
	s25 =	sor.u32 s7, s12  }
0xc: {  	s23 =	ssub.s32 $0x2, s7;
	s9 =	sshrl.u32 s6, $0x3;
	s7 =	smul.u32 $0x2800, s25  }
0xd: {  	s24 =	sshrl.u32 s23, $0x1;
	s28 =	sshrl.u32 s13, $0x2;
	s15 =	smul.u32 $0x500, s25  }
0xe: {  	s25 =	simm.s32 $0x3;
	s6 =	sadd.s32 s6, s8;
	s22 =	sadd.s32 s9, s5  }
0xf: {  	s26 =	ssub.s32 s23, s24;
	s13 =	sadd.s32 s28, s2;
	s23 =	simm.s32 $0x2  }
0x10: {  	s24 =	simm.s32 $0x13D00;
	s6 =	sshrl.u32 s6, $0x3;
	s30 =	sshrl.u32 s7, $0x3  }
0x11: {  	s7 =	sadd.s32 s11, s15;
	s8 =	sadd.s32 s10, s15;
	s12 =	smax.u32 s26, $0x1  }
0x12: {  	s13 =	sshrl.u32 s13, $0x3;
	s15 =	simm.s32 $0x13C00;
	s26 =	simm.s32 $0x0  }
0x13: {  	s14 =	sadd.s32 s6, s5;
	s5 =	sadd.s32 $0xD800, s22;
	s31 =	sadd.s32 $0x280, s30  }
0x14: {  	s6 =	sor.u32 $0x1C04, s29;
	s22 =	simm.s32 $0x15080;
	s9 =	sadd.s32 s11, s31  }
0x15: {  	s10 =	sadd.s32 s10, s31;
	s11 =	sadd.s32 $0x5C200, s14;
	s14 =	simm.s32 $0x4  }
.LBB2_1:
0x16: {  	[spmem:s13], [sflag:s6] =	dma.local [hbm:s5], $0x2780  }
0x17: {  	_ =	swait.ge [sflag:s14], $0x2780  }
0x18: {  	[sflag:s14] =	ssyncset.done $0x0  }
0x19: {  	[sflag:s14] =	ssyncadd.s32 $0xFFFFD880  }
0x1a: {  	[tilespmem:s15], [sflag:$0x4] =	stream.linear.gather [hbm4b:s7+s3], $0x1400, $0x38;
	[tilespmem:$0x1E400] =	vst v63  }
0x1b: {  	_ =	swait.ge [sflag:s14], $0x1400  }
0x1c: {  	[sflag:s14] =	ssyncset.done $0x0  }
0x1d: {  	[sflag:s14] =	ssyncadd.s32 $0xFFFFEC00  }
0x1e: {  	[tilespmem:s16], [sflag:$0x4] =	stream.linear.gather [hbm4b:s8+s3], $0x1400, $0x38;
	[tilespmem:$0x1E400] =	vst v63  }
0x1f: {  	_ =	swait.ge [sflag:s14], $0x1400  }
0x20: {  	[sflag:s14] =	ssyncset.done $0x0  }
0x21: {  	[sflag:s14] =	ssyncadd.s32 $0xFFFFEC00  }
0x22: {  	[tilespmem:s18], [sflag:$0x1] =	stream.indirect.gather [hbm4b:s4+s17], $0x80, s15, s17, $0xb8;
	[tilespmem:$0x1E400] =	vst v63  }
0x23: {  	[bflag:$0x0] =	sbarrier.arrive $0xFFFF  }
0x24: {  	_ =	swait.ge [sflag:s19], $0x4000  }
0x25: {  	[sflag:s19] =	ssyncset.done $0x0  }
0x26: {  	[sflag:s19] =	ssyncadd.s32 $0xFFFFC000  }
0x27: {  	[spmem:s2] =	stream.indirect.scatter.add.f32 [tilespmem:s18], [sflag:$0x2], $0x80, s16, s17, $0xb8;
	[tilespmem:$0x1E400] =	vst v63  }
0x28: {  	_ = 	snop  }
0x29: {  	[tilespmem:s21], [sflag:$0x1] =	stream.indirect.gather [hbm4b:s4+s17], $0x80, s20, s17, $0xb8;
	[tilespmem:$0x1E400] =	vst v63  }
0x2a: {  	_ =	swait.ge [sflag:s19], $0x4000  }
0x2b: {  	[sflag:s19] =	ssyncset.done $0x0  }
0x2c: {  	[sflag:s19] =	ssyncadd.s32 $0xFFFFC000  }
0x2d: {  	[spmem:s2] =	stream.indirect.scatter.add.f32 [tilespmem:s21], [sflag:$0x3], $0x80, s22, s17, $0xb8;
	[tilespmem:$0x1E400] =	vst v63  }
0x2e: {  	_ =	swait.ge [sflag:s23], $0x4000  }
0x2f: {  	[sflag:s23] =	ssyncset.done $0x0  }
0x30: {  	s28 =	simm.s32 $0x0;
	[sflag:s23] =	ssyncadd.s32 $0xFFFFC000  }
0x31: {  	[tilespmem:s18], [sflag:$0x1] =	stream.indirect.gather [hbm4b:s4+s17], $0x80, s24, s17, $0xb8;
	[tilespmem:$0x1E400] =	vst v63  }
.LBB2_2:
0x32: {  	_ =	swait.ge [sflag:s19], $0x4000  }
0x33: {  	s29 =	sshra.s32 s28, $0x2;
	[sflag:s19] =	ssyncset.done $0x0  }
0x34: {  	s30 =	sadd.s32 $0x15100, s29;
	[sflag:s19] =	ssyncadd.s32 $0xFFFFC000  }
0x35: {  	[spmem:s2] =	stream.indirect.scatter.add.f32 [tilespmem:s18], [sflag:$0x2], $0x80, s30, s17, $0xb8;
	[tilespmem:$0x1E400] =	vst v63  }
0x36: {  	_ =	swait.ge [sflag:s25], $0x4000  }
0x37: {  	[sflag:s25] =	ssyncset.done $0x0  }
0x38: {  	s31 =	sadd.s32 $0x13D80, s29;
	[sflag:s25] =	ssyncadd.s32 $0xFFFFC000  }
0x39: {  	[tilespmem:s21], [sflag:$0x1] =	stream.indirect.gather [hbm4b:s4+s17], $0x80, s31, s17, $0xb8;
	[tilespmem:$0x1E400] =	vst v63  }
0x3a: {  	_ =	swait.ge [sflag:s19], $0x4000  }
0x3b: {  	[sflag:s19] =	ssyncset.done $0x0  }
0x3c: {  	p0 =	seq.s32 s28, $0x4800;
	s29 =	sadd.s32 $0x15180, s29;
	[sflag:s19] =	ssyncadd.s32 $0xFFFFC000  }
0x3d: {  	[spmem:s2] =	stream.indirect.scatter.add.f32 [tilespmem:s21], [sflag:$0x3], $0x80, s29, s17, $0xb8;
	[tilespmem:$0x1E400] =	vst v63  }
0x3e: {  	s30 =	simm.s32 @!p0 $0x80;
	s31 =	simm.s32 @!p0 $0x16400;
	_ =	swait.ge [sflag:s23], $0x4000  }
0x3f: {  	s29 =	sshra.s32 @!p0 s28, $0x2;
	s28 =	sadd.s32 @!p0 $0x400, s28;
	[sflag:s23] =	ssyncset.done $0x0  }
0x40: {  	s29 =	sadd.s32 @!p0 $0x13E00, s29;
	p1 =	sne.s32 @!p0 s28, $0x4C00;
	[sflag:s23] =	ssyncadd.s32 $0xFFFFC000  }
0x41: {  	[tilespmem:s31], [sflag:$0x1] =	stream.indirect.gather @!p0 [hbm4b:s4+s30], $0x80, s29, s30, $0xb8;
	[tilespmem:$0x1E400] =	vst v63  }
0x42: {  	p0 =	por p0, !p1  }
.Ltmp0:
0x43: {  	_ = 	snop;
	(pc) =	sbr.rel @!p0 .LBB2_2-.Ltmp0, $1  }
0x44: {  	_ =	sdelay $0x3  }
0x45: {  	_ =	swait.ge [sflag:s25], $0x4000  }
0x46: {  	[sflag:s25] =	ssyncset.done $0x0  }
0x47: {  	s28 =	simm.s32 $0x0;
	[sflag:s25] =	ssyncadd.s32 $0xFFFFC000  }
0x48: {  	[tilespmem:s15], [sflag:$0x4] =	stream.linear.gather [hbm4b:s9+s28], $0x1400, $0x38;
	[tilespmem:$0x1E400] =	vst v63  }
0x49: {  	_ =	swait.ge [sflag:s14], $0x1400  }
0x4a: {  	[sflag:s14] =	ssyncset.done $0x0  }
0x4b: {  	[sflag:s14] =	ssyncadd.s32 $0xFFFFEC00  }
0x4c: {  	[tilespmem:s16], [sflag:$0x4] =	stream.linear.gather [hbm4b:s10+s28], $0x1400, $0x38;
	[tilespmem:$0x1E400] =	vst v63  }
0x4d: {  	_ =	swait.ge [sflag:s14], $0x1400  }
0x4e: {  	[sflag:s14] =	ssyncset.done $0x0  }
0x4f: {  	[sflag:s14] =	ssyncadd.s32 $0xFFFFEC00  }
0x50: {  	[tilespmem:s18], [sflag:$0x1] =	stream.indirect.gather [hbm4b:s4+s17], $0x80, s15, s17, $0xb8;
	[tilespmem:$0x1E400] =	vst v63  }
0x51: {  	_ =	swait.ge [sflag:s19], $0x4000  }
0x52: {  	[sflag:s19] =	ssyncset.done $0x0  }
0x53: {  	[sflag:s19] =	ssyncadd.s32 $0xFFFFC000  }
0x54: {  	[spmem:s2] =	stream.indirect.scatter.add.f32 [tilespmem:s18], [sflag:$0x2], $0x80, s16, s17, $0xb8;
	[tilespmem:$0x1E400] =	vst v63  }
0x55: {  	_ = 	snop  }
0x56: {  	[tilespmem:s21], [sflag:$0x1] =	stream.indirect.gather [hbm4b:s4+s17], $0x80, s20, s17, $0xb8;
	[tilespmem:$0x1E400] =	vst v63  }
0x57: {  	_ =	swait.ge [sflag:s19], $0x4000  }
0x58: {  	[sflag:s19] =	ssyncset.done $0x0  }
0x59: {  	[sflag:s19] =	ssyncadd.s32 $0xFFFFC000  }
0x5a: {  	[spmem:s2] =	stream.indirect.scatter.add.f32 [tilespmem:s21], [sflag:$0x3], $0x80, s22, s17, $0xb8;
	[tilespmem:$0x1E400] =	vst v63  }
0x5b: {  	_ =	swait.ge [sflag:s23], $0x4000  }
0x5c: {  	[sflag:s23] =	ssyncset.done $0x0  }
0x5d: {  	[sflag:s23] =	ssyncadd.s32 $0xFFFFC000  }
0x5e: {  	[tilespmem:s18], [sflag:$0x1] =	stream.indirect.gather [hbm4b:s4+s17], $0x80, s24, s17, $0xb8;
	[tilespmem:$0x1E400] =	vst v63  }
.LBB2_4:
0x5f: {  	_ =	swait.ge [sflag:s19], $0x4000  }
0x60: {  	s29 =	sshra.s32 s28, $0x2;
	[sflag:s19] =	ssyncset.done $0x0  }
0x61: {  	s30 =	sadd.s32 $0x15100, s29;
	[sflag:s19] =	ssyncadd.s32 $0xFFFFC000  }
0x62: {  	[spmem:s2] =	stream.indirect.scatter.add.f32 [tilespmem:s18], [sflag:$0x2], $0x80, s30, s17, $0xb8;
	[tilespmem:$0x1E400] =	vst v63  }
0x63: {  	_ =	swait.ge [sflag:s25], $0x4000  }
0x64: {  	[sflag:s25] =	ssyncset.done $0x0  }
0x65: {  	s31 =	sadd.s32 $0x13D80, s29;
	[sflag:s25] =	ssyncadd.s32 $0xFFFFC000  }
0x66: {  	[tilespmem:s21], [sflag:$0x1] =	stream.indirect.gather [hbm4b:s4+s17], $0x80, s31, s17, $0xb8;
	[tilespmem:$0x1E400] =	vst v63  }
0x67: {  	_ =	swait.ge [sflag:s19], $0x4000  }
0x68: {  	[sflag:s19] =	ssyncset.done $0x0  }
0x69: {  	p0 =	seq.s32 s28, $0x4800;
	s29 =	sadd.s32 $0x15180, s29;
	[sflag:s19] =	ssyncadd.s32 $0xFFFFC000  }
0x6a: {  	[spmem:s2] =	stream.indirect.scatter.add.f32 [tilespmem:s21], [sflag:$0x3], $0x80, s29, s17, $0xb8;
	[tilespmem:$0x1E400] =	vst v63  }
0x6b: {  	s30 =	simm.s32 @!p0 $0x80;
	s31 =	simm.s32 @!p0 $0x16400;
	_ =	swait.ge [sflag:s23], $0x4000  }
0x6c: {  	s29 =	sshra.s32 @!p0 s28, $0x2;
	s28 =	sadd.s32 @!p0 $0x400, s28;
	[sflag:s23] =	ssyncset.done $0x0  }
0x6d: {  	s29 =	sadd.s32 @!p0 $0x13E00, s29;
	p1 =	sne.s32 @!p0 s28, $0x4C00;
	[sflag:s23] =	ssyncadd.s32 $0xFFFFC000  }
0x6e: {  	[tilespmem:s31], [sflag:$0x1] =	stream.indirect.gather @!p0 [hbm4b:s4+s30], $0x80, s29, s30, $0xb8;
	[tilespmem:$0x1E400] =	vst v63  }
0x6f: {  	p0 =	por p0, !p1  }
.Ltmp1:
0x70: {  	_ = 	snop;
	(pc) =	sbr.rel @!p0 .LBB2_4-.Ltmp1, $1  }
0x71: {  	_ =	sdelay $0x3  }
0x72: {  	_ =	swait.ge [sflag:s25], $0x4000  }
0x73: {  	s26 =	sadd.s32 $0x1, s26;
	[sflag:s25] =	ssyncset.done $0x0  }
0x74: {  	p0 =	sne.s32 s26, s12;
	[sflag:s25] =	ssyncadd.s32 $0xFFFFC000  }
.Ltmp2:
0x75: {  	[bflag:$0x0] =	sbarrier.arrive $0xFFFF;
	(pc) =	sbr.rel @p0 .LBB2_1-.Ltmp2, $4  }
0x76: {  	[hbm:s11], [sflag:s6] =	dma.local [spmem:s13], $0x2780  }
0x77: {  	_ =	swait.ge [sflag:s14], $0x2780  }
0x78: {  	[sflag:s14] =	ssyncset.done $0x0  }
0x79: {  	[sflag:s14] =	ssyncadd.s32 $0xFFFFD880  }
0x7a: {  	_ =	sfence.sel $0x180000  }
0x7b: {  	[bflag:$0x0] =	sbarrier.arrive $0xFFFF  }
0x7c: {  	p0 =	sne.s32 s1, $0x0;
	_ =	strace $0x90000050  }
0x7d: {  	s0 =	sadd.s32 @!p0 $0x100000, s0;
	[bflag:$0x2] =	sbarrier.arrive $0xFFFF  }
0x7e: {  	[sflag:s0] =	ssyncadd.tile.s32 @!p0 $0x1;
	_ =	shalt  }
.Lfunc_end2:
_tile_overlayer_lowered:
.L_overlay_start_2:
0x7f: {  	(tag) =	ssettag $0x2  }
0x80: {  	s0 =	rddreg [dreg:$0x0];
	s2 =	stileid.u32  }
0x81: {  	s1 =	rddreg [dreg:$0x1];
	p0 =	sne.s32 s2, $0x0  }
0x82: {  	s3 =	rddreg [dreg:$0x2];
	[bflag:$0x3] =	sbarrier.arrive $0xFFFF;
	s2 =	simm.s32 @!p0 $0x1C04  }
0x83: {  	[timem:s3], [sflag:s2] =	dma.local @!p0 [hbm:s0], s1  }
0x84: {  	s0 =	simm.s32 @!p0 $0x4  }
0x85: {  	_ =	swait.ge @!p0 [sflag:s0], s1  }
0x86: {  	s1 =	ssub.s32 @!p0 $0x0, s1;
	[sflag:s0] =	ssyncset.done @!p0 $0x0  }
0x87: {  	[sflag:s0] =	ssyncadd.s32 @!p0 s1  }
0x88: {  	[bflag:$0x3] =	sbarrier.arrive $0xFFFF  }
0x89: {  	_ =	shalt  }

</sc_bundles>
